<compile_context>
chip_gen: v7x
topology: tpu7x:2x2x1
jax: 0.10.2.dev20260603
libtpu: 0.0.44.dev20260713+nightly
codegen_flags: <defaults>
</compile_context>

<pallas_src>
import math

import jax
import jax.numpy as jnp
from jax import lax
from jax.experimental import pallas as pl
from jax.experimental.pallas import tpu as pltpu
from jax.experimental.pallas import tpu_sc as plsc

_L = 16
_W = 8
_RS = 33


def _pack_tables(emb_tables):
    nt, bucket, d = emb_tables.shape
    e = (emb_tables * math.sqrt(d)).astype(jnp.bfloat16)
    lo = lax.bitcast_convert_type(e[..., 0::2], jnp.uint16).astype(jnp.uint32)
    hi = lax.bitcast_convert_type(e[..., 1::2], jnp.uint16).astype(jnp.uint32)
    packed = (lo | (hi << jnp.uint32(16))).astype(jnp.uint32)
    packed = jnp.pad(packed, ((0, 0), (0, 0), (0, _RS - d // 2)))
    return lax.bitcast_convert_type(packed, jnp.int32).reshape(nt * bucket * _RS)


def kernel(x, all_indices, emb_tables, importance):
    b, t = x.shape
    nt, bucket, d = emb_tables.shape
    vocab = all_indices.shape[0]
    n = b * t
    d2 = d // 2
    vwin = vocab // _W
    x_flat = jnp.maximum(x.reshape(n).astype(jnp.int32), jnp.int32(-2147483647))
    packed_tab = _pack_tables(emb_tables)
    ai_win = all_indices.T.reshape(nt * vwin, _W)
    imp_win = importance.T.reshape(nt * vwin, _W)

    mesh = plsc.VectorSubcoreMesh(
        core_axis_name="c", subcore_axis_name="s", num_cores=2, num_subcores=16
    )
    nw = mesh.num_cores * mesh.num_subcores
    npw = n // nw
    chunk = 80
    ngrp = chunk // _L
    nchunk = npw // chunk
    assert nchunk % 2 == 0
    ostride = d + 1

    @pl.kernel(
        out_type=jax.ShapeDtypeStruct((n * d,), jnp.float32),
        mesh=mesh,
        scratch_types=[
            pltpu.VMEM((nt * bucket * _RS,), jnp.int32),
            pltpu.VMEM((npw,), jnp.int32),
            pltpu.VMEM((nt * chunk,), jnp.int32),
            pltpu.VMEM((nt * chunk,), jnp.int32),
            pltpu.VMEM((nt * chunk, _W), jnp.int32),
            pltpu.VMEM((nt * chunk, _W), jnp.int32),
            pltpu.VMEM((nt * chunk, _W), jnp.float32),
            pltpu.VMEM((nt * chunk, _W), jnp.float32),
            pltpu.VMEM((chunk * (d + 1),), jnp.float32),
            pltpu.VMEM((chunk * d,), jnp.float32),
            pltpu.SemaphoreType.DMA,
            pltpu.SemaphoreType.DMA,
            pltpu.SemaphoreType.DMA,
        ],
        compiler_params=pltpu.CompilerParams(
            needs_layout_passes=False, use_tc_tiling_on_sc=False
        ),
    )
    def run(tab_hbm, x_hbm, ai_hbm, imp_hbm, out_hbm,
            tab_v, x_v, widx0, widx1, aiw0, aiw1, impw0, impw1, stage_v, out_v,
            semg0, semg1, semo):
        cid = lax.axis_index("c")
        sid = lax.axis_index("s")
        wid = sid * mesh.num_cores + cid
        tok0 = wid * npw
        pltpu.sync_copy(tab_hbm, tab_v)
        pltpu.sync_copy(x_hbm.at[pl.ds(tok0, npw)], x_v)

        def fire(g, widx_v, aiw_v, impw_v, sem):
            def windex_body(gi, carry):
                xg = x_v[pl.ds(g * chunk + gi * _L, _L)]
                wb = xg >> 3
                for i in range(nt):
                    widx_v[pl.ds(i * chunk + gi * _L, _L)] = wb + i * vwin
                return carry

            lax.fori_loop(0, ngrp, windex_body, 0)
            pltpu.async_copy(ai_hbm.at[widx_v], aiw_v, sem)
            pltpu.async_copy(imp_hbm.at[widx_v], impw_v, sem)

        def wait_gathers(aiw_v, impw_v, sem):
            pltpu.make_async_copy(ai_hbm.at[pl.ds(0, nt * chunk)], aiw_v, sem).wait()
            pltpu.make_async_copy(imp_hbm.at[pl.ds(0, nt * chunk)], impw_v, sem).wait()

        def wait_out():
            pltpu.make_async_copy(
                out_v, out_hbm.at[pl.ds(tok0 * d, chunk * d)], semo
            ).wait()

        def compute(g, aiw_v, impw_v):
            def group_body(gi, carry):
                tok = lax.iota(jnp.int32, _L) + gi * _L
                xg = x_v[pl.ds(g * chunk + gi * _L, _L)]
                off = xg & 7
                idxs = []
                wbs = []
                for i in range(nt):
                    row = tok + i * chunk
                    idx = plsc.load_gather(aiw_v, [row, off])
                    wgt = plsc.load_gather(impw_v, [row, off])
                    idxs.append(idx)
                    wbs.append(plsc.pack(wgt, wgt, format=plsc.PackFormat.INTERLEAVED))
                rowb = [idxs[i] * _RS + i * bucket * _RS for i in range(nt)]
                toks = tok * ostride
                for w in range(d2):
                    acc = None
                    for i in range(nt):
                        g16 = plsc.load_gather(tab_v, [rowb[i] + w])
                        bf = plsc.bitcast(g16, jnp.bfloat16)
                        term = bf * wbs[i]
                        acc = term if acc is None else acc + term
                    a, bb = plsc.unpack(acc, format=plsc.PackFormat.INTERLEAVED)
                    plsc.store_scatter(stage_v, [toks + (2 * w)], a)
                    plsc.store_scatter(stage_v, [toks + (2 * w + 1)], bb)
                return carry

            lax.fori_loop(0, ngrp, group_body, 0)

            def repack_body(ti, carry):
                for k in range(d // _L):
                    out_v[pl.ds(ti * d + k * _L, _L)] = (
                        stage_v[pl.ds(ti * ostride + k * _L, _L)]
                    )
                return carry

            lax.fori_loop(0, chunk, repack_body, 0)
            pltpu.async_copy(
                out_v, out_hbm.at[pl.ds((tok0 + g * chunk) * d, chunk * d)], semo
            )

        fire(0, widx0, aiw0, impw0, semg0)

        def pair_body(k, carry):
            g0 = 2 * k
            fire(g0 + 1, widx1, aiw1, impw1, semg1)
            wait_gathers(aiw0, impw0, semg0)

            @pl.when(k > 0)
            def _():
                wait_out()

            compute(g0, aiw0, impw0)

            @pl.when(g0 + 2 < nchunk)
            def _():
                fire(g0 + 2, widx0, aiw0, impw0, semg0)

            wait_gathers(aiw1, impw1, semg1)
            wait_out()
            compute(g0 + 1, aiw1, impw1)
            return carry

        lax.fori_loop(0, nchunk // 2, pair_body, 0)
        wait_out()

    out = run(packed_tab, x_flat, ai_win, imp_win)
    return out.reshape(b, t, d)

# --- scband reference (transcript-rebuilt; emitter-appended) ---
"""Pipeline reference for scband-hash-embedding-6640019440340 (READ-ONLY COPY).

The authoritative reference and input builder live on the scoring server;
editing this copy changes nothing except your own understanding.
"""

import jax, jax.numpy as jnp
import numpy as np
import math

VOCAB = 1000000
N_EMBD = 64
BUCKET = 1021
NUM_TABLES = 3
PRIME = 1000000007
B, T = 1024, 200


def _build_all_indices():
    rng = np.random.RandomState(42)
    hash_a = rng.randint(1, 100000, size=(NUM_TABLES, 1)).astype(np.int64)
    hash_b = rng.randint(0, 100000, size=(NUM_TABLES, 1)).astype(np.int64)
    all_ids = np.arange(VOCAB, dtype=np.int64)
    idx = (all_ids[None, :] * hash_a + hash_b) % PRIME % BUCKET  # [num_tables, vocab]
    return jnp.asarray(idx.T.astype(np.int32))  # [vocab, num_tables]


def setup_inputs(seed: int = 0) -> dict:
    key = jax.random.key(seed)
    k1, k2, k3 = jax.random.split(key, 3)
    x = jax.random.randint(k1, (B, T), 0, VOCAB)
    all_indices = _build_all_indices()
    emb_tables = jax.random.normal(k2, (NUM_TABLES, BUCKET, N_EMBD), dtype=jnp.float32) * (0.02 / math.sqrt(NUM_TABLES))
    importance = 1.0 + 0.01 * jax.random.normal(k3, (VOCAB, NUM_TABLES), dtype=jnp.float32)
    return {"x": x, "all_indices": all_indices, "emb_tables": emb_tables, "importance": importance}


def reference(x, all_indices, emb_tables, importance):
    # indices = F.embedding(x, all_indices) -> gather rows of precomputed hash indices
    idx = jnp.take(all_indices, x, axis=0)  # [B, T, num_tables]
    vecs = []
    for i in range(NUM_TABLES):
        vecs.append(jnp.take(emb_tables[i], idx[:, :, i], axis=0))  # [B, T, n_embd]
    vectors = jnp.stack(vecs, axis=2)  # [B, T, num_tables, n_embd]
    weights = jnp.take(importance, x, axis=0)  # [B, T, num_tables]
    x_emb = jnp.sum(vectors * weights[..., None], axis=2)  # [B, T, n_embd]
    return x_emb * math.sqrt(N_EMBD)

if __name__ == "__main__":
    import jax
    _d = setup_inputs()
    print(jax.jit(kernel)(*tuple(_d.values())))

</pallas_src>

<mosaic_0001>
#map = affine_map<(d0, d1) -> (0)>
#map1 = affine_map<(d0, d1) -> (0, 0)>
module attributes {stable_mosaic.version = 14 : i64} {
  func.func @run(%arg0: i32, %arg1: i32, %arg2: memref<101079xi32, #tpu.memory_space<hbm>>, %arg3: memref<204800xi32, #tpu.memory_space<hbm>>, %arg4: memref<375000x8xi32, #tpu.memory_space<hbm>>, %arg5: memref<375000x8xf32, #tpu.memory_space<hbm>>, %arg6: memref<13107200xf32, #tpu.memory_space<hbm>>, %arg7: memref<101079xi32, #tpu.memory_space<vmem>>, %arg8: memref<6400xi32, #tpu.memory_space<vmem>>, %arg9: memref<240xi32, #tpu.memory_space<vmem>>, %arg10: memref<240xi32, #tpu.memory_space<vmem>>, %arg11: memref<240x8xi32, #tpu.memory_space<vmem>>, %arg12: memref<240x8xi32, #tpu.memory_space<vmem>>, %arg13: memref<240x8xf32, #tpu.memory_space<vmem>>, %arg14: memref<240x8xf32, #tpu.memory_space<vmem>>, %arg15: memref<5200xf32, #tpu.memory_space<vmem>>, %arg16: memref<5120xf32, #tpu.memory_space<vmem>>, %arg17: memref<!tpu.dma_semaphore, #tpu.memory_space<semaphore_mem>>, %arg18: memref<!tpu.dma_semaphore, #tpu.memory_space<semaphore_mem>>, %arg19: memref<!tpu.dma_semaphore, #tpu.memory_space<semaphore_mem>>) attributes {dimension_semantics = [#tpu.dimension_semantics<core_parallel>, #tpu.dimension_semantics<subcore_parallel>], iteration_bounds = array<i64: 2, 16>, scalar_prefetch = 0 : i64, scratch_operands = 13 : i64, tpu.core_type = #tpu.core_type<sc_vector_subcore>, window_params = [{transform_indices = #map}, {transform_indices = #map}, {transform_indices = #map1}, {transform_indices = #map1}, {transform_indices = #map}]} {
    %mul3A = arith.constant 2 : i32
    %mul3A_0 = arith.muli %arg1, %mul3A : i32
    %add3A = arith.addi %mul3A_0, %arg0 : i32
    %mul3A_1 = arith.constant 6400 : i32
    %mul3A_2 = arith.muli %add3A, %mul3A_1 : i32
    "tpu.region"() ({
      %run_scoped3A = tpu.sem_alloc : memref<!tpu.dma_semaphore, #tpu.memory_space<semaphore_mem>>
      tpu.enqueue_dma source(%arg2 : memref<101079xi32, #tpu.memory_space<hbm>>) target(%arg7 : memref<101079xi32, #tpu.memory_space<vmem>>) target_semaphore(%run_scoped3A : memref<!tpu.dma_semaphore, #tpu.memory_space<semaphore_mem>>)
      tpu.wait_dma2 semaphore(%run_scoped3A : memref<!tpu.dma_semaphore, #tpu.memory_space<semaphore_mem>>) src(%arg2 : memref<101079xi32, #tpu.memory_space<hbm>>) dst(%arg7 : memref<101079xi32, #tpu.memory_space<vmem>>)
      tpu.yield
    }) : () -> ()
    "tpu.region"() ({
      %run_scoped3A = tpu.sem_alloc : memref<!tpu.dma_semaphore, #tpu.memory_space<semaphore_mem>>
      %dma_start3A_22 = tpu.memref_slice %arg3[%mul3A_2] : memref<204800xi32, #tpu.memory_space<hbm>> -> memref<6400xi32, #tpu.memory_space<hbm>>
      %dma_start3A_23 = tpu.memref_slice %arg3[%mul3A_2] : memref<204800xi32, #tpu.memory_space<hbm>> -> memref<6400xi32, #tpu.memory_space<hbm>>
      tpu.enqueue_dma source(%dma_start3A_23 : memref<6400xi32, #tpu.memory_space<hbm>>) target(%arg8 : memref<6400xi32, #tpu.memory_space<vmem>>) target_semaphore(%run_scoped3A : memref<!tpu.dma_semaphore, #tpu.memory_space<semaphore_mem>>)
      %dma_wait3A_24 = tpu.memref_slice %arg3[%mul3A_2] : memref<204800xi32, #tpu.memory_space<hbm>> -> memref<6400xi32, #tpu.memory_space<hbm>>
      %dma_wait3A_25 = tpu.memref_slice %arg3[%mul3A_2] : memref<204800xi32, #tpu.memory_space<hbm>> -> memref<6400xi32, #tpu.memory_space<hbm>>
      tpu.wait_dma2 semaphore(%run_scoped3A : memref<!tpu.dma_semaphore, #tpu.memory_space<semaphore_mem>>) src(%dma_wait3A_25 : memref<6400xi32, #tpu.memory_space<hbm>>) dst(%arg8 : memref<6400xi32, #tpu.memory_space<vmem>>)
      tpu.yield
    }) : () -> ()
    %scan3A = arith.constant 0 : i32
    %scan3A_3 = arith.constant 0 : i32
    %scan3A_4 = arith.constant 5 : i32
    %scan3A_5 = arith.addi %scan3A_3, %scan3A_4 : i32
    %scan3A_6 = arith.constant 1 : i32
    scf.for %scan3A_22 = %scan3A_3 to %scan3A_5 step %scan3A_6  : i32 {
      %mul3A_23 = arith.constant 16 : i32
      %mul3A_24 = arith.muli %scan3A_22, %mul3A_23 : i32
      %add3A_25 = arith.constant 0 : i32
      %add3A_26 = arith.addi %add3A_25, %mul3A_24 : i32
      %get3A = arith.index_cast %add3A_26 : i32 to index
      %get3A_27 = tpu.vector_load %arg8[%get3A] {strides = array<i32>} : memref<6400xi32, #tpu.memory_space<vmem>>, vector<16xi32>,
      %shift_right_arithmetic3A = arith.constant 3 : i32
      %shift_right_arithmetic3A_28 = vector.broadcast %shift_right_arithmetic3A : i32 to vector<16xi32>
      %shift_right_arithmetic3A_29 = arith.shrsi %get3A_27, %shift_right_arithmetic3A_28 : vector<16xi32>
      %add3A_30 = arith.constant 0 : i32
      %add3A_31 = vector.broadcast %add3A_30 : i32 to vector<16xi32>
      %add3A_32 = arith.addi %shift_right_arithmetic3A_29, %add3A_31 : vector<16xi32>
      %mul3A_33 = arith.constant 16 : i32
      %mul3A_34 = arith.muli %scan3A_22, %mul3A_33 : i32
      %add3A_35 = arith.constant 0 : i32
      %add3A_36 = arith.addi %add3A_35, %mul3A_34 : i32
      %swap3A = arith.index_cast %add3A_36 : i32 to index
      %swap3A_37 = tpu.vector_load %arg9[%swap3A] {strides = array<i32>} : memref<240xi32, #tpu.memory_space<vmem>>, vector<16xi32>,
      tpu.vector_store %arg9[%swap3A], %add3A_32 {strides = array<i32>} : memref<240xi32, #tpu.memory_space<vmem>>, vector<16xi32>,
      %add3A_38 = arith.constant 125000 : i32
      %add3A_39 = vector.broadcast %add3A_38 : i32 to vector<16xi32>
      %add3A_40 = arith.addi %shift_right_arithmetic3A_29, %add3A_39 : vector<16xi32>
      %mul3A_41 = arith.constant 16 : i32
      %mul3A_42 = arith.muli %scan3A_22, %mul3A_41 : i32
      %add3A_43 = arith.constant 80 : i32
      %add3A_44 = arith.addi %add3A_43, %mul3A_42 : i32
      %swap3A_45 = arith.index_cast %add3A_44 : i32 to index
      %swap3A_46 = tpu.vector_load %arg9[%swap3A_45] {strides = array<i32>} : memref<240xi32, #tpu.memory_space<vmem>>, vector<16xi32>,
      tpu.vector_store %arg9[%swap3A_45], %add3A_40 {strides = array<i32>} : memref<240xi32, #tpu.memory_space<vmem>>, vector<16xi32>,
      %add3A_47 = arith.constant 250000 : i32
      %add3A_48 = vector.broadcast %add3A_47 : i32 to vector<16xi32>
      %add3A_49 = arith.addi %shift_right_arithmetic3A_29, %add3A_48 : vector<16xi32>
      %mul3A_50 = arith.constant 16 : i32
      %mul3A_51 = arith.muli %scan3A_22, %mul3A_50 : i32
      %add3A_52 = arith.constant 160 : i32
      %add3A_53 = arith.addi %add3A_52, %mul3A_51 : i32
      %swap3A_54 = arith.index_cast %add3A_53 : i32 to index
      %swap3A_55 = tpu.vector_load %arg9[%swap3A_54] {strides = array<i32>} : memref<240xi32, #tpu.memory_space<vmem>>, vector<16xi32>,
      tpu.vector_store %arg9[%swap3A_54], %add3A_49 {strides = array<i32>} : memref<240xi32, #tpu.memory_space<vmem>>, vector<16xi32>,
    }
    %scan3A_7 = arith.constant 5 : i32
    %dma_start3A = arith.constant 0 : i32
    %dma_start3A_8 = arith.constant 0 : i32
    %dma_start3A_9 = tpu.memref_slice %arg4[%dma_start3A, %dma_start3A_8] : memref<375000x8xi32, #tpu.memory_space<hbm>> -> memref<375000x8xi32, #tpu.memory_space<hbm>>
    tpu.enqueue_indirect_dma source(%dma_start3A_9 : memref<375000x8xi32, #tpu.memory_space<hbm>>) target(%arg11 : memref<240x8xi32, #tpu.memory_space<vmem>>) offsets(%arg9 : memref<240xi32, #tpu.memory_space<vmem>>) semaphore(%arg17 : memref<!tpu.dma_semaphore, #tpu.memory_space<semaphore_mem>>)
    %dma_start3A_10 = arith.constant 0 : i32
    %dma_start3A_11 = arith.constant 0 : i32
    %dma_start3A_12 = tpu.memref_slice %arg5[%dma_start3A_10, %dma_start3A_11] : memref<375000x8xf32, #tpu.memory_space<hbm>> -> memref<375000x8xf32, #tpu.memory_space<hbm>>
    tpu.enqueue_indirect_dma source(%dma_start3A_12 : memref<375000x8xf32, #tpu.memory_space<hbm>>) target(%arg13 : memref<240x8xf32, #tpu.memory_space<vmem>>) offsets(%arg9 : memref<240xi32, #tpu.memory_space<vmem>>) semaphore(%arg17 : memref<!tpu.dma_semaphore, #tpu.memory_space<semaphore_mem>>)
    %scan3A_13 = arith.constant 0 : i32
    %scan3A_14 = arith.constant 0 : i32
    %scan3A_15 = arith.constant 40 : i32
    %scan3A_16 = arith.addi %scan3A_14, %scan3A_15 : i32
    %scan3A_17 = arith.constant 1 : i32
    scf.for %scan3A_22 = %scan3A_14 to %scan3A_16 step %scan3A_17  : i32 {
      %mul3A_23 = arith.constant 2 : i32
      %mul3A_24 = arith.muli %mul3A_23, %scan3A_22 : i32
      %add3A_25 = arith.constant 1 : i32
      %add3A_26 = arith.addi %mul3A_24, %add3A_25 : i32
      %scan3A_27 = arith.constant 0 : i32
      %scan3A_28 = arith.constant 0 : i32
      %scan3A_29 = arith.constant 5 : i32
      %scan3A_30 = arith.addi %scan3A_28, %scan3A_29 : i32
      %scan3A_31 = arith.constant 1 : i32
      scf.for %scan3A_115 = %scan3A_28 to %scan3A_30 step %scan3A_31  : i32 {
        %mul3A_116 = arith.constant 80 : i32
        %mul3A_117 = arith.muli %add3A_26, %mul3A_116 : i32
        %mul3A_118 = arith.constant 16 : i32
        %mul3A_119 = arith.muli %scan3A_115, %mul3A_118 : i32
        %add3A_120 = arith.addi %mul3A_117, %mul3A_119 : i32
        %get3A = arith.index_cast %add3A_120 : i32 to index
        %get3A_121 = tpu.vector_load %arg8[%get3A] {strides = array<i32>} : memref<6400xi32, #tpu.memory_space<vmem>>, vector<16xi32>,
        %shift_right_arithmetic3A = arith.constant 3 : i32
        %shift_right_arithmetic3A_122 = vector.broadcast %shift_right_arithmetic3A : i32 to vector<16xi32>
        %shift_right_arithmetic3A_123 = arith.shrsi %get3A_121, %shift_right_arithmetic3A_122 : vector<16xi32>
        %add3A_124 = arith.constant 0 : i32
        %add3A_125 = vector.broadcast %add3A_124 : i32 to vector<16xi32>
        %add3A_126 = arith.addi %shift_right_arithmetic3A_123, %add3A_125 : vector<16xi32>
        %mul3A_127 = arith.constant 16 : i32
        %mul3A_128 = arith.muli %scan3A_115, %mul3A_127 : i32
        %add3A_129 = arith.constant 0 : i32
        %add3A_130 = arith.addi %add3A_129, %mul3A_128 : i32
        %swap3A = arith.index_cast %add3A_130 : i32 to index
        %swap3A_131 = tpu.vector_load %arg10[%swap3A] {strides = array<i32>} : memref<240xi32, #tpu.memory_space<vmem>>, vector<16xi32>,
        tpu.vector_store %arg10[%swap3A], %add3A_126 {strides = array<i32>} : memref<240xi32, #tpu.memory_space<vmem>>, vector<16xi32>,
        %add3A_132 = arith.constant 125000 : i32
        %add3A_133 = vector.broadcast %add3A_132 : i32 to vector<16xi32>
        %add3A_134 = arith.addi %shift_right_arithmetic3A_123, %add3A_133 : vector<16xi32>
        %mul3A_135 = arith.constant 16 : i32
        %mul3A_136 = arith.muli %scan3A_115, %mul3A_135 : i32
        %add3A_137 = arith.constant 80 : i32
        %add3A_138 = arith.addi %add3A_137, %mul3A_136 : i32
        %swap3A_139 = arith.index_cast %add3A_138 : i32 to index
        %swap3A_140 = tpu.vector_load %arg10[%swap3A_139] {strides = array<i32>} : memref<240xi32, #tpu.memory_space<vmem>>, vector<16xi32>,
        tpu.vector_store %arg10[%swap3A_139], %add3A_134 {strides = array<i32>} : memref<240xi32, #tpu.memory_space<vmem>>, vector<16xi32>,
        %add3A_141 = arith.constant 250000 : i32
        %add3A_142 = vector.broadcast %add3A_141 : i32 to vector<16xi32>
        %add3A_143 = arith.addi %shift_right_arithmetic3A_123, %add3A_142 : vector<16xi32>
        %mul3A_144 = arith.constant 16 : i32
        %mul3A_145 = arith.muli %scan3A_115, %mul3A_144 : i32
        %add3A_146 = arith.constant 160 : i32
        %add3A_147 = arith.addi %add3A_146, %mul3A_145 : i32
        %swap3A_148 = arith.index_cast %add3A_147 : i32 to index
        %swap3A_149 = tpu.vector_load %arg10[%swap3A_148] {strides = array<i32>} : memref<240xi32, #tpu.memory_space<vmem>>, vector<16xi32>,
        tpu.vector_store %arg10[%swap3A_148], %add3A_143 {strides = array<i32>} : memref<240xi32, #tpu.memory_space<vmem>>, vector<16xi32>,
      }
      %scan3A_32 = arith.constant 5 : i32
      %dma_start3A_33 = arith.constant 0 : i32
      %dma_start3A_34 = arith.constant 0 : i32
      %dma_start3A_35 = tpu.memref_slice %arg4[%dma_start3A_33, %dma_start3A_34] : memref<375000x8xi32, #tpu.memory_space<hbm>> -> memref<375000x8xi32, #tpu.memory_space<hbm>>
      tpu.enqueue_indirect_dma source(%dma_start3A_35 : memref<375000x8xi32, #tpu.memory_space<hbm>>) target(%arg12 : memref<240x8xi32, #tpu.memory_space<vmem>>) offsets(%arg10 : memref<240xi32, #tpu.memory_space<vmem>>) semaphore(%arg18 : memref<!tpu.dma_semaphore, #tpu.memory_space<semaphore_mem>>)
      %dma_start3A_36 = arith.constant 0 : i32
      %dma_start3A_37 = arith.constant 0 : i32
      %dma_start3A_38 = tpu.memref_slice %arg5[%dma_start3A_36, %dma_start3A_37] : memref<375000x8xf32, #tpu.memory_space<hbm>> -> memref<375000x8xf32, #tpu.memory_space<hbm>>
      tpu.enqueue_indirect_dma source(%dma_start3A_38 : memref<375000x8xf32, #tpu.memory_space<hbm>>) target(%arg14 : memref<240x8xf32, #tpu.memory_space<vmem>>) offsets(%arg10 : memref<240xi32, #tpu.memory_space<vmem>>) semaphore(%arg18 : memref<!tpu.dma_semaphore, #tpu.memory_space<semaphore_mem>>)
      %dma_wait3A_39 = arith.constant 0 : i32
      %dma_wait3A_40 = arith.constant 0 : i32
      %dma_wait3A_41 = tpu.memref_slice %arg4[%dma_wait3A_39, %dma_wait3A_40] : memref<375000x8xi32, #tpu.memory_space<hbm>> -> memref<240x8xi32, #tpu.memory_space<hbm>>
      %dma_wait3A_42 = arith.constant 0 : i32
      %dma_wait3A_43 = arith.constant 0 : i32
      %dma_wait3A_44 = tpu.memref_slice %arg4[%dma_wait3A_42, %dma_wait3A_43] : memref<375000x8xi32, #tpu.memory_space<hbm>> -> memref<240x8xi32, #tpu.memory_space<hbm>>
      tpu.wait_dma2 semaphore(%arg17 : memref<!tpu.dma_semaphore, #tpu.memory_space<semaphore_mem>>) src(%dma_wait3A_44 : memref<240x8xi32, #tpu.memory_space<hbm>>) dst(%arg11 : memref<240x8xi32, #tpu.memory_space<vmem>>)
      %dma_wait3A_45 = arith.constant 0 : i32
      %dma_wait3A_46 = arith.constant 0 : i32
      %dma_wait3A_47 = tpu.memref_slice %arg5[%dma_wait3A_45, %dma_wait3A_46] : memref<375000x8xf32, #tpu.memory_space<hbm>> -> memref<240x8xf32, #tpu.memory_space<hbm>>
      %dma_wait3A_48 = arith.constant 0 : i32
      %dma_wait3A_49 = arith.constant 0 : i32
      %dma_wait3A_50 = tpu.memref_slice %arg5[%dma_wait3A_48, %dma_wait3A_49] : memref<375000x8xf32, #tpu.memory_space<hbm>> -> memref<240x8xf32, #tpu.memory_space<hbm>>
      tpu.wait_dma2 semaphore(%arg17 : memref<!tpu.dma_semaphore, #tpu.memory_space<semaphore_mem>>) src(%dma_wait3A_50 : memref<240x8xf32, #tpu.memory_space<hbm>>) dst(%arg13 : memref<240x8xf32, #tpu.memory_space<vmem>>)
      %gt3A = arith.constant 0 : i32
      %gt3A_51 = arith.cmpi sgt, %scan3A_22, %gt3A : i32
      %convert_element_type3A = arith.extui %gt3A_51 : i1 to i32
      %cond3A = arith.constant 0 : i32
      %cond3A_52 = arith.cmpi ne, %convert_element_type3A, %cond3A : i32
      scf.if %cond3A_52 {
        %mul3A_115 = arith.constant 64 : i32
        %mul3A_116 = arith.muli %mul3A_2, %mul3A_115 : i32
        %dma_wait3A_117 = tpu.memref_slice %arg6[%mul3A_116] : memref<13107200xf32, #tpu.memory_space<hbm>> -> memref<5120xf32, #tpu.memory_space<hbm>>
        %dma_wait3A_118 = tpu.memref_slice %arg6[%mul3A_116] : memref<13107200xf32, #tpu.memory_space<hbm>> -> memref<5120xf32, #tpu.memory_space<hbm>>
        tpu.wait_dma2 semaphore(%arg19 : memref<!tpu.dma_semaphore, #tpu.memory_space<semaphore_mem>>) src(%arg16 : memref<5120xf32, #tpu.memory_space<vmem>>) dst(%dma_wait3A_118 : memref<5120xf32, #tpu.memory_space<hbm>>)
      } else {
      }
      %scan3A_53 = arith.constant 0 : i32
      %scan3A_54 = arith.constant 0 : i32
      %scan3A_55 = arith.constant 5 : i32
      %scan3A_56 = arith.addi %scan3A_54, %scan3A_55 : i32
      %scan3A_57 = arith.constant 1 : i32
      scf.for %scan3A_115 = %scan3A_54 to %scan3A_56 step %scan3A_57  : i32 {
        %iota3A = tpu.iota {dimensions = array<i32: 0>} : vector<16xi32>
        %mul3A_116 = arith.constant 16 : i32
        %mul3A_117 = arith.muli %scan3A_115, %mul3A_116 : i32
        %add3A_118 = vector.broadcast %mul3A_117 : i32 to vector<16xi32>
        %add3A_119 = arith.addi %iota3A, %add3A_118 : vector<16xi32>
        %mul3A_120 = arith.constant 80 : i32
        %mul3A_121 = arith.muli %mul3A_24, %mul3A_120 : i32
        %mul3A_122 = arith.constant 16 : i32
        %mul3A_123 = arith.muli %scan3A_115, %mul3A_122 : i32
        %add3A_124 = arith.addi %mul3A_121, %mul3A_123 : i32
        %get3A = arith.index_cast %add3A_124 : i32 to index
        %get3A_125 = tpu.vector_load %arg8[%get3A] {strides = array<i32>} : memref<6400xi32, #tpu.memory_space<vmem>>, vector<16xi32>,
        %and3A = arith.constant 7 : i32
        %and3A_126 = vector.broadcast %and3A : i32 to vector<16xi32>
        %and3A_127 = arith.andi %get3A_125, %and3A_126 : vector<16xi32>
        %add3A_128 = arith.constant 0 : i32
        %add3A_129 = vector.broadcast %add3A_128 : i32 to vector<16xi32>
        %add3A_130 = arith.addi %add3A_119, %add3A_129 : vector<16xi32>
        %gather3A = tpu.vector_load_idx %arg11[%add3A_130, %and3A_127] : memref<240x8xi32, #tpu.memory_space<vmem>>[vector<16xi32>, vector<16xi32>], vector<16xi32>,
        %gather3A_131 = tpu.vector_load_idx %arg13[%add3A_130, %and3A_127] : memref<240x8xf32, #tpu.memory_space<vmem>>[vector<16xi32>, vector<16xi32>], vector<16xf32>,
        %pack3A = tpu.pack_subelements %gather3A_131, %gather3A_131 {pack_format = #tpu.pack_format<interleaved>, positions = array<i32: 0, 1>} : vector<16xf32>, vector<16xf32> -> vector<32xbf16>
        %add3A_132 = arith.constant 80 : i32
        %add3A_133 = vector.broadcast %add3A_132 : i32 to vector<16xi32>
        %add3A_134 = arith.addi %add3A_119, %add3A_133 : vector<16xi32>
        %gather3A_135 = tpu.vector_load_idx %arg11[%add3A_134, %and3A_127] : memref<240x8xi32, #tpu.memory_space<vmem>>[vector<16xi32>, vector<16xi32>], vector<16xi32>,
        %gather3A_136 = tpu.vector_load_idx %arg13[%add3A_134, %and3A_127] : memref<240x8xf32, #tpu.memory_space<vmem>>[vector<16xi32>, vector<16xi32>], vector<16xf32>,
        %pack3A_137 = tpu.pack_subelements %gather3A_136, %gather3A_136 {pack_format = #tpu.pack_format<interleaved>, positions = array<i32: 0, 1>} : vector<16xf32>, vector<16xf32> -> vector<32xbf16>
        %add3A_138 = arith.constant 160 : i32
        %add3A_139 = vector.broadcast %add3A_138 : i32 to vector<16xi32>
        %add3A_140 = arith.addi %add3A_119, %add3A_139 : vector<16xi32>
        %gather3A_141 = tpu.vector_load_idx %arg11[%add3A_140, %and3A_127] : memref<240x8xi32, #tpu.memory_space<vmem>>[vector<16xi32>, vector<16xi32>], vector<16xi32>,
        %gather3A_142 = tpu.vector_load_idx %arg13[%add3A_140, %and3A_127] : memref<240x8xf32, #tpu.memory_space<vmem>>[vector<16xi32>, vector<16xi32>], vector<16xf32>,
        %pack3A_143 = tpu.pack_subelements %gather3A_142, %gather3A_142 {pack_format = #tpu.pack_format<interleaved>, positions = array<i32: 0, 1>} : vector<16xf32>, vector<16xf32> -> vector<32xbf16>
        %mul3A_144 = arith.constant 33 : i32
        %mul3A_145 = vector.broadcast %mul3A_144 : i32 to vector<16xi32>
        %mul3A_146 = arith.muli %gather3A, %mul3A_145 : vector<16xi32>
        %add3A_147 = arith.constant 0 : i32
        %add3A_148 = vector.broadcast %add3A_147 : i32 to vector<16xi32>
        %add3A_149 = arith.addi %mul3A_146, %add3A_148 : vector<16xi32>
        %mul3A_150 = arith.constant 33 : i32
        %mul3A_151 = vector.broadcast %mul3A_150 : i32 to vector<16xi32>
        %mul3A_152 = arith.muli %gather3A_135, %mul3A_151 : vector<16xi32>
        %add3A_153 = arith.constant 33693 : i32
        %add3A_154 = vector.broadcast %add3A_153 : i32 to vector<16xi32>
        %add3A_155 = arith.addi %mul3A_152, %add3A_154 : vector<16xi32>
        %mul3A_156 = arith.constant 33 : i32
        %mul3A_157 = vector.broadcast %mul3A_156 : i32 to vector<16xi32>
        %mul3A_158 = arith.muli %gather3A_141, %mul3A_157 : vector<16xi32>
        %add3A_159 = arith.constant 67386 : i32
        %add3A_160 = vector.broadcast %add3A_159 : i32 to vector<16xi32>
        %add3A_161 = arith.addi %mul3A_158, %add3A_160 : vector<16xi32>
        %mul3A_162 = arith.constant 65 : i32
        %mul3A_163 = vector.broadcast %mul3A_162 : i32 to vector<16xi32>
        %mul3A_164 = arith.muli %add3A_119, %mul3A_163 : vector<16xi32>
        %add3A_165 = arith.constant 0 : i32
        %add3A_166 = vector.broadcast %add3A_165 : i32 to vector<16xi32>
        %add3A_167 = arith.addi %add3A_149, %add3A_166 : vector<16xi32>
        %gather3A_168 = tpu.vector_load_idx %arg7[%add3A_167] : memref<101079xi32, #tpu.memory_space<vmem>>[vector<16xi32>], vector<16xi32>,
        %bitcast3A = vector.bitcast %gather3A_168 : vector<16xi32> to vector<32xbf16>
        %mul3A_169 = arith.mulf %bitcast3A, %pack3A : vector<32xbf16>
        %add3A_170 = arith.constant 0 : i32
        %add3A_171 = vector.broadcast %add3A_170 : i32 to vector<16xi32>
        %add3A_172 = arith.addi %add3A_155, %add3A_171 : vector<16xi32>
        %gather3A_173 = tpu.vector_load_idx %arg7[%add3A_172] : memref<101079xi32, #tpu.memory_space<vmem>>[vector<16xi32>], vector<16xi32>,
        %bitcast3A_174 = vector.bitcast %gather3A_173 : vector<16xi32> to vector<32xbf16>
        %mul3A_175 = arith.mulf %bitcast3A_174, %pack3A_137 : vector<32xbf16>
        %add3A_176 = arith.addf %mul3A_169, %mul3A_175 : vector<32xbf16>
        %add3A_177 = arith.constant 0 : i32
        %add3A_178 = vector.broadcast %add3A_177 : i32 to vector<16xi32>
        %add3A_179 = arith.addi %add3A_161, %add3A_178 : vector<16xi32>
        %gather3A_180 = tpu.vector_load_idx %arg7[%add3A_179] : memref<101079xi32, #tpu.memory_space<vmem>>[vector<16xi32>], vector<16xi32>,
        %bitcast3A_181 = vector.bitcast %gather3A_180 : vector<16xi32> to vector<32xbf16>
        %mul3A_182 = arith.mulf %bitcast3A_181, %pack3A_143 : vector<32xbf16>
        %add3A_183 = arith.addf %add3A_176, %mul3A_182 : vector<32xbf16>
        %unpack3A = tpu.unpack_subelements %add3A_183, 0 {pack_format = #tpu.pack_format<interleaved>} : vector<32xbf16> -> vector<16xf32>
        %unpack3A_184 = tpu.unpack_subelements %add3A_183, 1 {pack_format = #tpu.pack_format<interleaved>} : vector<32xbf16> -> vector<16xf32>
        %add3A_185 = arith.constant 0 : i32
        %add3A_186 = vector.broadcast %add3A_185 : i32 to vector<16xi32>
        %add3A_187 = arith.addi %mul3A_164, %add3A_186 : vector<16xi32>
        tpu.vector_store_idx %arg15[%add3A_187], %unpack3A : memref<5200xf32, #tpu.memory_space<vmem>>[vector<16xi32>], vector<16xf32>,
        %add3A_188 = arith.constant 1 : i32
        %add3A_189 = vector.broadcast %add3A_188 : i32 to vector<16xi32>
        %add3A_190 = arith.addi %mul3A_164, %add3A_189 : vector<16xi32>
        tpu.vector_store_idx %arg15[%add3A_190], %unpack3A_184 : memref<5200xf32, #tpu.memory_space<vmem>>[vector<16xi32>], vector<16xf32>,
        %add3A_191 = arith.constant 1 : i32
        %add3A_192 = vector.broadcast %add3A_191 : i32 to vector<16xi32>
        %add3A_193 = arith.addi %add3A_149, %add3A_192 : vector<16xi32>
        %gather3A_194 = tpu.vector_load_idx %arg7[%add3A_193] : memref<101079xi32, #tpu.memory_space<vmem>>[vector<16xi32>], vector<16xi32>,
        %bitcast3A_195 = vector.bitcast %gather3A_194 : vector<16xi32> to vector<32xbf16>
        %mul3A_196 = arith.mulf %bitcast3A_195, %pack3A : vector<32xbf16>
        %add3A_197 = arith.constant 1 : i32
        %add3A_198 = vector.broadcast %add3A_197 : i32 to vector<16xi32>
        %add3A_199 = arith.addi %add3A_155, %add3A_198 : vector<16xi32>
        %gather3A_200 = tpu.vector_load_idx %arg7[%add3A_199] : memref<101079xi32, #tpu.memory_space<vmem>>[vector<16xi32>], vector<16xi32>,
        %bitcast3A_201 = vector.bitcast %gather3A_200 : vector<16xi32> to vector<32xbf16>
        %mul3A_202 = arith.mulf %bitcast3A_201, %pack3A_137 : vector<32xbf16>
        %add3A_203 = arith.addf %mul3A_196, %mul3A_202 : vector<32xbf16>
        %add3A_204 = arith.constant 1 : i32
        %add3A_205 = vector.broadcast %add3A_204 : i32 to vector<16xi32>
        %add3A_206 = arith.addi %add3A_161, %add3A_205 : vector<16xi32>
        %gather3A_207 = tpu.vector_load_idx %arg7[%add3A_206] : memref<101079xi32, #tpu.memory_space<vmem>>[vector<16xi32>], vector<16xi32>,
        %bitcast3A_208 = vector.bitcast %gather3A_207 : vector<16xi32> to vector<32xbf16>
        %mul3A_209 = arith.mulf %bitcast3A_208, %pack3A_143 : vector<32xbf16>
        %add3A_210 = arith.addf %add3A_203, %mul3A_209 : vector<32xbf16>
        %unpack3A_211 = tpu.unpack_subelements %add3A_210, 0 {pack_format = #tpu.pack_format<interleaved>} : vector<32xbf16> -> vector<16xf32>
        %unpack3A_212 = tpu.unpack_subelements %add3A_210, 1 {pack_format = #tpu.pack_format<interleaved>} : vector<32xbf16> -> vector<16xf32>
        %add3A_213 = arith.constant 2 : i32
        %add3A_214 = vector.broadcast %add3A_213 : i32 to vector<16xi32>
        %add3A_215 = arith.addi %mul3A_164, %add3A_214 : vector<16xi32>
        tpu.vector_store_idx %arg15[%add3A_215], %unpack3A_211 : memref<5200xf32, #tpu.memory_space<vmem>>[vector<16xi32>], vector<16xf32>,
        %add3A_216 = arith.constant 3 : i32
        %add3A_217 = vector.broadcast %add3A_216 : i32 to vector<16xi32>
        %add3A_218 = arith.addi %mul3A_164, %add3A_217 : vector<16xi32>
        tpu.vector_store_idx %arg15[%add3A_218], %unpack3A_212 : memref<5200xf32, #tpu.memory_space<vmem>>[vector<16xi32>], vector<16xf32>,
        %add3A_219 = arith.constant 2 : i32
        %add3A_220 = vector.broadcast %add3A_219 : i32 to vector<16xi32>
        %add3A_221 = arith.addi %add3A_149, %add3A_220 : vector<16xi32>
        %gather3A_222 = tpu.vector_load_idx %arg7[%add3A_221] : memref<101079xi32, #tpu.memory_space<vmem>>[vector<16xi32>], vector<16xi32>,
        %bitcast3A_223 = vector.bitcast %gather3A_222 : vector<16xi32> to vector<32xbf16>
        %mul3A_224 = arith.mulf %bitcast3A_223, %pack3A : vector<32xbf16>
        %add3A_225 = arith.constant 2 : i32
        %add3A_226 = vector.broadcast %add3A_225 : i32 to vector<16xi32>
        %add3A_227 = arith.addi %add3A_155, %add3A_226 : vector<16xi32>
        %gather3A_228 = tpu.vector_load_idx %arg7[%add3A_227] : memref<101079xi32, #tpu.memory_space<vmem>>[vector<16xi32>], vector<16xi32>,
        %bitcast3A_229 = vector.bitcast %gather3A_228 : vector<16xi32> to vector<32xbf16>
        %mul3A_230 = arith.mulf %bitcast3A_229, %pack3A_137 : vector<32xbf16>
        %add3A_231 = arith.addf %mul3A_224, %mul3A_230 : vector<32xbf16>
        %add3A_232 = arith.constant 2 : i32
        %add3A_233 = vector.broadcast %add3A_232 : i32 to vector<16xi32>
        %add3A_234 = arith.addi %add3A_161, %add3A_233 : vector<16xi32>
        %gather3A_235 = tpu.vector_load_idx %arg7[%add3A_234] : memref<101079xi32, #tpu.memory_space<vmem>>[vector<16xi32>], vector<16xi32>,
        %bitcast3A_236 = vector.bitcast %gather3A_235 : vector<16xi32> to vector<32xbf16>
        %mul3A_237 = arith.mulf %bitcast3A_236, %pack3A_143 : vector<32xbf16>
        %add3A_238 = arith.addf %add3A_231, %mul3A_237 : vector<32xbf16>
        %unpack3A_239 = tpu.unpack_subelements %add3A_238, 0 {pack_format = #tpu.pack_format<interleaved>} : vector<32xbf16> -> vector<16xf32>
        %unpack3A_240 = tpu.unpack_subelements %add3A_238, 1 {pack_format = #tpu.pack_format<interleaved>} : vector<32xbf16> -> vector<16xf32>
        %add3A_241 = arith.constant 4 : i32
        %add3A_242 = vector.broadcast %add3A_241 : i32 to vector<16xi32>
        %add3A_243 = arith.addi %mul3A_164, %add3A_242 : vector<16xi32>
        tpu.vector_store_idx %arg15[%add3A_243], %unpack3A_239 : memref<5200xf32, #tpu.memory_space<vmem>>[vector<16xi32>], vector<16xf32>,
        %add3A_244 = arith.constant 5 : i32
        %add3A_245 = vector.broadcast %add3A_244 : i32 to vector<16xi32>
        %add3A_246 = arith.addi %mul3A_164, %add3A_245 : vector<16xi32>
        tpu.vector_store_idx %arg15[%add3A_246], %unpack3A_240 : memref<5200xf32, #tpu.memory_space<vmem>>[vector<16xi32>], vector<16xf32>,
        %add3A_247 = arith.constant 3 : i32
        %add3A_248 = vector.broadcast %add3A_247 : i32 to vector<16xi32>
        %add3A_249 = arith.addi %add3A_149, %add3A_248 : vector<16xi32>
        %gather3A_250 = tpu.vector_load_idx %arg7[%add3A_249] : memref<101079xi32, #tpu.memory_space<vmem>>[vector<16xi32>], vector<16xi32>,
        %bitcast3A_251 = vector.bitcast %gather3A_250 : vector<16xi32> to vector<32xbf16>
        %mul3A_252 = arith.mulf %bitcast3A_251, %pack3A : vector<32xbf16>
        %add3A_253 = arith.constant 3 : i32
        %add3A_254 = vector.broadcast %add3A_253 : i32 to vector<16xi32>
        %add3A_255 = arith.addi %add3A_155, %add3A_254 : vector<16xi32>
        %gather3A_256 = tpu.vector_load_idx %arg7[%add3A_255] : memref<101079xi32, #tpu.memory_space<vmem>>[vector<16xi32>], vector<16xi32>,
        %bitcast3A_257 = vector.bitcast %gather3A_256 : vector<16xi32> to vector<32xbf16>
        %mul3A_258 = arith.mulf %bitcast3A_257, %pack3A_137 : vector<32xbf16>
        %add3A_259 = arith.addf %mul3A_252, %mul3A_258 : vector<32xbf16>
        %add3A_260 = arith.constant 3 : i32
        %add3A_261 = vector.broadcast %add3A_260 : i32 to vector<16xi32>
        %add3A_262 = arith.addi %add3A_161, %add3A_261 : vector<16xi32>
        %gather3A_263 = tpu.vector_load_idx %arg7[%add3A_262] : memref<101079xi32, #tpu.memory_space<vmem>>[vector<16xi32>], vector<16xi32>,
        %bitcast3A_264 = vector.bitcast %gather3A_263 : vector<16xi32> to vector<32xbf16>
        %mul3A_265 = arith.mulf %bitcast3A_264, %pack3A_143 : vector<32xbf16>
        %add3A_266 = arith.addf %add3A_259, %mul3A_265 : vector<32xbf16>
        %unpack3A_267 = tpu.unpack_subelements %add3A_266, 0 {pack_format = #tpu.pack_format<interleaved>} : vector<32xbf16> -> vector<16xf32>
        %unpack3A_268 = tpu.unpack_subelements %add3A_266, 1 {pack_format = #tpu.pack_format<interleaved>} : vector<32xbf16> -> vector<16xf32>
        %add3A_269 = arith.constant 6 : i32
        %add3A_270 = vector.broadcast %add3A_269 : i32 to vector<16xi32>
        %add3A_271 = arith.addi %mul3A_164, %add3A_270 : vector<16xi32>
        tpu.vector_store_idx %arg15[%add3A_271], %unpack3A_267 : memref<5200xf32, #tpu.memory_space<vmem>>[vector<16xi32>], vector<16xf32>,
        %add3A_272 = arith.constant 7 : i32
        %add3A_273 = vector.broadcast %add3A_272 : i32 to vector<16xi32>
        %add3A_274 = arith.addi %mul3A_164, %add3A_273 : vector<16xi32>
        tpu.vector_store_idx %arg15[%add3A_274], %unpack3A_268 : memref<5200xf32, #tpu.memory_space<vmem>>[vector<16xi32>], vector<16xf32>,
        %add3A_275 = arith.constant 4 : i32
        %add3A_276 = vector.broadcast %add3A_275 : i32 to vector<16xi32>
        %add3A_277 = arith.addi %add3A_149, %add3A_276 : vector<16xi32>
        %gather3A_278 = tpu.vector_load_idx %arg7[%add3A_277] : memref<101079xi32, #tpu.memory_space<vmem>>[vector<16xi32>], vector<16xi32>,
        %bitcast3A_279 = vector.bitcast %gather3A_278 : vector<16xi32> to vector<32xbf16>
        %mul3A_280 = arith.mulf %bitcast3A_279, %pack3A : vector<32xbf16>
        %add3A_281 = arith.constant 4 : i32
        %add3A_282 = vector.broadcast %add3A_281 : i32 to vector<16xi32>
        %add3A_283 = arith.addi %add3A_155, %add3A_282 : vector<16xi32>
        %gather3A_284 = tpu.vector_load_idx %arg7[%add3A_283] : memref<101079xi32, #tpu.memory_space<vmem>>[vector<16xi32>], vector<16xi32>,
        %bitcast3A_285 = vector.bitcast %gather3A_284 : vector<16xi32> to vector<32xbf16>
        %mul3A_286 = arith.mulf %bitcast3A_285, %pack3A_137 : vector<32xbf16>
        %add3A_287 = arith.addf %mul3A_280, %mul3A_286 : vector<32xbf16>
        %add3A_288 = arith.constant 4 : i32
        %add3A_289 = vector.broadcast %add3A_288 : i32 to vector<16xi32>
        %add3A_290 = arith.addi %add3A_161, %add3A_289 : vector<16xi32>
        %gather3A_291 = tpu.vector_load_idx %arg7[%add3A_290] : memref<101079xi32, #tpu.memory_space<vmem>>[vector<16xi32>], vector<16xi32>,
        %bitcast3A_292 = vector.bitcast %gather3A_291 : vector<16xi32> to vector<32xbf16>
        %mul3A_293 = arith.mulf %bitcast3A_292, %pack3A_143 : vector<32xbf16>
        %add3A_294 = arith.addf %add3A_287, %mul3A_293 : vector<32xbf16>
        %unpack3A_295 = tpu.unpack_subelements %add3A_294, 0 {pack_format = #tpu.pack_format<interleaved>} : vector<32xbf16> -> vector<16xf32>
        %unpack3A_296 = tpu.unpack_subelements %add3A_294, 1 {pack_format = #tpu.pack_format<interleaved>} : vector<32xbf16> -> vector<16xf32>
        %add3A_297 = arith.constant 8 : i32
        %add3A_298 = vector.broadcast %add3A_297 : i32 to vector<16xi32>
        %add3A_299 = arith.addi %mul3A_164, %add3A_298 : vector<16xi32>
        tpu.vector_store_idx %arg15[%add3A_299], %unpack3A_295 : memref<5200xf32, #tpu.memory_space<vmem>>[vector<16xi32>], vector<16xf32>,
        %add3A_300 = arith.constant 9 : i32
        %add3A_301 = vector.broadcast %add3A_300 : i32 to vector<16xi32>
        %add3A_302 = arith.addi %mul3A_164, %add3A_301 : vector<16xi32>
        tpu.vector_store_idx %arg15[%add3A_302], %unpack3A_296 : memref<5200xf32, #tpu.memory_space<vmem>>[vector<16xi32>], vector<16xf32>,
        %add3A_303 = arith.constant 5 : i32
        %add3A_304 = vector.broadcast %add3A_303 : i32 to vector<16xi32>
        %add3A_305 = arith.addi %add3A_149, %add3A_304 : vector<16xi32>
        %gather3A_306 = tpu.vector_load_idx %arg7[%add3A_305] : memref<101079xi32, #tpu.memory_space<vmem>>[vector<16xi32>], vector<16xi32>,
        %bitcast3A_307 = vector.bitcast %gather3A_306 : vector<16xi32> to vector<32xbf16>
        %mul3A_308 = arith.mulf %bitcast3A_307, %pack3A : vector<32xbf16>
        %add3A_309 = arith.constant 5 : i32
        %add3A_310 = vector.broadcast %add3A_309 : i32 to vector<16xi32>
        %add3A_311 = arith.addi %add3A_155, %add3A_310 : vector<16xi32>
        %gather3A_312 = tpu.vector_load_idx %arg7[%add3A_311] : memref<101079xi32, #tpu.memory_space<vmem>>[vector<16xi32>], vector<16xi32>,
        %bitcast3A_313 = vector.bitcast %gather3A_312 : vector<16xi32> to vector<32xbf16>
        %mul3A_314 = arith.mulf %bitcast3A_313, %pack3A_137 : vector<32xbf16>
        %add3A_315 = arith.addf %mul3A_308, %mul3A_314 : vector<32xbf16>
        %add3A_316 = arith.constant 5 : i32
        %add3A_317 = vector.broadcast %add3A_316 : i32 to vector<16xi32>
        %add3A_318 = arith.addi %add3A_161, %add3A_317 : vector<16xi32>
        %gather3A_319 = tpu.vector_load_idx %arg7[%add3A_318] : memref<101079xi32, #tpu.memory_space<vmem>>[vector<16xi32>], vector<16xi32>,
        %bitcast3A_320 = vector.bitcast %gather3A_319 : vector<16xi32> to vector<32xbf16>
        %mul3A_321 = arith.mulf %bitcast3A_320, %pack3A_143 : vector<32xbf16>
        %add3A_322 = arith.addf %add3A_315, %mul3A_321 : vector<32xbf16>
        %unpack3A_323 = tpu.unpack_subelements %add3A_322, 0 {pack_format = #tpu.pack_format<interleaved>} : vector<32xbf16> -> vector<16xf32>
        %unpack3A_324 = tpu.unpack_subelements %add3A_322, 1 {pack_format = #tpu.pack_format<interleaved>} : vector<32xbf16> -> vector<16xf32>
        %add3A_325 = arith.constant 10 : i32
        %add3A_326 = vector.broadcast %add3A_325 : i32 to vector<16xi32>
        %add3A_327 = arith.addi %mul3A_164, %add3A_326 : vector<16xi32>
        tpu.vector_store_idx %arg15[%add3A_327], %unpack3A_323 : memref<5200xf32, #tpu.memory_space<vmem>>[vector<16xi32>], vector<16xf32>,
        %add3A_328 = arith.constant 11 : i32
        %add3A_329 = vector.broadcast %add3A_328 : i32 to vector<16xi32>
        %add3A_330 = arith.addi %mul3A_164, %add3A_329 : vector<16xi32>
        tpu.vector_store_idx %arg15[%add3A_330], %unpack3A_324 : memref<5200xf32, #tpu.memory_space<vmem>>[vector<16xi32>], vector<16xf32>,
        %add3A_331 = arith.constant 6 : i32
        %add3A_332 = vector.broadcast %add3A_331 : i32 to vector<16xi32>
        %add3A_333 = arith.addi %add3A_149, %add3A_332 : vector<16xi32>
        %gather3A_334 = tpu.vector_load_idx %arg7[%add3A_333] : memref<101079xi32, #tpu.memory_space<vmem>>[vector<16xi32>], vector<16xi32>,
        %bitcast3A_335 = vector.bitcast %gather3A_334 : vector<16xi32> to vector<32xbf16>
        %mul3A_336 = arith.mulf %bitcast3A_335, %pack3A : vector<32xbf16>
        %add3A_337 = arith.constant 6 : i32
        %add3A_338 = vector.broadcast %add3A_337 : i32 to vector<16xi32>
        %add3A_339 = arith.addi %add3A_155, %add3A_338 : vector<16xi32>
        %gather3A_340 = tpu.vector_load_idx %arg7[%add3A_339] : memref<101079xi32, #tpu.memory_space<vmem>>[vector<16xi32>], vector<16xi32>,
        %bitcast3A_341 = vector.bitcast %gather3A_340 : vector<16xi32> to vector<32xbf16>
        %mul3A_342 = arith.mulf %bitcast3A_341, %pack3A_137 : vector<32xbf16>
        %add3A_343 = arith.addf %mul3A_336, %mul3A_342 : vector<32xbf16>
        %add3A_344 = arith.constant 6 : i32
        %add3A_345 = vector.broadcast %add3A_344 : i32 to vector<16xi32>
        %add3A_346 = arith.addi %add3A_161, %add3A_345 : vector<16xi32>
        %gather3A_347 = tpu.vector_load_idx %arg7[%add3A_346] : memref<101079xi32, #tpu.memory_space<vmem>>[vector<16xi32>], vector<16xi32>,
        %bitcast3A_348 = vector.bitcast %gather3A_347 : vector<16xi32> to vector<32xbf16>
        %mul3A_349 = arith.mulf %bitcast3A_348, %pack3A_143 : vector<32xbf16>
        %add3A_350 = arith.addf %add3A_343, %mul3A_349 : vector<32xbf16>
        %unpack3A_351 = tpu.unpack_subelements %add3A_350, 0 {pack_format = #tpu.pack_format<interleaved>} : vector<32xbf16> -> vector<16xf32>
        %unpack3A_352 = tpu.unpack_subelements %add3A_350, 1 {pack_format = #tpu.pack_format<interleaved>} : vector<32xbf16> -> vector<16xf32>
        %add3A_353 = arith.constant 12 : i32
        %add3A_354 = vector.broadcast %add3A_353 : i32 to vector<16xi32>
        %add3A_355 = arith.addi %mul3A_164, %add3A_354 : vector<16xi32>
        tpu.vector_store_idx %arg15[%add3A_355], %unpack3A_351 : memref<5200xf32, #tpu.memory_space<vmem>>[vector<16xi32>], vector<16xf32>,
        %add3A_356 = arith.constant 13 : i32
        %add3A_357 = vector.broadcast %add3A_356 : i32 to vector<16xi32>
        %add3A_358 = arith.addi %mul3A_164, %add3A_357 : vector<16xi32>
        tpu.vector_store_idx %arg15[%add3A_358], %unpack3A_352 : memref<5200xf32, #tpu.memory_space<vmem>>[vector<16xi32>], vector<16xf32>,
        %add3A_359 = arith.constant 7 : i32
        %add3A_360 = vector.broadcast %add3A_359 : i32 to vector<16xi32>
        %add3A_361 = arith.addi %add3A_149, %add3A_360 : vector<16xi32>
        %gather3A_362 = tpu.vector_load_idx %arg7[%add3A_361] : memref<101079xi32, #tpu.memory_space<vmem>>[vector<16xi32>], vector<16xi32>,
        %bitcast3A_363 = vector.bitcast %gather3A_362 : vector<16xi32> to vector<32xbf16>
        %mul3A_364 = arith.mulf %bitcast3A_363, %pack3A : vector<32xbf16>
        %add3A_365 = arith.constant 7 : i32
        %add3A_366 = vector.broadcast %add3A_365 : i32 to vector<16xi32>
        %add3A_367 = arith.addi %add3A_155, %add3A_366 : vector<16xi32>
        %gather3A_368 = tpu.vector_load_idx %arg7[%add3A_367] : memref<101079xi32, #tpu.memory_space<vmem>>[vector<16xi32>], vector<16xi32>,
        %bitcast3A_369 = vector.bitcast %gather3A_368 : vector<16xi32> to vector<32xbf16>
        %mul3A_370 = arith.mulf %bitcast3A_369, %pack3A_137 : vector<32xbf16>
        %add3A_371 = arith.addf %mul3A_364, %mul3A_370 : vector<32xbf16>
        %add3A_372 = arith.constant 7 : i32
        %add3A_373 = vector.broadcast %add3A_372 : i32 to vector<16xi32>
        %add3A_374 = arith.addi %add3A_161, %add3A_373 : vector<16xi32>
        %gather3A_375 = tpu.vector_load_idx %arg7[%add3A_374] : memref<101079xi32, #tpu.memory_space<vmem>>[vector<16xi32>], vector<16xi32>,
        %bitcast3A_376 = vector.bitcast %gather3A_375 : vector<16xi32> to vector<32xbf16>
        %mul3A_377 = arith.mulf %bitcast3A_376, %pack3A_143 : vector<32xbf16>
        %add3A_378 = arith.addf %add3A_371, %mul3A_377 : vector<32xbf16>
        %unpack3A_379 = tpu.unpack_subelements %add3A_378, 0 {pack_format = #tpu.pack_format<interleaved>} : vector<32xbf16> -> vector<16xf32>
        %unpack3A_380 = tpu.unpack_subelements %add3A_378, 1 {pack_format = #tpu.pack_format<interleaved>} : vector<32xbf16> -> vector<16xf32>
        %add3A_381 = arith.constant 14 : i32
        %add3A_382 = vector.broadcast %add3A_381 : i32 to vector<16xi32>
        %add3A_383 = arith.addi %mul3A_164, %add3A_382 : vector<16xi32>
        tpu.vector_store_idx %arg15[%add3A_383], %unpack3A_379 : memref<5200xf32, #tpu.memory_space<vmem>>[vector<16xi32>], vector<16xf32>,
        %add3A_384 = arith.constant 15 : i32
        %add3A_385 = vector.broadcast %add3A_384 : i32 to vector<16xi32>
        %add3A_386 = arith.addi %mul3A_164, %add3A_385 : vector<16xi32>
        tpu.vector_store_idx %arg15[%add3A_386], %unpack3A_380 : memref<5200xf32, #tpu.memory_space<vmem>>[vector<16xi32>], vector<16xf32>,
        %add3A_387 = arith.constant 8 : i32
        %add3A_388 = vector.broadcast %add3A_387 : i32 to vector<16xi32>
        %add3A_389 = arith.addi %add3A_149, %add3A_388 : vector<16xi32>
        %gather3A_390 = tpu.vector_load_idx %arg7[%add3A_389] : memref<101079xi32, #tpu.memory_space<vmem>>[vector<16xi32>], vector<16xi32>,
        %bitcast3A_391 = vector.bitcast %gather3A_390 : vector<16xi32> to vector<32xbf16>
        %mul3A_392 = arith.mulf %bitcast3A_391, %pack3A : vector<32xbf16>
        %add3A_393 = arith.constant 8 : i32
        %add3A_394 = vector.broadcast %add3A_393 : i32 to vector<16xi32>
        %add3A_395 = arith.addi %add3A_155, %add3A_394 : vector<16xi32>
        %gather3A_396 = tpu.vector_load_idx %arg7[%add3A_395] : memref<101079xi32, #tpu.memory_space<vmem>>[vector<16xi32>], vector<16xi32>,
        %bitcast3A_397 = vector.bitcast %gather3A_396 : vector<16xi32> to vector<32xbf16>
        %mul3A_398 = arith.mulf %bitcast3A_397, %pack3A_137 : vector<32xbf16>
        %add3A_399 = arith.addf %mul3A_392, %mul3A_398 : vector<32xbf16>
        %add3A_400 = arith.constant 8 : i32
        %add3A_401 = vector.broadcast %add3A_400 : i32 to vector<16xi32>
        %add3A_402 = arith.addi %add3A_161, %add3A_401 : vector<16xi32>
        %gather3A_403 = tpu.vector_load_idx %arg7[%add3A_402] : memref<101079xi32, #tpu.memory_space<vmem>>[vector<16xi32>], vector<16xi32>,
        %bitcast3A_404 = vector.bitcast %gather3A_403 : vector<16xi32> to vector<32xbf16>
        %mul3A_405 = arith.mulf %bitcast3A_404, %pack3A_143 : vector<32xbf16>
        %add3A_406 = arith.addf %add3A_399, %mul3A_405 : vector<32xbf16>
        %unpack3A_407 = tpu.unpack_subelements %add3A_406, 0 {pack_format = #tpu.pack_format<interleaved>} : vector<32xbf16> -> vector<16xf32>
        %unpack3A_408 = tpu.unpack_subelements %add3A_406, 1 {pack_format = #tpu.pack_format<interleaved>} : vector<32xbf16> -> vector<16xf32>
        %add3A_409 = arith.constant 16 : i32
        %add3A_410 = vector.broadcast %add3A_409 : i32 to vector<16xi32>
        %add3A_411 = arith.addi %mul3A_164, %add3A_410 : vector<16xi32>
        tpu.vector_store_idx %arg15[%add3A_411], %unpack3A_407 : memref<5200xf32, #tpu.memory_space<vmem>>[vector<16xi32>], vector<16xf32>,
        %add3A_412 = arith.constant 17 : i32
        %add3A_413 = vector.broadcast %add3A_412 : i32 to vector<16xi32>
        %add3A_414 = arith.addi %mul3A_164, %add3A_413 : vector<16xi32>
        tpu.vector_store_idx %arg15[%add3A_414], %unpack3A_408 : memref<5200xf32, #tpu.memory_space<vmem>>[vector<16xi32>], vector<16xf32>,
        %add3A_415 = arith.constant 9 : i32
        %add3A_416 = vector.broadcast %add3A_415 : i32 to vector<16xi32>
        %add3A_417 = arith.addi %add3A_149, %add3A_416 : vector<16xi32>
        %gather3A_418 = tpu.vector_load_idx %arg7[%add3A_417] : memref<101079xi32, #tpu.memory_space<vmem>>[vector<16xi32>], vector<16xi32>,
        %bitcast3A_419 = vector.bitcast %gather3A_418 : vector<16xi32> to vector<32xbf16>
        %mul3A_420 = arith.mulf %bitcast3A_419, %pack3A : vector<32xbf16>
        %add3A_421 = arith.constant 9 : i32
        %add3A_422 = vector.broadcast %add3A_421 : i32 to vector<16xi32>
        %add3A_423 = arith.addi %add3A_155, %add3A_422 : vector<16xi32>
        %gather3A_424 = tpu.vector_load_idx %arg7[%add3A_423] : memref<101079xi32, #tpu.memory_space<vmem>>[vector<16xi32>], vector<16xi32>,
        %bitcast3A_425 = vector.bitcast %gather3A_424 : vector<16xi32> to vector<32xbf16>
        %mul3A_426 = arith.mulf %bitcast3A_425, %pack3A_137 : vector<32xbf16>
        %add3A_427 = arith.addf %mul3A_420, %mul3A_426 : vector<32xbf16>
        %add3A_428 = arith.constant 9 : i32
        %add3A_429 = vector.broadcast %add3A_428 : i32 to vector<16xi32>
        %add3A_430 = arith.addi %add3A_161, %add3A_429 : vector<16xi32>
        %gather3A_431 = tpu.vector_load_idx %arg7[%add3A_430] : memref<101079xi32, #tpu.memory_space<vmem>>[vector<16xi32>], vector<16xi32>,
        %bitcast3A_432 = vector.bitcast %gather3A_431 : vector<16xi32> to vector<32xbf16>
        %mul3A_433 = arith.mulf %bitcast3A_432, %pack3A_143 : vector<32xbf16>
        %add3A_434 = arith.addf %add3A_427, %mul3A_433 : vector<32xbf16>
        %unpack3A_435 = tpu.unpack_subelements %add3A_434, 0 {pack_format = #tpu.pack_format<interleaved>} : vector<32xbf16> -> vector<16xf32>
        %unpack3A_436 = tpu.unpack_subelements %add3A_434, 1 {pack_format = #tpu.pack_format<interleaved>} : vector<32xbf16> -> vector<16xf32>
        %add3A_437 = arith.constant 18 : i32
        %add3A_438 = vector.broadcast %add3A_437 : i32 to vector<16xi32>
        %add3A_439 = arith.addi %mul3A_164, %add3A_438 : vector<16xi32>
        tpu.vector_store_idx %arg15[%add3A_439], %unpack3A_435 : memref<5200xf32, #tpu.memory_space<vmem>>[vector<16xi32>], vector<16xf32>,
        %add3A_440 = arith.constant 19 : i32
        %add3A_441 = vector.broadcast %add3A_440 : i32 to vector<16xi32>
        %add3A_442 = arith.addi %mul3A_164, %add3A_441 : vector<16xi32>
        tpu.vector_store_idx %arg15[%add3A_442], %unpack3A_436 : memref<5200xf32, #tpu.memory_space<vmem>>[vector<16xi32>], vector<16xf32>,
        %add3A_443 = arith.constant 10 : i32
        %add3A_444 = vector.broadcast %add3A_443 : i32 to vector<16xi32>
        %add3A_445 = arith.addi %add3A_149, %add3A_444 : vector<16xi32>
        %gather3A_446 = tpu.vector_load_idx %arg7[%add3A_445] : memref<101079xi32, #tpu.memory_space<vmem>>[vector<16xi32>], vector<16xi32>,
        %bitcast3A_447 = vector.bitcast %gather3A_446 : vector<16xi32> to vector<32xbf16>
        %mul3A_448 = arith.mulf %bitcast3A_447, %pack3A : vector<32xbf16>
        %add3A_449 = arith.constant 10 : i32
        %add3A_450 = vector.broadcast %add3A_449 : i32 to vector<16xi32>
        %add3A_451 = arith.addi %add3A_155, %add3A_450 : vector<16xi32>
        %gather3A_452 = tpu.vector_load_idx %arg7[%add3A_451] : memref<101079xi32, #tpu.memory_space<vmem>>[vector<16xi32>], vector<16xi32>,
        %bitcast3A_453 = vector.bitcast %gather3A_452 : vector<16xi32> to vector<32xbf16>
        %mul3A_454 = arith.mulf %bitcast3A_453, %pack3A_137 : vector<32xbf16>
        %add3A_455 = arith.addf %mul3A_448, %mul3A_454 : vector<32xbf16>
        %add3A_456 = arith.constant 10 : i32
        %add3A_457 = vector.broadcast %add3A_456 : i32 to vector<16xi32>
        %add3A_458 = arith.addi %add3A_161, %add3A_457 : vector<16xi32>
        %gather3A_459 = tpu.vector_load_idx %arg7[%add3A_458] : memref<101079xi32, #tpu.memory_space<vmem>>[vector<16xi32>], vector<16xi32>,
        %bitcast3A_460 = vector.bitcast %gather3A_459 : vector<16xi32> to vector<32xbf16>
        %mul3A_461 = arith.mulf %bitcast3A_460, %pack3A_143 : vector<32xbf16>
        %add3A_462 = arith.addf %add3A_455, %mul3A_461 : vector<32xbf16>
        %unpack3A_463 = tpu.unpack_subelements %add3A_462, 0 {pack_format = #tpu.pack_format<interleaved>} : vector<32xbf16> -> vector<16xf32>
        %unpack3A_464 = tpu.unpack_subelements %add3A_462, 1 {pack_format = #tpu.pack_format<interleaved>} : vector<32xbf16> -> vector<16xf32>
        %add3A_465 = arith.constant 20 : i32
        %add3A_466 = vector.broadcast %add3A_465 : i32 to vector<16xi32>
        %add3A_467 = arith.addi %mul3A_164, %add3A_466 : vector<16xi32>
        tpu.vector_store_idx %arg15[%add3A_467], %unpack3A_463 : memref<5200xf32, #tpu.memory_space<vmem>>[vector<16xi32>], vector<16xf32>,
        %add3A_468 = arith.constant 21 : i32
        %add3A_469 = vector.broadcast %add3A_468 : i32 to vector<16xi32>
        %add3A_470 = arith.addi %mul3A_164, %add3A_469 : vector<16xi32>
        tpu.vector_store_idx %arg15[%add3A_470], %unpack3A_464 : memref<5200xf32, #tpu.memory_space<vmem>>[vector<16xi32>], vector<16xf32>,
        %add3A_471 = arith.constant 11 : i32
        %add3A_472 = vector.broadcast %add3A_471 : i32 to vector<16xi32>
        %add3A_473 = arith.addi %add3A_149, %add3A_472 : vector<16xi32>
        %gather3A_474 = tpu.vector_load_idx %arg7[%add3A_473] : memref<101079xi32, #tpu.memory_space<vmem>>[vector<16xi32>], vector<16xi32>,
        %bitcast3A_475 = vector.bitcast %gather3A_474 : vector<16xi32> to vector<32xbf16>
        %mul3A_476 = arith.mulf %bitcast3A_475, %pack3A : vector<32xbf16>
        %add3A_477 = arith.constant 11 : i32
        %add3A_478 = vector.broadcast %add3A_477 : i32 to vector<16xi32>
        %add3A_479 = arith.addi %add3A_155, %add3A_478 : vector<16xi32>
        %gather3A_480 = tpu.vector_load_idx %arg7[%add3A_479] : memref<101079xi32, #tpu.memory_space<vmem>>[vector<16xi32>], vector<16xi32>,
        %bitcast3A_481 = vector.bitcast %gather3A_480 : vector<16xi32> to vector<32xbf16>
        %mul3A_482 = arith.mulf %bitcast3A_481, %pack3A_137 : vector<32xbf16>
        %add3A_483 = arith.addf %mul3A_476, %mul3A_482 : vector<32xbf16>
        %add3A_484 = arith.constant 11 : i32
        %add3A_485 = vector.broadcast %add3A_484 : i32 to vector<16xi32>
        %add3A_486 = arith.addi %add3A_161, %add3A_485 : vector<16xi32>
        %gather3A_487 = tpu.vector_load_idx %arg7[%add3A_486] : memref<101079xi32, #tpu.memory_space<vmem>>[vector<16xi32>], vector<16xi32>,
        %bitcast3A_488 = vector.bitcast %gather3A_487 : vector<16xi32> to vector<32xbf16>
        %mul3A_489 = arith.mulf %bitcast3A_488, %pack3A_143 : vector<32xbf16>
        %add3A_490 = arith.addf %add3A_483, %mul3A_489 : vector<32xbf16>
        %unpack3A_491 = tpu.unpack_subelements %add3A_490, 0 {pack_format = #tpu.pack_format<interleaved>} : vector<32xbf16> -> vector<16xf32>
        %unpack3A_492 = tpu.unpack_subelements %add3A_490, 1 {pack_format = #tpu.pack_format<interleaved>} : vector<32xbf16> -> vector<16xf32>
        %add3A_493 = arith.constant 22 : i32
        %add3A_494 = vector.broadcast %add3A_493 : i32 to vector<16xi32>
        %add3A_495 = arith.addi %mul3A_164, %add3A_494 : vector<16xi32>
        tpu.vector_store_idx %arg15[%add3A_495], %unpack3A_491 : memref<5200xf32, #tpu.memory_space<vmem>>[vector<16xi32>], vector<16xf32>,
        %add3A_496 = arith.constant 23 : i32
        %add3A_497 = vector.broadcast %add3A_496 : i32 to vector<16xi32>
        %add3A_498 = arith.addi %mul3A_164, %add3A_497 : vector<16xi32>
        tpu.vector_store_idx %arg15[%add3A_498], %unpack3A_492 : memref<5200xf32, #tpu.memory_space<vmem>>[vector<16xi32>], vector<16xf32>,
        %add3A_499 = arith.constant 12 : i32
        %add3A_500 = vector.broadcast %add3A_499 : i32 to vector<16xi32>
        %add3A_501 = arith.addi %add3A_149, %add3A_500 : vector<16xi32>
        %gather3A_502 = tpu.vector_load_idx %arg7[%add3A_501] : memref<101079xi32, #tpu.memory_space<vmem>>[vector<16xi32>], vector<16xi32>,
        %bitcast3A_503 = vector.bitcast %gather3A_502 : vector<16xi32> to vector<32xbf16>
        %mul3A_504 = arith.mulf %bitcast3A_503, %pack3A : vector<32xbf16>
        %add3A_505 = arith.constant 12 : i32
        %add3A_506 = vector.broadcast %add3A_505 : i32 to vector<16xi32>
        %add3A_507 = arith.addi %add3A_155, %add3A_506 : vector<16xi32>
        %gather3A_508 = tpu.vector_load_idx %arg7[%add3A_507] : memref<101079xi32, #tpu.memory_space<vmem>>[vector<16xi32>], vector<16xi32>,
        %bitcast3A_509 = vector.bitcast %gather3A_508 : vector<16xi32> to vector<32xbf16>
        %mul3A_510 = arith.mulf %bitcast3A_509, %pack3A_137 : vector<32xbf16>
        %add3A_511 = arith.addf %mul3A_504, %mul3A_510 : vector<32xbf16>
        %add3A_512 = arith.constant 12 : i32
        %add3A_513 = vector.broadcast %add3A_512 : i32 to vector<16xi32>
        %add3A_514 = arith.addi %add3A_161, %add3A_513 : vector<16xi32>
        %gather3A_515 = tpu.vector_load_idx %arg7[%add3A_514] : memref<101079xi32, #tpu.memory_space<vmem>>[vector<16xi32>], vector<16xi32>,
        %bitcast3A_516 = vector.bitcast %gather3A_515 : vector<16xi32> to vector<32xbf16>
        %mul3A_517 = arith.mulf %bitcast3A_516, %pack3A_143 : vector<32xbf16>
        %add3A_518 = arith.addf %add3A_511, %mul3A_517 : vector<32xbf16>
        %unpack3A_519 = tpu.unpack_subelements %add3A_518, 0 {pack_format = #tpu.pack_format<interleaved>} : vector<32xbf16> -> vector<16xf32>
        %unpack3A_520 = tpu.unpack_subelements %add3A_518, 1 {pack_format = #tpu.pack_format<interleaved>} : vector<32xbf16> -> vector<16xf32>
        %add3A_521 = arith.constant 24 : i32
        %add3A_522 = vector.broadcast %add3A_521 : i32 to vector<16xi32>
        %add3A_523 = arith.addi %mul3A_164, %add3A_522 : vector<16xi32>
        tpu.vector_store_idx %arg15[%add3A_523], %unpack3A_519 : memref<5200xf32, #tpu.memory_space<vmem>>[vector<16xi32>], vector<16xf32>,
        %add3A_524 = arith.constant 25 : i32
        %add3A_525 = vector.broadcast %add3A_524 : i32 to vector<16xi32>
        %add3A_526 = arith.addi %mul3A_164, %add3A_525 : vector<16xi32>
        tpu.vector_store_idx %arg15[%add3A_526], %unpack3A_520 : memref<5200xf32, #tpu.memory_space<vmem>>[vector<16xi32>], vector<16xf32>,
        %add3A_527 = arith.constant 13 : i32
        %add3A_528 = vector.broadcast %add3A_527 : i32 to vector<16xi32>
        %add3A_529 = arith.addi %add3A_149, %add3A_528 : vector<16xi32>
        %gather3A_530 = tpu.vector_load_idx %arg7[%add3A_529] : memref<101079xi32, #tpu.memory_space<vmem>>[vector<16xi32>], vector<16xi32>,
        %bitcast3A_531 = vector.bitcast %gather3A_530 : vector<16xi32> to vector<32xbf16>
        %mul3A_532 = arith.mulf %bitcast3A_531, %pack3A : vector<32xbf16>
        %add3A_533 = arith.constant 13 : i32
        %add3A_534 = vector.broadcast %add3A_533 : i32 to vector<16xi32>
        %add3A_535 = arith.addi %add3A_155, %add3A_534 : vector<16xi32>
        %gather3A_536 = tpu.vector_load_idx %arg7[%add3A_535] : memref<101079xi32, #tpu.memory_space<vmem>>[vector<16xi32>], vector<16xi32>,
        %bitcast3A_537 = vector.bitcast %gather3A_536 : vector<16xi32> to vector<32xbf16>
        %mul3A_538 = arith.mulf %bitcast3A_537, %pack3A_137 : vector<32xbf16>
        %add3A_539 = arith.addf %mul3A_532, %mul3A_538 : vector<32xbf16>
        %add3A_540 = arith.constant 13 : i32
        %add3A_541 = vector.broadcast %add3A_540 : i32 to vector<16xi32>
        %add3A_542 = arith.addi %add3A_161, %add3A_541 : vector<16xi32>
        %gather3A_543 = tpu.vector_load_idx %arg7[%add3A_542] : memref<101079xi32, #tpu.memory_space<vmem>>[vector<16xi32>], vector<16xi32>,
        %bitcast3A_544 = vector.bitcast %gather3A_543 : vector<16xi32> to vector<32xbf16>
        %mul3A_545 = arith.mulf %bitcast3A_544, %pack3A_143 : vector<32xbf16>
        %add3A_546 = arith.addf %add3A_539, %mul3A_545 : vector<32xbf16>
        %unpack3A_547 = tpu.unpack_subelements %add3A_546, 0 {pack_format = #tpu.pack_format<interleaved>} : vector<32xbf16> -> vector<16xf32>
        %unpack3A_548 = tpu.unpack_subelements %add3A_546, 1 {pack_format = #tpu.pack_format<interleaved>} : vector<32xbf16> -> vector<16xf32>
        %add3A_549 = arith.constant 26 : i32
        %add3A_550 = vector.broadcast %add3A_549 : i32 to vector<16xi32>
        %add3A_551 = arith.addi %mul3A_164, %add3A_550 : vector<16xi32>
        tpu.vector_store_idx %arg15[%add3A_551], %unpack3A_547 : memref<5200xf32, #tpu.memory_space<vmem>>[vector<16xi32>], vector<16xf32>,
        %add3A_552 = arith.constant 27 : i32
        %add3A_553 = vector.broadcast %add3A_552 : i32 to vector<16xi32>
        %add3A_554 = arith.addi %mul3A_164, %add3A_553 : vector<16xi32>
        tpu.vector_store_idx %arg15[%add3A_554], %unpack3A_548 : memref<5200xf32, #tpu.memory_space<vmem>>[vector<16xi32>], vector<16xf32>,
        %add3A_555 = arith.constant 14 : i32
        %add3A_556 = vector.broadcast %add3A_555 : i32 to vector<16xi32>
        %add3A_557 = arith.addi %add3A_149, %add3A_556 : vector<16xi32>
        %gather3A_558 = tpu.vector_load_idx %arg7[%add3A_557] : memref<101079xi32, #tpu.memory_space<vmem>>[vector<16xi32>], vector<16xi32>,
        %bitcast3A_559 = vector.bitcast %gather3A_558 : vector<16xi32> to vector<32xbf16>
        %mul3A_560 = arith.mulf %bitcast3A_559, %pack3A : vector<32xbf16>
        %add3A_561 = arith.constant 14 : i32
        %add3A_562 = vector.broadcast %add3A_561 : i32 to vector<16xi32>
        %add3A_563 = arith.addi %add3A_155, %add3A_562 : vector<16xi32>
        %gather3A_564 = tpu.vector_load_idx %arg7[%add3A_563] : memref<101079xi32, #tpu.memory_space<vmem>>[vector<16xi32>], vector<16xi32>,
        %bitcast3A_565 = vector.bitcast %gather3A_564 : vector<16xi32> to vector<32xbf16>
        %mul3A_566 = arith.mulf %bitcast3A_565, %pack3A_137 : vector<32xbf16>
        %add3A_567 = arith.addf %mul3A_560, %mul3A_566 : vector<32xbf16>
        %add3A_568 = arith.constant 14 : i32
        %add3A_569 = vector.broadcast %add3A_568 : i32 to vector<16xi32>
        %add3A_570 = arith.addi %add3A_161, %add3A_569 : vector<16xi32>
        %gather3A_571 = tpu.vector_load_idx %arg7[%add3A_570] : memref<101079xi32, #tpu.memory_space<vmem>>[vector<16xi32>], vector<16xi32>,
        %bitcast3A_572 = vector.bitcast %gather3A_571 : vector<16xi32> to vector<32xbf16>
        %mul3A_573 = arith.mulf %bitcast3A_572, %pack3A_143 : vector<32xbf16>
        %add3A_574 = arith.addf %add3A_567, %mul3A_573 : vector<32xbf16>
        %unpack3A_575 = tpu.unpack_subelements %add3A_574, 0 {pack_format = #tpu.pack_format<interleaved>} : vector<32xbf16> -> vector<16xf32>
        %unpack3A_576 = tpu.unpack_subelements %add3A_574, 1 {pack_format = #tpu.pack_format<interleaved>} : vector<32xbf16> -> vector<16xf32>
        %add3A_577 = arith.constant 28 : i32
        %add3A_578 = vector.broadcast %add3A_577 : i32 to vector<16xi32>
        %add3A_579 = arith.addi %mul3A_164, %add3A_578 : vector<16xi32>
        tpu.vector_store_idx %arg15[%add3A_579], %unpack3A_575 : memref<5200xf32, #tpu.memory_space<vmem>>[vector<16xi32>], vector<16xf32>,
        %add3A_580 = arith.constant 29 : i32
        %add3A_581 = vector.broadcast %add3A_580 : i32 to vector<16xi32>
        %add3A_582 = arith.addi %mul3A_164, %add3A_581 : vector<16xi32>
        tpu.vector_store_idx %arg15[%add3A_582], %unpack3A_576 : memref<5200xf32, #tpu.memory_space<vmem>>[vector<16xi32>], vector<16xf32>,
        %add3A_583 = arith.constant 15 : i32
        %add3A_584 = vector.broadcast %add3A_583 : i32 to vector<16xi32>
        %add3A_585 = arith.addi %add3A_149, %add3A_584 : vector<16xi32>
        %gather3A_586 = tpu.vector_load_idx %arg7[%add3A_585] : memref<101079xi32, #tpu.memory_space<vmem>>[vector<16xi32>], vector<16xi32>,
        %bitcast3A_587 = vector.bitcast %gather3A_586 : vector<16xi32> to vector<32xbf16>
        %mul3A_588 = arith.mulf %bitcast3A_587, %pack3A : vector<32xbf16>
        %add3A_589 = arith.constant 15 : i32
        %add3A_590 = vector.broadcast %add3A_589 : i32 to vector<16xi32>
        %add3A_591 = arith.addi %add3A_155, %add3A_590 : vector<16xi32>
        %gather3A_592 = tpu.vector_load_idx %arg7[%add3A_591] : memref<101079xi32, #tpu.memory_space<vmem>>[vector<16xi32>], vector<16xi32>,
        %bitcast3A_593 = vector.bitcast %gather3A_592 : vector<16xi32> to vector<32xbf16>
        %mul3A_594 = arith.mulf %bitcast3A_593, %pack3A_137 : vector<32xbf16>
        %add3A_595 = arith.addf %mul3A_588, %mul3A_594 : vector<32xbf16>
        %add3A_596 = arith.constant 15 : i32
        %add3A_597 = vector.broadcast %add3A_596 : i32 to vector<16xi32>
        %add3A_598 = arith.addi %add3A_161, %add3A_597 : vector<16xi32>
        %gather3A_599 = tpu.vector_load_idx %arg7[%add3A_598] : memref<101079xi32, #tpu.memory_space<vmem>>[vector<16xi32>], vector<16xi32>,
        %bitcast3A_600 = vector.bitcast %gather3A_599 : vector<16xi32> to vector<32xbf16>
        %mul3A_601 = arith.mulf %bitcast3A_600, %pack3A_143 : vector<32xbf16>
        %add3A_602 = arith.addf %add3A_595, %mul3A_601 : vector<32xbf16>
        %unpack3A_603 = tpu.unpack_subelements %add3A_602, 0 {pack_format = #tpu.pack_format<interleaved>} : vector<32xbf16> -> vector<16xf32>
        %unpack3A_604 = tpu.unpack_subelements %add3A_602, 1 {pack_format = #tpu.pack_format<interleaved>} : vector<32xbf16> -> vector<16xf32>
        %add3A_605 = arith.constant 30 : i32
        %add3A_606 = vector.broadcast %add3A_605 : i32 to vector<16xi32>
        %add3A_607 = arith.addi %mul3A_164, %add3A_606 : vector<16xi32>
        tpu.vector_store_idx %arg15[%add3A_607], %unpack3A_603 : memref<5200xf32, #tpu.memory_space<vmem>>[vector<16xi32>], vector<16xf32>,
        %add3A_608 = arith.constant 31 : i32
        %add3A_609 = vector.broadcast %add3A_608 : i32 to vector<16xi32>
        %add3A_610 = arith.addi %mul3A_164, %add3A_609 : vector<16xi32>
        tpu.vector_store_idx %arg15[%add3A_610], %unpack3A_604 : memref<5200xf32, #tpu.memory_space<vmem>>[vector<16xi32>], vector<16xf32>,
        %add3A_611 = arith.constant 16 : i32
        %add3A_612 = vector.broadcast %add3A_611 : i32 to vector<16xi32>
        %add3A_613 = arith.addi %add3A_149, %add3A_612 : vector<16xi32>
        %gather3A_614 = tpu.vector_load_idx %arg7[%add3A_613] : memref<101079xi32, #tpu.memory_space<vmem>>[vector<16xi32>], vector<16xi32>,
        %bitcast3A_615 = vector.bitcast %gather3A_614 : vector<16xi32> to vector<32xbf16>
        %mul3A_616 = arith.mulf %bitcast3A_615, %pack3A : vector<32xbf16>
        %add3A_617 = arith.constant 16 : i32
        %add3A_618 = vector.broadcast %add3A_617 : i32 to vector<16xi32>
        %add3A_619 = arith.addi %add3A_155, %add3A_618 : vector<16xi32>
        %gather3A_620 = tpu.vector_load_idx %arg7[%add3A_619] : memref<101079xi32, #tpu.memory_space<vmem>>[vector<16xi32>], vector<16xi32>,
        %bitcast3A_621 = vector.bitcast %gather3A_620 : vector<16xi32> to vector<32xbf16>
        %mul3A_622 = arith.mulf %bitcast3A_621, %pack3A_137 : vector<32xbf16>
        %add3A_623 = arith.addf %mul3A_616, %mul3A_622 : vector<32xbf16>
        %add3A_624 = arith.constant 16 : i32
        %add3A_625 = vector.broadcast %add3A_624 : i32 to vector<16xi32>
        %add3A_626 = arith.addi %add3A_161, %add3A_625 : vector<16xi32>
        %gather3A_627 = tpu.vector_load_idx %arg7[%add3A_626] : memref<101079xi32, #tpu.memory_space<vmem>>[vector<16xi32>], vector<16xi32>,
        %bitcast3A_628 = vector.bitcast %gather3A_627 : vector<16xi32> to vector<32xbf16>
        %mul3A_629 = arith.mulf %bitcast3A_628, %pack3A_143 : vector<32xbf16>
        %add3A_630 = arith.addf %add3A_623, %mul3A_629 : vector<32xbf16>
        %unpack3A_631 = tpu.unpack_subelements %add3A_630, 0 {pack_format = #tpu.pack_format<interleaved>} : vector<32xbf16> -> vector<16xf32>
        %unpack3A_632 = tpu.unpack_subelements %add3A_630, 1 {pack_format = #tpu.pack_format<interleaved>} : vector<32xbf16> -> vector<16xf32>
        %add3A_633 = arith.constant 32 : i32
        %add3A_634 = vector.broadcast %add3A_633 : i32 to vector<16xi32>
        %add3A_635 = arith.addi %mul3A_164, %add3A_634 : vector<16xi32>
        tpu.vector_store_idx %arg15[%add3A_635], %unpack3A_631 : memref<5200xf32, #tpu.memory_space<vmem>>[vector<16xi32>], vector<16xf32>,
        %add3A_636 = arith.constant 33 : i32
        %add3A_637 = vector.broadcast %add3A_636 : i32 to vector<16xi32>
        %add3A_638 = arith.addi %mul3A_164, %add3A_637 : vector<16xi32>
        tpu.vector_store_idx %arg15[%add3A_638], %unpack3A_632 : memref<5200xf32, #tpu.memory_space<vmem>>[vector<16xi32>], vector<16xf32>,
        %add3A_639 = arith.constant 17 : i32
        %add3A_640 = vector.broadcast %add3A_639 : i32 to vector<16xi32>
        %add3A_641 = arith.addi %add3A_149, %add3A_640 : vector<16xi32>
        %gather3A_642 = tpu.vector_load_idx %arg7[%add3A_641] : memref<101079xi32, #tpu.memory_space<vmem>>[vector<16xi32>], vector<16xi32>,
        %bitcast3A_643 = vector.bitcast %gather3A_642 : vector<16xi32> to vector<32xbf16>
        %mul3A_644 = arith.mulf %bitcast3A_643, %pack3A : vector<32xbf16>
        %add3A_645 = arith.constant 17 : i32
        %add3A_646 = vector.broadcast %add3A_645 : i32 to vector<16xi32>
        %add3A_647 = arith.addi %add3A_155, %add3A_646 : vector<16xi32>
        %gather3A_648 = tpu.vector_load_idx %arg7[%add3A_647] : memref<101079xi32, #tpu.memory_space<vmem>>[vector<16xi32>], vector<16xi32>,
        %bitcast3A_649 = vector.bitcast %gather3A_648 : vector<16xi32> to vector<32xbf16>
        %mul3A_650 = arith.mulf %bitcast3A_649, %pack3A_137 : vector<32xbf16>
        %add3A_651 = arith.addf %mul3A_644, %mul3A_650 : vector<32xbf16>
        %add3A_652 = arith.constant 17 : i32
        %add3A_653 = vector.broadcast %add3A_652 : i32 to vector<16xi32>
        %add3A_654 = arith.addi %add3A_161, %add3A_653 : vector<16xi32>
        %gather3A_655 = tpu.vector_load_idx %arg7[%add3A_654] : memref<101079xi32, #tpu.memory_space<vmem>>[vector<16xi32>], vector<16xi32>,
        %bitcast3A_656 = vector.bitcast %gather3A_655 : vector<16xi32> to vector<32xbf16>
        %mul3A_657 = arith.mulf %bitcast3A_656, %pack3A_143 : vector<32xbf16>
        %add3A_658 = arith.addf %add3A_651, %mul3A_657 : vector<32xbf16>
        %unpack3A_659 = tpu.unpack_subelements %add3A_658, 0 {pack_format = #tpu.pack_format<interleaved>} : vector<32xbf16> -> vector<16xf32>
        %unpack3A_660 = tpu.unpack_subelements %add3A_658, 1 {pack_format = #tpu.pack_format<interleaved>} : vector<32xbf16> -> vector<16xf32>
        %add3A_661 = arith.constant 34 : i32
        %add3A_662 = vector.broadcast %add3A_661 : i32 to vector<16xi32>
        %add3A_663 = arith.addi %mul3A_164, %add3A_662 : vector<16xi32>
        tpu.vector_store_idx %arg15[%add3A_663], %unpack3A_659 : memref<5200xf32, #tpu.memory_space<vmem>>[vector<16xi32>], vector<16xf32>,
        %add3A_664 = arith.constant 35 : i32
        %add3A_665 = vector.broadcast %add3A_664 : i32 to vector<16xi32>
        %add3A_666 = arith.addi %mul3A_164, %add3A_665 : vector<16xi32>
        tpu.vector_store_idx %arg15[%add3A_666], %unpack3A_660 : memref<5200xf32, #tpu.memory_space<vmem>>[vector<16xi32>], vector<16xf32>,
        %add3A_667 = arith.constant 18 : i32
        %add3A_668 = vector.broadcast %add3A_667 : i32 to vector<16xi32>
        %add3A_669 = arith.addi %add3A_149, %add3A_668 : vector<16xi32>
        %gather3A_670 = tpu.vector_load_idx %arg7[%add3A_669] : memref<101079xi32, #tpu.memory_space<vmem>>[vector<16xi32>], vector<16xi32>,
        %bitcast3A_671 = vector.bitcast %gather3A_670 : vector<16xi32> to vector<32xbf16>
        %mul3A_672 = arith.mulf %bitcast3A_671, %pack3A : vector<32xbf16>
        %add3A_673 = arith.constant 18 : i32
        %add3A_674 = vector.broadcast %add3A_673 : i32 to vector<16xi32>
        %add3A_675 = arith.addi %add3A_155, %add3A_674 : vector<16xi32>
        %gather3A_676 = tpu.vector_load_idx %arg7[%add3A_675] : memref<101079xi32, #tpu.memory_space<vmem>>[vector<16xi32>], vector<16xi32>,
        %bitcast3A_677 = vector.bitcast %gather3A_676 : vector<16xi32> to vector<32xbf16>
        %mul3A_678 = arith.mulf %bitcast3A_677, %pack3A_137 : vector<32xbf16>
        %add3A_679 = arith.addf %mul3A_672, %mul3A_678 : vector<32xbf16>
        %add3A_680 = arith.constant 18 : i32
        %add3A_681 = vector.broadcast %add3A_680 : i32 to vector<16xi32>
        %add3A_682 = arith.addi %add3A_161, %add3A_681 : vector<16xi32>
        %gather3A_683 = tpu.vector_load_idx %arg7[%add3A_682] : memref<101079xi32, #tpu.memory_space<vmem>>[vector<16xi32>], vector<16xi32>,
        %bitcast3A_684 = vector.bitcast %gather3A_683 : vector<16xi32> to vector<32xbf16>
        %mul3A_685 = arith.mulf %bitcast3A_684, %pack3A_143 : vector<32xbf16>
        %add3A_686 = arith.addf %add3A_679, %mul3A_685 : vector<32xbf16>
        %unpack3A_687 = tpu.unpack_subelements %add3A_686, 0 {pack_format = #tpu.pack_format<interleaved>} : vector<32xbf16> -> vector<16xf32>
        %unpack3A_688 = tpu.unpack_subelements %add3A_686, 1 {pack_format = #tpu.pack_format<interleaved>} : vector<32xbf16> -> vector<16xf32>
        %add3A_689 = arith.constant 36 : i32
        %add3A_690 = vector.broadcast %add3A_689 : i32 to vector<16xi32>
        %add3A_691 = arith.addi %mul3A_164, %add3A_690 : vector<16xi32>
        tpu.vector_store_idx %arg15[%add3A_691], %unpack3A_687 : memref<5200xf32, #tpu.memory_space<vmem>>[vector<16xi32>], vector<16xf32>,
        %add3A_692 = arith.constant 37 : i32
        %add3A_693 = vector.broadcast %add3A_692 : i32 to vector<16xi32>
        %add3A_694 = arith.addi %mul3A_164, %add3A_693 : vector<16xi32>
        tpu.vector_store_idx %arg15[%add3A_694], %unpack3A_688 : memref<5200xf32, #tpu.memory_space<vmem>>[vector<16xi32>], vector<16xf32>,
        %add3A_695 = arith.constant 19 : i32
        %add3A_696 = vector.broadcast %add3A_695 : i32 to vector<16xi32>
        %add3A_697 = arith.addi %add3A_149, %add3A_696 : vector<16xi32>
        %gather3A_698 = tpu.vector_load_idx %arg7[%add3A_697] : memref<101079xi32, #tpu.memory_space<vmem>>[vector<16xi32>], vector<16xi32>,
        %bitcast3A_699 = vector.bitcast %gather3A_698 : vector<16xi32> to vector<32xbf16>
        %mul3A_700 = arith.mulf %bitcast3A_699, %pack3A : vector<32xbf16>
        %add3A_701 = arith.constant 19 : i32
        %add3A_702 = vector.broadcast %add3A_701 : i32 to vector<16xi32>
        %add3A_703 = arith.addi %add3A_155, %add3A_702 : vector<16xi32>
        %gather3A_704 = tpu.vector_load_idx %arg7[%add3A_703] : memref<101079xi32, #tpu.memory_space<vmem>>[vector<16xi32>], vector<16xi32>,
        %bitcast3A_705 = vector.bitcast %gather3A_704 : vector<16xi32> to vector<32xbf16>
        %mul3A_706 = arith.mulf %bitcast3A_705, %pack3A_137 : vector<32xbf16>
        %add3A_707 = arith.addf %mul3A_700, %mul3A_706 : vector<32xbf16>
        %add3A_708 = arith.constant 19 : i32
        %add3A_709 = vector.broadcast %add3A_708 : i32 to vector<16xi32>
        %add3A_710 = arith.addi %add3A_161, %add3A_709 : vector<16xi32>
        %gather3A_711 = tpu.vector_load_idx %arg7[%add3A_710] : memref<101079xi32, #tpu.memory_space<vmem>>[vector<16xi32>], vector<16xi32>,
        %bitcast3A_712 = vector.bitcast %gather3A_711 : vector<16xi32> to vector<32xbf16>
        %mul3A_713 = arith.mulf %bitcast3A_712, %pack3A_143 : vector<32xbf16>
        %add3A_714 = arith.addf %add3A_707, %mul3A_713 : vector<32xbf16>
        %unpack3A_715 = tpu.unpack_subelements %add3A_714, 0 {pack_format = #tpu.pack_format<interleaved>} : vector<32xbf16> -> vector<16xf32>
        %unpack3A_716 = tpu.unpack_subelements %add3A_714, 1 {pack_format = #tpu.pack_format<interleaved>} : vector<32xbf16> -> vector<16xf32>
        %add3A_717 = arith.constant 38 : i32
        %add3A_718 = vector.broadcast %add3A_717 : i32 to vector<16xi32>
        %add3A_719 = arith.addi %mul3A_164, %add3A_718 : vector<16xi32>
        tpu.vector_store_idx %arg15[%add3A_719], %unpack3A_715 : memref<5200xf32, #tpu.memory_space<vmem>>[vector<16xi32>], vector<16xf32>,
        %add3A_720 = arith.constant 39 : i32
        %add3A_721 = vector.broadcast %add3A_720 : i32 to vector<16xi32>
        %add3A_722 = arith.addi %mul3A_164, %add3A_721 : vector<16xi32>
        tpu.vector_store_idx %arg15[%add3A_722], %unpack3A_716 : memref<5200xf32, #tpu.memory_space<vmem>>[vector<16xi32>], vector<16xf32>,
        %add3A_723 = arith.constant 20 : i32
        %add3A_724 = vector.broadcast %add3A_723 : i32 to vector<16xi32>
        %add3A_725 = arith.addi %add3A_149, %add3A_724 : vector<16xi32>
        %gather3A_726 = tpu.vector_load_idx %arg7[%add3A_725] : memref<101079xi32, #tpu.memory_space<vmem>>[vector<16xi32>], vector<16xi32>,
        %bitcast3A_727 = vector.bitcast %gather3A_726 : vector<16xi32> to vector<32xbf16>
        %mul3A_728 = arith.mulf %bitcast3A_727, %pack3A : vector<32xbf16>
        %add3A_729 = arith.constant 20 : i32
        %add3A_730 = vector.broadcast %add3A_729 : i32 to vector<16xi32>
        %add3A_731 = arith.addi %add3A_155, %add3A_730 : vector<16xi32>
        %gather3A_732 = tpu.vector_load_idx %arg7[%add3A_731] : memref<101079xi32, #tpu.memory_space<vmem>>[vector<16xi32>], vector<16xi32>,
        %bitcast3A_733 = vector.bitcast %gather3A_732 : vector<16xi32> to vector<32xbf16>
        %mul3A_734 = arith.mulf %bitcast3A_733, %pack3A_137 : vector<32xbf16>
        %add3A_735 = arith.addf %mul3A_728, %mul3A_734 : vector<32xbf16>
        %add3A_736 = arith.constant 20 : i32
        %add3A_737 = vector.broadcast %add3A_736 : i32 to vector<16xi32>
        %add3A_738 = arith.addi %add3A_161, %add3A_737 : vector<16xi32>
        %gather3A_739 = tpu.vector_load_idx %arg7[%add3A_738] : memref<101079xi32, #tpu.memory_space<vmem>>[vector<16xi32>], vector<16xi32>,
        %bitcast3A_740 = vector.bitcast %gather3A_739 : vector<16xi32> to vector<32xbf16>
        %mul3A_741 = arith.mulf %bitcast3A_740, %pack3A_143 : vector<32xbf16>
        %add3A_742 = arith.addf %add3A_735, %mul3A_741 : vector<32xbf16>
        %unpack3A_743 = tpu.unpack_subelements %add3A_742, 0 {pack_format = #tpu.pack_format<interleaved>} : vector<32xbf16> -> vector<16xf32>
        %unpack3A_744 = tpu.unpack_subelements %add3A_742, 1 {pack_format = #tpu.pack_format<interleaved>} : vector<32xbf16> -> vector<16xf32>
        %add3A_745 = arith.constant 40 : i32
        %add3A_746 = vector.broadcast %add3A_745 : i32 to vector<16xi32>
        %add3A_747 = arith.addi %mul3A_164, %add3A_746 : vector<16xi32>
        tpu.vector_store_idx %arg15[%add3A_747], %unpack3A_743 : memref<5200xf32, #tpu.memory_space<vmem>>[vector<16xi32>], vector<16xf32>,
        %add3A_748 = arith.constant 41 : i32
        %add3A_749 = vector.broadcast %add3A_748 : i32 to vector<16xi32>
        %add3A_750 = arith.addi %mul3A_164, %add3A_749 : vector<16xi32>
        tpu.vector_store_idx %arg15[%add3A_750], %unpack3A_744 : memref<5200xf32, #tpu.memory_space<vmem>>[vector<16xi32>], vector<16xf32>,
        %add3A_751 = arith.constant 21 : i32
        %add3A_752 = vector.broadcast %add3A_751 : i32 to vector<16xi32>
        %add3A_753 = arith.addi %add3A_149, %add3A_752 : vector<16xi32>
        %gather3A_754 = tpu.vector_load_idx %arg7[%add3A_753] : memref<101079xi32, #tpu.memory_space<vmem>>[vector<16xi32>], vector<16xi32>,
        %bitcast3A_755 = vector.bitcast %gather3A_754 : vector<16xi32> to vector<32xbf16>
        %mul3A_756 = arith.mulf %bitcast3A_755, %pack3A : vector<32xbf16>
        %add3A_757 = arith.constant 21 : i32
        %add3A_758 = vector.broadcast %add3A_757 : i32 to vector<16xi32>
        %add3A_759 = arith.addi %add3A_155, %add3A_758 : vector<16xi32>
        %gather3A_760 = tpu.vector_load_idx %arg7[%add3A_759] : memref<101079xi32, #tpu.memory_space<vmem>>[vector<16xi32>], vector<16xi32>,
        %bitcast3A_761 = vector.bitcast %gather3A_760 : vector<16xi32> to vector<32xbf16>
        %mul3A_762 = arith.mulf %bitcast3A_761, %pack3A_137 : vector<32xbf16>
        %add3A_763 = arith.addf %mul3A_756, %mul3A_762 : vector<32xbf16>
        %add3A_764 = arith.constant 21 : i32
        %add3A_765 = vector.broadcast %add3A_764 : i32 to vector<16xi32>
        %add3A_766 = arith.addi %add3A_161, %add3A_765 : vector<16xi32>
        %gather3A_767 = tpu.vector_load_idx %arg7[%add3A_766] : memref<101079xi32, #tpu.memory_space<vmem>>[vector<16xi32>], vector<16xi32>,
        %bitcast3A_768 = vector.bitcast %gather3A_767 : vector<16xi32> to vector<32xbf16>
        %mul3A_769 = arith.mulf %bitcast3A_768, %pack3A_143 : vector<32xbf16>
        %add3A_770 = arith.addf %add3A_763, %mul3A_769 : vector<32xbf16>
        %unpack3A_771 = tpu.unpack_subelements %add3A_770, 0 {pack_format = #tpu.pack_format<interleaved>} : vector<32xbf16> -> vector<16xf32>
        %unpack3A_772 = tpu.unpack_subelements %add3A_770, 1 {pack_format = #tpu.pack_format<interleaved>} : vector<32xbf16> -> vector<16xf32>
        %add3A_773 = arith.constant 42 : i32
        %add3A_774 = vector.broadcast %add3A_773 : i32 to vector<16xi32>
        %add3A_775 = arith.addi %mul3A_164, %add3A_774 : vector<16xi32>
        tpu.vector_store_idx %arg15[%add3A_775], %unpack3A_771 : memref<5200xf32, #tpu.memory_space<vmem>>[vector<16xi32>], vector<16xf32>,
        %add3A_776 = arith.constant 43 : i32
        %add3A_777 = vector.broadcast %add3A_776 : i32 to vector<16xi32>
        %add3A_778 = arith.addi %mul3A_164, %add3A_777 : vector<16xi32>
        tpu.vector_store_idx %arg15[%add3A_778], %unpack3A_772 : memref<5200xf32, #tpu.memory_space<vmem>>[vector<16xi32>], vector<16xf32>,
        %add3A_779 = arith.constant 22 : i32
        %add3A_780 = vector.broadcast %add3A_779 : i32 to vector<16xi32>
        %add3A_781 = arith.addi %add3A_149, %add3A_780 : vector<16xi32>
        %gather3A_782 = tpu.vector_load_idx %arg7[%add3A_781] : memref<101079xi32, #tpu.memory_space<vmem>>[vector<16xi32>], vector<16xi32>,
        %bitcast3A_783 = vector.bitcast %gather3A_782 : vector<16xi32> to vector<32xbf16>
        %mul3A_784 = arith.mulf %bitcast3A_783, %pack3A : vector<32xbf16>
        %add3A_785 = arith.constant 22 : i32
        %add3A_786 = vector.broadcast %add3A_785 : i32 to vector<16xi32>
        %add3A_787 = arith.addi %add3A_155, %add3A_786 : vector<16xi32>
        %gather3A_788 = tpu.vector_load_idx %arg7[%add3A_787] : memref<101079xi32, #tpu.memory_space<vmem>>[vector<16xi32>], vector<16xi32>,
        %bitcast3A_789 = vector.bitcast %gather3A_788 : vector<16xi32> to vector<32xbf16>
        %mul3A_790 = arith.mulf %bitcast3A_789, %pack3A_137 : vector<32xbf16>
        %add3A_791 = arith.addf %mul3A_784, %mul3A_790 : vector<32xbf16>
        %add3A_792 = arith.constant 22 : i32
        %add3A_793 = vector.broadcast %add3A_792 : i32 to vector<16xi32>
        %add3A_794 = arith.addi %add3A_161, %add3A_793 : vector<16xi32>
        %gather3A_795 = tpu.vector_load_idx %arg7[%add3A_794] : memref<101079xi32, #tpu.memory_space<vmem>>[vector<16xi32>], vector<16xi32>,
        %bitcast3A_796 = vector.bitcast %gather3A_795 : vector<16xi32> to vector<32xbf16>
        %mul3A_797 = arith.mulf %bitcast3A_796, %pack3A_143 : vector<32xbf16>
        %add3A_798 = arith.addf %add3A_791, %mul3A_797 : vector<32xbf16>
        %unpack3A_799 = tpu.unpack_subelements %add3A_798, 0 {pack_format = #tpu.pack_format<interleaved>} : vector<32xbf16> -> vector<16xf32>
        %unpack3A_800 = tpu.unpack_subelements %add3A_798, 1 {pack_format = #tpu.pack_format<interleaved>} : vector<32xbf16> -> vector<16xf32>
        %add3A_801 = arith.constant 44 : i32
        %add3A_802 = vector.broadcast %add3A_801 : i32 to vector<16xi32>
        %add3A_803 = arith.addi %mul3A_164, %add3A_802 : vector<16xi32>
        tpu.vector_store_idx %arg15[%add3A_803], %unpack3A_799 : memref<5200xf32, #tpu.memory_space<vmem>>[vector<16xi32>], vector<16xf32>,
        %add3A_804 = arith.constant 45 : i32
        %add3A_805 = vector.broadcast %add3A_804 : i32 to vector<16xi32>
        %add3A_806 = arith.addi %mul3A_164, %add3A_805 : vector<16xi32>
        tpu.vector_store_idx %arg15[%add3A_806], %unpack3A_800 : memref<5200xf32, #tpu.memory_space<vmem>>[vector<16xi32>], vector<16xf32>,
        %add3A_807 = arith.constant 23 : i32
        %add3A_808 = vector.broadcast %add3A_807 : i32 to vector<16xi32>
        %add3A_809 = arith.addi %add3A_149, %add3A_808 : vector<16xi32>
        %gather3A_810 = tpu.vector_load_idx %arg7[%add3A_809] : memref<101079xi32, #tpu.memory_space<vmem>>[vector<16xi32>], vector<16xi32>,
        %bitcast3A_811 = vector.bitcast %gather3A_810 : vector<16xi32> to vector<32xbf16>
        %mul3A_812 = arith.mulf %bitcast3A_811, %pack3A : vector<32xbf16>
        %add3A_813 = arith.constant 23 : i32
        %add3A_814 = vector.broadcast %add3A_813 : i32 to vector<16xi32>
        %add3A_815 = arith.addi %add3A_155, %add3A_814 : vector<16xi32>
        %gather3A_816 = tpu.vector_load_idx %arg7[%add3A_815] : memref<101079xi32, #tpu.memory_space<vmem>>[vector<16xi32>], vector<16xi32>,
        %bitcast3A_817 = vector.bitcast %gather3A_816 : vector<16xi32> to vector<32xbf16>
        %mul3A_818 = arith.mulf %bitcast3A_817, %pack3A_137 : vector<32xbf16>
        %add3A_819 = arith.addf %mul3A_812, %mul3A_818 : vector<32xbf16>
        %add3A_820 = arith.constant 23 : i32
        %add3A_821 = vector.broadcast %add3A_820 : i32 to vector<16xi32>
        %add3A_822 = arith.addi %add3A_161, %add3A_821 : vector<16xi32>
        %gather3A_823 = tpu.vector_load_idx %arg7[%add3A_822] : memref<101079xi32, #tpu.memory_space<vmem>>[vector<16xi32>], vector<16xi32>,
        %bitcast3A_824 = vector.bitcast %gather3A_823 : vector<16xi32> to vector<32xbf16>
        %mul3A_825 = arith.mulf %bitcast3A_824, %pack3A_143 : vector<32xbf16>
        %add3A_826 = arith.addf %add3A_819, %mul3A_825 : vector<32xbf16>
        %unpack3A_827 = tpu.unpack_subelements %add3A_826, 0 {pack_format = #tpu.pack_format<interleaved>} : vector<32xbf16> -> vector<16xf32>
        %unpack3A_828 = tpu.unpack_subelements %add3A_826, 1 {pack_format = #tpu.pack_format<interleaved>} : vector<32xbf16> -> vector<16xf32>
        %add3A_829 = arith.constant 46 : i32
        %add3A_830 = vector.broadcast %add3A_829 : i32 to vector<16xi32>
        %add3A_831 = arith.addi %mul3A_164, %add3A_830 : vector<16xi32>
        tpu.vector_store_idx %arg15[%add3A_831], %unpack3A_827 : memref<5200xf32, #tpu.memory_space<vmem>>[vector<16xi32>], vector<16xf32>,
        %add3A_832 = arith.constant 47 : i32
        %add3A_833 = vector.broadcast %add3A_832 : i32 to vector<16xi32>
        %add3A_834 = arith.addi %mul3A_164, %add3A_833 : vector<16xi32>
        tpu.vector_store_idx %arg15[%add3A_834], %unpack3A_828 : memref<5200xf32, #tpu.memory_space<vmem>>[vector<16xi32>], vector<16xf32>,
        %add3A_835 = arith.constant 24 : i32
        %add3A_836 = vector.broadcast %add3A_835 : i32 to vector<16xi32>
        %add3A_837 = arith.addi %add3A_149, %add3A_836 : vector<16xi32>
        %gather3A_838 = tpu.vector_load_idx %arg7[%add3A_837] : memref<101079xi32, #tpu.memory_space<vmem>>[vector<16xi32>], vector<16xi32>,
        %bitcast3A_839 = vector.bitcast %gather3A_838 : vector<16xi32> to vector<32xbf16>
        %mul3A_840 = arith.mulf %bitcast3A_839, %pack3A : vector<32xbf16>
        %add3A_841 = arith.constant 24 : i32
        %add3A_842 = vector.broadcast %add3A_841 : i32 to vector<16xi32>
        %add3A_843 = arith.addi %add3A_155, %add3A_842 : vector<16xi32>
        %gather3A_844 = tpu.vector_load_idx %arg7[%add3A_843] : memref<101079xi32, #tpu.memory_space<vmem>>[vector<16xi32>], vector<16xi32>,
        %bitcast3A_845 = vector.bitcast %gather3A_844 : vector<16xi32> to vector<32xbf16>
        %mul3A_846 = arith.mulf %bitcast3A_845, %pack3A_137 : vector<32xbf16>
        %add3A_847 = arith.addf %mul3A_840, %mul3A_846 : vector<32xbf16>
        %add3A_848 = arith.constant 24 : i32
        %add3A_849 = vector.broadcast %add3A_848 : i32 to vector<16xi32>
        %add3A_850 = arith.addi %add3A_161, %add3A_849 : vector<16xi32>
        %gather3A_851 = tpu.vector_load_idx %arg7[%add3A_850] : memref<101079xi32, #tpu.memory_space<vmem>>[vector<16xi32>], vector<16xi32>,
        %bitcast3A_852 = vector.bitcast %gather3A_851 : vector<16xi32> to vector<32xbf16>
        %mul3A_853 = arith.mulf %bitcast3A_852, %pack3A_143 : vector<32xbf16>
        %add3A_854 = arith.addf %add3A_847, %mul3A_853 : vector<32xbf16>
        %unpack3A_855 = tpu.unpack_subelements %add3A_854, 0 {pack_format = #tpu.pack_format<interleaved>} : vector<32xbf16> -> vector<16xf32>
        %unpack3A_856 = tpu.unpack_subelements %add3A_854, 1 {pack_format = #tpu.pack_format<interleaved>} : vector<32xbf16> -> vector<16xf32>
        %add3A_857 = arith.constant 48 : i32
        %add3A_858 = vector.broadcast %add3A_857 : i32 to vector<16xi32>
        %add3A_859 = arith.addi %mul3A_164, %add3A_858 : vector<16xi32>
        tpu.vector_store_idx %arg15[%add3A_859], %unpack3A_855 : memref<5200xf32, #tpu.memory_space<vmem>>[vector<16xi32>], vector<16xf32>,
        %add3A_860 = arith.constant 49 : i32
        %add3A_861 = vector.broadcast %add3A_860 : i32 to vector<16xi32>
        %add3A_862 = arith.addi %mul3A_164, %add3A_861 : vector<16xi32>
        tpu.vector_store_idx %arg15[%add3A_862], %unpack3A_856 : memref<5200xf32, #tpu.memory_space<vmem>>[vector<16xi32>], vector<16xf32>,
        %add3A_863 = arith.constant 25 : i32
        %add3A_864 = vector.broadcast %add3A_863 : i32 to vector<16xi32>
        %add3A_865 = arith.addi %add3A_149, %add3A_864 : vector<16xi32>
        %gather3A_866 = tpu.vector_load_idx %arg7[%add3A_865] : memref<101079xi32, #tpu.memory_space<vmem>>[vector<16xi32>], vector<16xi32>,
        %bitcast3A_867 = vector.bitcast %gather3A_866 : vector<16xi32> to vector<32xbf16>
        %mul3A_868 = arith.mulf %bitcast3A_867, %pack3A : vector<32xbf16>
        %add3A_869 = arith.constant 25 : i32
        %add3A_870 = vector.broadcast %add3A_869 : i32 to vector<16xi32>
        %add3A_871 = arith.addi %add3A_155, %add3A_870 : vector<16xi32>
        %gather3A_872 = tpu.vector_load_idx %arg7[%add3A_871] : memref<101079xi32, #tpu.memory_space<vmem>>[vector<16xi32>], vector<16xi32>,
        %bitcast3A_873 = vector.bitcast %gather3A_872 : vector<16xi32> to vector<32xbf16>
        %mul3A_874 = arith.mulf %bitcast3A_873, %pack3A_137 : vector<32xbf16>
        %add3A_875 = arith.addf %mul3A_868, %mul3A_874 : vector<32xbf16>
        %add3A_876 = arith.constant 25 : i32
        %add3A_877 = vector.broadcast %add3A_876 : i32 to vector<16xi32>
        %add3A_878 = arith.addi %add3A_161, %add3A_877 : vector<16xi32>
        %gather3A_879 = tpu.vector_load_idx %arg7[%add3A_878] : memref<101079xi32, #tpu.memory_space<vmem>>[vector<16xi32>], vector<16xi32>,
        %bitcast3A_880 = vector.bitcast %gather3A_879 : vector<16xi32> to vector<32xbf16>
        %mul3A_881 = arith.mulf %bitcast3A_880, %pack3A_143 : vector<32xbf16>
        %add3A_882 = arith.addf %add3A_875, %mul3A_881 : vector<32xbf16>
        %unpack3A_883 = tpu.unpack_subelements %add3A_882, 0 {pack_format = #tpu.pack_format<interleaved>} : vector<32xbf16> -> vector<16xf32>
        %unpack3A_884 = tpu.unpack_subelements %add3A_882, 1 {pack_format = #tpu.pack_format<interleaved>} : vector<32xbf16> -> vector<16xf32>
        %add3A_885 = arith.constant 50 : i32
        %add3A_886 = vector.broadcast %add3A_885 : i32 to vector<16xi32>
        %add3A_887 = arith.addi %mul3A_164, %add3A_886 : vector<16xi32>
        tpu.vector_store_idx %arg15[%add3A_887], %unpack3A_883 : memref<5200xf32, #tpu.memory_space<vmem>>[vector<16xi32>], vector<16xf32>,
        %add3A_888 = arith.constant 51 : i32
        %add3A_889 = vector.broadcast %add3A_888 : i32 to vector<16xi32>
        %add3A_890 = arith.addi %mul3A_164, %add3A_889 : vector<16xi32>
        tpu.vector_store_idx %arg15[%add3A_890], %unpack3A_884 : memref<5200xf32, #tpu.memory_space<vmem>>[vector<16xi32>], vector<16xf32>,
        %add3A_891 = arith.constant 26 : i32
        %add3A_892 = vector.broadcast %add3A_891 : i32 to vector<16xi32>
        %add3A_893 = arith.addi %add3A_149, %add3A_892 : vector<16xi32>
        %gather3A_894 = tpu.vector_load_idx %arg7[%add3A_893] : memref<101079xi32, #tpu.memory_space<vmem>>[vector<16xi32>], vector<16xi32>,
        %bitcast3A_895 = vector.bitcast %gather3A_894 : vector<16xi32> to vector<32xbf16>
        %mul3A_896 = arith.mulf %bitcast3A_895, %pack3A : vector<32xbf16>
        %add3A_897 = arith.constant 26 : i32
        %add3A_898 = vector.broadcast %add3A_897 : i32 to vector<16xi32>
        %add3A_899 = arith.addi %add3A_155, %add3A_898 : vector<16xi32>
        %gather3A_900 = tpu.vector_load_idx %arg7[%add3A_899] : memref<101079xi32, #tpu.memory_space<vmem>>[vector<16xi32>], vector<16xi32>,
        %bitcast3A_901 = vector.bitcast %gather3A_900 : vector<16xi32> to vector<32xbf16>
        %mul3A_902 = arith.mulf %bitcast3A_901, %pack3A_137 : vector<32xbf16>
        %add3A_903 = arith.addf %mul3A_896, %mul3A_902 : vector<32xbf16>
        %add3A_904 = arith.constant 26 : i32
        %add3A_905 = vector.broadcast %add3A_904 : i32 to vector<16xi32>
        %add3A_906 = arith.addi %add3A_161, %add3A_905 : vector<16xi32>
        %gather3A_907 = tpu.vector_load_idx %arg7[%add3A_906] : memref<101079xi32, #tpu.memory_space<vmem>>[vector<16xi32>], vector<16xi32>,
        %bitcast3A_908 = vector.bitcast %gather3A_907 : vector<16xi32> to vector<32xbf16>
        %mul3A_909 = arith.mulf %bitcast3A_908, %pack3A_143 : vector<32xbf16>
        %add3A_910 = arith.addf %add3A_903, %mul3A_909 : vector<32xbf16>
        %unpack3A_911 = tpu.unpack_subelements %add3A_910, 0 {pack_format = #tpu.pack_format<interleaved>} : vector<32xbf16> -> vector<16xf32>
        %unpack3A_912 = tpu.unpack_subelements %add3A_910, 1 {pack_format = #tpu.pack_format<interleaved>} : vector<32xbf16> -> vector<16xf32>
        %add3A_913 = arith.constant 52 : i32
        %add3A_914 = vector.broadcast %add3A_913 : i32 to vector<16xi32>
        %add3A_915 = arith.addi %mul3A_164, %add3A_914 : vector<16xi32>
        tpu.vector_store_idx %arg15[%add3A_915], %unpack3A_911 : memref<5200xf32, #tpu.memory_space<vmem>>[vector<16xi32>], vector<16xf32>,
        %add3A_916 = arith.constant 53 : i32
        %add3A_917 = vector.broadcast %add3A_916 : i32 to vector<16xi32>
        %add3A_918 = arith.addi %mul3A_164, %add3A_917 : vector<16xi32>
        tpu.vector_store_idx %arg15[%add3A_918], %unpack3A_912 : memref<5200xf32, #tpu.memory_space<vmem>>[vector<16xi32>], vector<16xf32>,
        %add3A_919 = arith.constant 27 : i32
        %add3A_920 = vector.broadcast %add3A_919 : i32 to vector<16xi32>
        %add3A_921 = arith.addi %add3A_149, %add3A_920 : vector<16xi32>
        %gather3A_922 = tpu.vector_load_idx %arg7[%add3A_921] : memref<101079xi32, #tpu.memory_space<vmem>>[vector<16xi32>], vector<16xi32>,
        %bitcast3A_923 = vector.bitcast %gather3A_922 : vector<16xi32> to vector<32xbf16>
        %mul3A_924 = arith.mulf %bitcast3A_923, %pack3A : vector<32xbf16>
        %add3A_925 = arith.constant 27 : i32
        %add3A_926 = vector.broadcast %add3A_925 : i32 to vector<16xi32>
        %add3A_927 = arith.addi %add3A_155, %add3A_926 : vector<16xi32>
        %gather3A_928 = tpu.vector_load_idx %arg7[%add3A_927] : memref<101079xi32, #tpu.memory_space<vmem>>[vector<16xi32>], vector<16xi32>,
        %bitcast3A_929 = vector.bitcast %gather3A_928 : vector<16xi32> to vector<32xbf16>
        %mul3A_930 = arith.mulf %bitcast3A_929, %pack3A_137 : vector<32xbf16>
        %add3A_931 = arith.addf %mul3A_924, %mul3A_930 : vector<32xbf16>
        %add3A_932 = arith.constant 27 : i32
        %add3A_933 = vector.broadcast %add3A_932 : i32 to vector<16xi32>
        %add3A_934 = arith.addi %add3A_161, %add3A_933 : vector<16xi32>
        %gather3A_935 = tpu.vector_load_idx %arg7[%add3A_934] : memref<101079xi32, #tpu.memory_space<vmem>>[vector<16xi32>], vector<16xi32>,
        %bitcast3A_936 = vector.bitcast %gather3A_935 : vector<16xi32> to vector<32xbf16>
        %mul3A_937 = arith.mulf %bitcast3A_936, %pack3A_143 : vector<32xbf16>
        %add3A_938 = arith.addf %add3A_931, %mul3A_937 : vector<32xbf16>
        %unpack3A_939 = tpu.unpack_subelements %add3A_938, 0 {pack_format = #tpu.pack_format<interleaved>} : vector<32xbf16> -> vector<16xf32>
        %unpack3A_940 = tpu.unpack_subelements %add3A_938, 1 {pack_format = #tpu.pack_format<interleaved>} : vector<32xbf16> -> vector<16xf32>
        %add3A_941 = arith.constant 54 : i32
        %add3A_942 = vector.broadcast %add3A_941 : i32 to vector<16xi32>
        %add3A_943 = arith.addi %mul3A_164, %add3A_942 : vector<16xi32>
        tpu.vector_store_idx %arg15[%add3A_943], %unpack3A_939 : memref<5200xf32, #tpu.memory_space<vmem>>[vector<16xi32>], vector<16xf32>,
        %add3A_944 = arith.constant 55 : i32
        %add3A_945 = vector.broadcast %add3A_944 : i32 to vector<16xi32>
        %add3A_946 = arith.addi %mul3A_164, %add3A_945 : vector<16xi32>
        tpu.vector_store_idx %arg15[%add3A_946], %unpack3A_940 : memref<5200xf32, #tpu.memory_space<vmem>>[vector<16xi32>], vector<16xf32>,
        %add3A_947 = arith.constant 28 : i32
        %add3A_948 = vector.broadcast %add3A_947 : i32 to vector<16xi32>
        %add3A_949 = arith.addi %add3A_149, %add3A_948 : vector<16xi32>
        %gather3A_950 = tpu.vector_load_idx %arg7[%add3A_949] : memref<101079xi32, #tpu.memory_space<vmem>>[vector<16xi32>], vector<16xi32>,
        %bitcast3A_951 = vector.bitcast %gather3A_950 : vector<16xi32> to vector<32xbf16>
        %mul3A_952 = arith.mulf %bitcast3A_951, %pack3A : vector<32xbf16>
        %add3A_953 = arith.constant 28 : i32
        %add3A_954 = vector.broadcast %add3A_953 : i32 to vector<16xi32>
        %add3A_955 = arith.addi %add3A_155, %add3A_954 : vector<16xi32>
        %gather3A_956 = tpu.vector_load_idx %arg7[%add3A_955] : memref<101079xi32, #tpu.memory_space<vmem>>[vector<16xi32>], vector<16xi32>,
        %bitcast3A_957 = vector.bitcast %gather3A_956 : vector<16xi32> to vector<32xbf16>
        %mul3A_958 = arith.mulf %bitcast3A_957, %pack3A_137 : vector<32xbf16>
        %add3A_959 = arith.addf %mul3A_952, %mul3A_958 : vector<32xbf16>
        %add3A_960 = arith.constant 28 : i32
        %add3A_961 = vector.broadcast %add3A_960 : i32 to vector<16xi32>
        %add3A_962 = arith.addi %add3A_161, %add3A_961 : vector<16xi32>
        %gather3A_963 = tpu.vector_load_idx %arg7[%add3A_962] : memref<101079xi32, #tpu.memory_space<vmem>>[vector<16xi32>], vector<16xi32>,
        %bitcast3A_964 = vector.bitcast %gather3A_963 : vector<16xi32> to vector<32xbf16>
        %mul3A_965 = arith.mulf %bitcast3A_964, %pack3A_143 : vector<32xbf16>
        %add3A_966 = arith.addf %add3A_959, %mul3A_965 : vector<32xbf16>
        %unpack3A_967 = tpu.unpack_subelements %add3A_966, 0 {pack_format = #tpu.pack_format<interleaved>} : vector<32xbf16> -> vector<16xf32>
        %unpack3A_968 = tpu.unpack_subelements %add3A_966, 1 {pack_format = #tpu.pack_format<interleaved>} : vector<32xbf16> -> vector<16xf32>
        %add3A_969 = arith.constant 56 : i32
        %add3A_970 = vector.broadcast %add3A_969 : i32 to vector<16xi32>
        %add3A_971 = arith.addi %mul3A_164, %add3A_970 : vector<16xi32>
        tpu.vector_store_idx %arg15[%add3A_971], %unpack3A_967 : memref<5200xf32, #tpu.memory_space<vmem>>[vector<16xi32>], vector<16xf32>,
        %add3A_972 = arith.constant 57 : i32
        %add3A_973 = vector.broadcast %add3A_972 : i32 to vector<16xi32>
        %add3A_974 = arith.addi %mul3A_164, %add3A_973 : vector<16xi32>
        tpu.vector_store_idx %arg15[%add3A_974], %unpack3A_968 : memref<5200xf32, #tpu.memory_space<vmem>>[vector<16xi32>], vector<16xf32>,
        %add3A_975 = arith.constant 29 : i32
        %add3A_976 = vector.broadcast %add3A_975 : i32 to vector<16xi32>
        %add3A_977 = arith.addi %add3A_149, %add3A_976 : vector<16xi32>
        %gather3A_978 = tpu.vector_load_idx %arg7[%add3A_977] : memref<101079xi32, #tpu.memory_space<vmem>>[vector<16xi32>], vector<16xi32>,
        %bitcast3A_979 = vector.bitcast %gather3A_978 : vector<16xi32> to vector<32xbf16>
        %mul3A_980 = arith.mulf %bitcast3A_979, %pack3A : vector<32xbf16>
        %add3A_981 = arith.constant 29 : i32
        %add3A_982 = vector.broadcast %add3A_981 : i32 to vector<16xi32>
        %add3A_983 = arith.addi %add3A_155, %add3A_982 : vector<16xi32>
        %gather3A_984 = tpu.vector_load_idx %arg7[%add3A_983] : memref<101079xi32, #tpu.memory_space<vmem>>[vector<16xi32>], vector<16xi32>,
        %bitcast3A_985 = vector.bitcast %gather3A_984 : vector<16xi32> to vector<32xbf16>
        %mul3A_986 = arith.mulf %bitcast3A_985, %pack3A_137 : vector<32xbf16>
        %add3A_987 = arith.addf %mul3A_980, %mul3A_986 : vector<32xbf16>
        %add3A_988 = arith.constant 29 : i32
        %add3A_989 = vector.broadcast %add3A_988 : i32 to vector<16xi32>
        %add3A_990 = arith.addi %add3A_161, %add3A_989 : vector<16xi32>
        %gather3A_991 = tpu.vector_load_idx %arg7[%add3A_990] : memref<101079xi32, #tpu.memory_space<vmem>>[vector<16xi32>], vector<16xi32>,
        %bitcast3A_992 = vector.bitcast %gather3A_991 : vector<16xi32> to vector<32xbf16>
        %mul3A_993 = arith.mulf %bitcast3A_992, %pack3A_143 : vector<32xbf16>
        %add3A_994 = arith.addf %add3A_987, %mul3A_993 : vector<32xbf16>
        %unpack3A_995 = tpu.unpack_subelements %add3A_994, 0 {pack_format = #tpu.pack_format<interleaved>} : vector<32xbf16> -> vector<16xf32>
        %unpack3A_996 = tpu.unpack_subelements %add3A_994, 1 {pack_format = #tpu.pack_format<interleaved>} : vector<32xbf16> -> vector<16xf32>
        %add3A_997 = arith.constant 58 : i32
        %add3A_998 = vector.broadcast %add3A_997 : i32 to vector<16xi32>
        %add3A_999 = arith.addi %mul3A_164, %add3A_998 : vector<16xi32>
        tpu.vector_store_idx %arg15[%add3A_999], %unpack3A_995 : memref<5200xf32, #tpu.memory_space<vmem>>[vector<16xi32>], vector<16xf32>,
        %add3A_1000 = arith.constant 59 : i32
        %add3A_1001 = vector.broadcast %add3A_1000 : i32 to vector<16xi32>
        %add3A_1002 = arith.addi %mul3A_164, %add3A_1001 : vector<16xi32>
        tpu.vector_store_idx %arg15[%add3A_1002], %unpack3A_996 : memref<5200xf32, #tpu.memory_space<vmem>>[vector<16xi32>], vector<16xf32>,
        %add3A_1003 = arith.constant 30 : i32
        %add3A_1004 = vector.broadcast %add3A_1003 : i32 to vector<16xi32>
        %add3A_1005 = arith.addi %add3A_149, %add3A_1004 : vector<16xi32>
        %gather3A_1006 = tpu.vector_load_idx %arg7[%add3A_1005] : memref<101079xi32, #tpu.memory_space<vmem>>[vector<16xi32>], vector<16xi32>,
        %bitcast3A_1007 = vector.bitcast %gather3A_1006 : vector<16xi32> to vector<32xbf16>
        %mul3A_1008 = arith.mulf %bitcast3A_1007, %pack3A : vector<32xbf16>
        %add3A_1009 = arith.constant 30 : i32
        %add3A_1010 = vector.broadcast %add3A_1009 : i32 to vector<16xi32>
        %add3A_1011 = arith.addi %add3A_155, %add3A_1010 : vector<16xi32>
        %gather3A_1012 = tpu.vector_load_idx %arg7[%add3A_1011] : memref<101079xi32, #tpu.memory_space<vmem>>[vector<16xi32>], vector<16xi32>,
        %bitcast3A_1013 = vector.bitcast %gather3A_1012 : vector<16xi32> to vector<32xbf16>
        %mul3A_1014 = arith.mulf %bitcast3A_1013, %pack3A_137 : vector<32xbf16>
        %add3A_1015 = arith.addf %mul3A_1008, %mul3A_1014 : vector<32xbf16>
        %add3A_1016 = arith.constant 30 : i32
        %add3A_1017 = vector.broadcast %add3A_1016 : i32 to vector<16xi32>
        %add3A_1018 = arith.addi %add3A_161, %add3A_1017 : vector<16xi32>
        %gather3A_1019 = tpu.vector_load_idx %arg7[%add3A_1018] : memref<101079xi32, #tpu.memory_space<vmem>>[vector<16xi32>], vector<16xi32>,
        %bitcast3A_1020 = vector.bitcast %gather3A_1019 : vector<16xi32> to vector<32xbf16>
        %mul3A_1021 = arith.mulf %bitcast3A_1020, %pack3A_143 : vector<32xbf16>
        %add3A_1022 = arith.addf %add3A_1015, %mul3A_1021 : vector<32xbf16>
        %unpack3A_1023 = tpu.unpack_subelements %add3A_1022, 0 {pack_format = #tpu.pack_format<interleaved>} : vector<32xbf16> -> vector<16xf32>
        %unpack3A_1024 = tpu.unpack_subelements %add3A_1022, 1 {pack_format = #tpu.pack_format<interleaved>} : vector<32xbf16> -> vector<16xf32>
        %add3A_1025 = arith.constant 60 : i32
        %add3A_1026 = vector.broadcast %add3A_1025 : i32 to vector<16xi32>
        %add3A_1027 = arith.addi %mul3A_164, %add3A_1026 : vector<16xi32>
        tpu.vector_store_idx %arg15[%add3A_1027], %unpack3A_1023 : memref<5200xf32, #tpu.memory_space<vmem>>[vector<16xi32>], vector<16xf32>,
        %add3A_1028 = arith.constant 61 : i32
        %add3A_1029 = vector.broadcast %add3A_1028 : i32 to vector<16xi32>
        %add3A_1030 = arith.addi %mul3A_164, %add3A_1029 : vector<16xi32>
        tpu.vector_store_idx %arg15[%add3A_1030], %unpack3A_1024 : memref<5200xf32, #tpu.memory_space<vmem>>[vector<16xi32>], vector<16xf32>,
        %add3A_1031 = arith.constant 31 : i32
        %add3A_1032 = vector.broadcast %add3A_1031 : i32 to vector<16xi32>
        %add3A_1033 = arith.addi %add3A_149, %add3A_1032 : vector<16xi32>
        %gather3A_1034 = tpu.vector_load_idx %arg7[%add3A_1033] : memref<101079xi32, #tpu.memory_space<vmem>>[vector<16xi32>], vector<16xi32>,
        %bitcast3A_1035 = vector.bitcast %gather3A_1034 : vector<16xi32> to vector<32xbf16>
        %mul3A_1036 = arith.mulf %bitcast3A_1035, %pack3A : vector<32xbf16>
        %add3A_1037 = arith.constant 31 : i32
        %add3A_1038 = vector.broadcast %add3A_1037 : i32 to vector<16xi32>
        %add3A_1039 = arith.addi %add3A_155, %add3A_1038 : vector<16xi32>
        %gather3A_1040 = tpu.vector_load_idx %arg7[%add3A_1039] : memref<101079xi32, #tpu.memory_space<vmem>>[vector<16xi32>], vector<16xi32>,
        %bitcast3A_1041 = vector.bitcast %gather3A_1040 : vector<16xi32> to vector<32xbf16>
        %mul3A_1042 = arith.mulf %bitcast3A_1041, %pack3A_137 : vector<32xbf16>
        %add3A_1043 = arith.addf %mul3A_1036, %mul3A_1042 : vector<32xbf16>
        %add3A_1044 = arith.constant 31 : i32
        %add3A_1045 = vector.broadcast %add3A_1044 : i32 to vector<16xi32>
        %add3A_1046 = arith.addi %add3A_161, %add3A_1045 : vector<16xi32>
        %gather3A_1047 = tpu.vector_load_idx %arg7[%add3A_1046] : memref<101079xi32, #tpu.memory_space<vmem>>[vector<16xi32>], vector<16xi32>,
        %bitcast3A_1048 = vector.bitcast %gather3A_1047 : vector<16xi32> to vector<32xbf16>
        %mul3A_1049 = arith.mulf %bitcast3A_1048, %pack3A_143 : vector<32xbf16>
        %add3A_1050 = arith.addf %add3A_1043, %mul3A_1049 : vector<32xbf16>
        %unpack3A_1051 = tpu.unpack_subelements %add3A_1050, 0 {pack_format = #tpu.pack_format<interleaved>} : vector<32xbf16> -> vector<16xf32>
        %unpack3A_1052 = tpu.unpack_subelements %add3A_1050, 1 {pack_format = #tpu.pack_format<interleaved>} : vector<32xbf16> -> vector<16xf32>
        %add3A_1053 = arith.constant 62 : i32
        %add3A_1054 = vector.broadcast %add3A_1053 : i32 to vector<16xi32>
        %add3A_1055 = arith.addi %mul3A_164, %add3A_1054 : vector<16xi32>
        tpu.vector_store_idx %arg15[%add3A_1055], %unpack3A_1051 : memref<5200xf32, #tpu.memory_space<vmem>>[vector<16xi32>], vector<16xf32>,
        %add3A_1056 = arith.constant 63 : i32
        %add3A_1057 = vector.broadcast %add3A_1056 : i32 to vector<16xi32>
        %add3A_1058 = arith.addi %mul3A_164, %add3A_1057 : vector<16xi32>
        tpu.vector_store_idx %arg15[%add3A_1058], %unpack3A_1052 : memref<5200xf32, #tpu.memory_space<vmem>>[vector<16xi32>], vector<16xf32>,
      }
      %scan3A_58 = arith.constant 5 : i32
      %scan3A_59 = arith.constant 0 : i32
      %scan3A_60 = arith.constant 0 : i32
      %scan3A_61 = arith.constant 80 : i32
      %scan3A_62 = arith.addi %scan3A_60, %scan3A_61 : i32
      %scan3A_63 = arith.constant 1 : i32
      scf.for %scan3A_115 = %scan3A_60 to %scan3A_62 step %scan3A_63  : i32 {
        %mul3A_116 = arith.constant 65 : i32
        %mul3A_117 = arith.muli %scan3A_115, %mul3A_116 : i32
        %add3A_118 = arith.constant 0 : i32
        %add3A_119 = arith.addi %mul3A_117, %add3A_118 : i32
        %get3A = arith.index_cast %add3A_119 : i32 to index
        %get3A_120 = tpu.vector_load %arg15[%get3A] {strides = array<i32>} : memref<5200xf32, #tpu.memory_space<vmem>>, vector<16xf32>,
        %mul3A_121 = arith.constant 64 : i32
        %mul3A_122 = arith.muli %scan3A_115, %mul3A_121 : i32
        %add3A_123 = arith.constant 0 : i32
        %add3A_124 = arith.addi %mul3A_122, %add3A_123 : i32
        %swap3A = arith.index_cast %add3A_124 : i32 to index
        %swap3A_125 = tpu.vector_load %arg16[%swap3A] {strides = array<i32>} : memref<5120xf32, #tpu.memory_space<vmem>>, vector<16xf32>,
        tpu.vector_store %arg16[%swap3A], %get3A_120 {strides = array<i32>} : memref<5120xf32, #tpu.memory_space<vmem>>, vector<16xf32>,
        %mul3A_126 = arith.constant 65 : i32
        %mul3A_127 = arith.muli %scan3A_115, %mul3A_126 : i32
        %add3A_128 = arith.constant 16 : i32
        %add3A_129 = arith.addi %mul3A_127, %add3A_128 : i32
        %get3A_130 = arith.index_cast %add3A_129 : i32 to index
        %get3A_131 = tpu.vector_load %arg15[%get3A_130] {strides = array<i32>} : memref<5200xf32, #tpu.memory_space<vmem>>, vector<16xf32>,
        %mul3A_132 = arith.constant 64 : i32
        %mul3A_133 = arith.muli %scan3A_115, %mul3A_132 : i32
        %add3A_134 = arith.constant 16 : i32
        %add3A_135 = arith.addi %mul3A_133, %add3A_134 : i32
        %swap3A_136 = arith.index_cast %add3A_135 : i32 to index
        %swap3A_137 = tpu.vector_load %arg16[%swap3A_136] {strides = array<i32>} : memref<5120xf32, #tpu.memory_space<vmem>>, vector<16xf32>,
        tpu.vector_store %arg16[%swap3A_136], %get3A_131 {strides = array<i32>} : memref<5120xf32, #tpu.memory_space<vmem>>, vector<16xf32>,
        %mul3A_138 = arith.constant 65 : i32
        %mul3A_139 = arith.muli %scan3A_115, %mul3A_138 : i32
        %add3A_140 = arith.constant 32 : i32
        %add3A_141 = arith.addi %mul3A_139, %add3A_140 : i32
        %get3A_142 = arith.index_cast %add3A_141 : i32 to index
        %get3A_143 = tpu.vector_load %arg15[%get3A_142] {strides = array<i32>} : memref<5200xf32, #tpu.memory_space<vmem>>, vector<16xf32>,
        %mul3A_144 = arith.constant 64 : i32
        %mul3A_145 = arith.muli %scan3A_115, %mul3A_144 : i32
        %add3A_146 = arith.constant 32 : i32
        %add3A_147 = arith.addi %mul3A_145, %add3A_146 : i32
        %swap3A_148 = arith.index_cast %add3A_147 : i32 to index
        %swap3A_149 = tpu.vector_load %arg16[%swap3A_148] {strides = array<i32>} : memref<5120xf32, #tpu.memory_space<vmem>>, vector<16xf32>,
        tpu.vector_store %arg16[%swap3A_148], %get3A_143 {strides = array<i32>} : memref<5120xf32, #tpu.memory_space<vmem>>, vector<16xf32>,
        %mul3A_150 = arith.constant 65 : i32
        %mul3A_151 = arith.muli %scan3A_115, %mul3A_150 : i32
        %add3A_152 = arith.constant 48 : i32
        %add3A_153 = arith.addi %mul3A_151, %add3A_152 : i32
        %get3A_154 = arith.index_cast %add3A_153 : i32 to index
        %get3A_155 = tpu.vector_load %arg15[%get3A_154] {strides = array<i32>} : memref<5200xf32, #tpu.memory_space<vmem>>, vector<16xf32>,
        %mul3A_156 = arith.constant 64 : i32
        %mul3A_157 = arith.muli %scan3A_115, %mul3A_156 : i32
        %add3A_158 = arith.constant 48 : i32
        %add3A_159 = arith.addi %mul3A_157, %add3A_158 : i32
        %swap3A_160 = arith.index_cast %add3A_159 : i32 to index
        %swap3A_161 = tpu.vector_load %arg16[%swap3A_160] {strides = array<i32>} : memref<5120xf32, #tpu.memory_space<vmem>>, vector<16xf32>,
        tpu.vector_store %arg16[%swap3A_160], %get3A_155 {strides = array<i32>} : memref<5120xf32, #tpu.memory_space<vmem>>, vector<16xf32>,
      }
      %scan3A_64 = arith.constant 80 : i32
      %mul3A_65 = arith.constant 80 : i32
      %mul3A_66 = arith.muli %mul3A_24, %mul3A_65 : i32
      %add3A_67 = arith.addi %mul3A_2, %mul3A_66 : i32
      %mul3A_68 = arith.constant 64 : i32
      %mul3A_69 = arith.muli %add3A_67, %mul3A_68 : i32
      %dma_start3A_70 = tpu.memref_slice %arg6[%mul3A_69] : memref<13107200xf32, #tpu.memory_space<hbm>> -> memref<5120xf32, #tpu.memory_space<hbm>>
      %dma_start3A_71 = tpu.memref_slice %arg6[%mul3A_69] : memref<13107200xf32, #tpu.memory_space<hbm>> -> memref<5120xf32, #tpu.memory_space<hbm>>
      tpu.enqueue_dma source(%arg16 : memref<5120xf32, #tpu.memory_space<vmem>>) target(%dma_start3A_71 : memref<5120xf32, #tpu.memory_space<hbm>>) target_semaphore(%arg19 : memref<!tpu.dma_semaphore, #tpu.memory_space<semaphore_mem>>)
      %add3A_72 = arith.constant 2 : i32
      %add3A_73 = arith.addi %mul3A_24, %add3A_72 : i32
      %lt3A = arith.constant 80 : i32
      %lt3A_74 = arith.cmpi slt, %add3A_73, %lt3A : i32
      %convert_element_type3A_75 = arith.extui %lt3A_74 : i1 to i32
      %cond3A_76 = arith.constant 0 : i32
      %cond3A_77 = arith.cmpi ne, %convert_element_type3A_75, %cond3A_76 : i32
      scf.if %cond3A_77 {
        %add3A_115 = arith.constant 2 : i32
        %add3A_116 = arith.addi %mul3A_24, %add3A_115 : i32
        %scan3A_117 = arith.constant 0 : i32
        %scan3A_118 = arith.constant 0 : i32
        %scan3A_119 = arith.constant 5 : i32
        %scan3A_120 = arith.addi %scan3A_118, %scan3A_119 : i32
        %scan3A_121 = arith.constant 1 : i32
        scf.for %scan3A_129 = %scan3A_118 to %scan3A_120 step %scan3A_121  : i32 {
          %mul3A_130 = arith.constant 80 : i32
          %mul3A_131 = arith.muli %add3A_116, %mul3A_130 : i32
          %mul3A_132 = arith.constant 16 : i32
          %mul3A_133 = arith.muli %scan3A_129, %mul3A_132 : i32
          %add3A_134 = arith.addi %mul3A_131, %mul3A_133 : i32
          %get3A = arith.index_cast %add3A_134 : i32 to index
          %get3A_135 = tpu.vector_load %arg8[%get3A] {strides = array<i32>} : memref<6400xi32, #tpu.memory_space<vmem>>, vector<16xi32>,
          %shift_right_arithmetic3A = arith.constant 3 : i32
          %shift_right_arithmetic3A_136 = vector.broadcast %shift_right_arithmetic3A : i32 to vector<16xi32>
          %shift_right_arithmetic3A_137 = arith.shrsi %get3A_135, %shift_right_arithmetic3A_136 : vector<16xi32>
          %add3A_138 = arith.constant 0 : i32
          %add3A_139 = vector.broadcast %add3A_138 : i32 to vector<16xi32>
          %add3A_140 = arith.addi %shift_right_arithmetic3A_137, %add3A_139 : vector<16xi32>
          %mul3A_141 = arith.constant 16 : i32
          %mul3A_142 = arith.muli %scan3A_129, %mul3A_141 : i32
          %add3A_143 = arith.constant 0 : i32
          %add3A_144 = arith.addi %add3A_143, %mul3A_142 : i32
          %swap3A = arith.index_cast %add3A_144 : i32 to index
          %swap3A_145 = tpu.vector_load %arg9[%swap3A] {strides = array<i32>} : memref<240xi32, #tpu.memory_space<vmem>>, vector<16xi32>,
          tpu.vector_store %arg9[%swap3A], %add3A_140 {strides = array<i32>} : memref<240xi32, #tpu.memory_space<vmem>>, vector<16xi32>,
          %add3A_146 = arith.constant 125000 : i32
          %add3A_147 = vector.broadcast %add3A_146 : i32 to vector<16xi32>
          %add3A_148 = arith.addi %shift_right_arithmetic3A_137, %add3A_147 : vector<16xi32>
          %mul3A_149 = arith.constant 16 : i32
          %mul3A_150 = arith.muli %scan3A_129, %mul3A_149 : i32
          %add3A_151 = arith.constant 80 : i32
          %add3A_152 = arith.addi %add3A_151, %mul3A_150 : i32
          %swap3A_153 = arith.index_cast %add3A_152 : i32 to index
          %swap3A_154 = tpu.vector_load %arg9[%swap3A_153] {strides = array<i32>} : memref<240xi32, #tpu.memory_space<vmem>>, vector<16xi32>,
          tpu.vector_store %arg9[%swap3A_153], %add3A_148 {strides = array<i32>} : memref<240xi32, #tpu.memory_space<vmem>>, vector<16xi32>,
          %add3A_155 = arith.constant 250000 : i32
          %add3A_156 = vector.broadcast %add3A_155 : i32 to vector<16xi32>
          %add3A_157 = arith.addi %shift_right_arithmetic3A_137, %add3A_156 : vector<16xi32>
          %mul3A_158 = arith.constant 16 : i32
          %mul3A_159 = arith.muli %scan3A_129, %mul3A_158 : i32
          %add3A_160 = arith.constant 160 : i32
          %add3A_161 = arith.addi %add3A_160, %mul3A_159 : i32
          %swap3A_162 = arith.index_cast %add3A_161 : i32 to index
          %swap3A_163 = tpu.vector_load %arg9[%swap3A_162] {strides = array<i32>} : memref<240xi32, #tpu.memory_space<vmem>>, vector<16xi32>,
          tpu.vector_store %arg9[%swap3A_162], %add3A_157 {strides = array<i32>} : memref<240xi32, #tpu.memory_space<vmem>>, vector<16xi32>,
        }
        %scan3A_122 = arith.constant 5 : i32
        %dma_start3A_123 = arith.constant 0 : i32
        %dma_start3A_124 = arith.constant 0 : i32
        %dma_start3A_125 = tpu.memref_slice %arg4[%dma_start3A_123, %dma_start3A_124] : memref<375000x8xi32, #tpu.memory_space<hbm>> -> memref<375000x8xi32, #tpu.memory_space<hbm>>
        tpu.enqueue_indirect_dma source(%dma_start3A_125 : memref<375000x8xi32, #tpu.memory_space<hbm>>) target(%arg11 : memref<240x8xi32, #tpu.memory_space<vmem>>) offsets(%arg9 : memref<240xi32, #tpu.memory_space<vmem>>) semaphore(%arg17 : memref<!tpu.dma_semaphore, #tpu.memory_space<semaphore_mem>>)
        %dma_start3A_126 = arith.constant 0 : i32
        %dma_start3A_127 = arith.constant 0 : i32
        %dma_start3A_128 = tpu.memref_slice %arg5[%dma_start3A_126, %dma_start3A_127] : memref<375000x8xf32, #tpu.memory_space<hbm>> -> memref<375000x8xf32, #tpu.memory_space<hbm>>
        tpu.enqueue_indirect_dma source(%dma_start3A_128 : memref<375000x8xf32, #tpu.memory_space<hbm>>) target(%arg13 : memref<240x8xf32, #tpu.memory_space<vmem>>) offsets(%arg9 : memref<240xi32, #tpu.memory_space<vmem>>) semaphore(%arg17 : memref<!tpu.dma_semaphore, #tpu.memory_space<semaphore_mem>>)
      } else {
      }
      %dma_wait3A_78 = arith.constant 0 : i32
      %dma_wait3A_79 = arith.constant 0 : i32
      %dma_wait3A_80 = tpu.memref_slice %arg4[%dma_wait3A_78, %dma_wait3A_79] : memref<375000x8xi32, #tpu.memory_space<hbm>> -> memref<240x8xi32, #tpu.memory_space<hbm>>
      %dma_wait3A_81 = arith.constant 0 : i32
      %dma_wait3A_82 = arith.constant 0 : i32
      %dma_wait3A_83 = tpu.memref_slice %arg4[%dma_wait3A_81, %dma_wait3A_82] : memref<375000x8xi32, #tpu.memory_space<hbm>> -> memref<240x8xi32, #tpu.memory_space<hbm>>
      tpu.wait_dma2 semaphore(%arg18 : memref<!tpu.dma_semaphore, #tpu.memory_space<semaphore_mem>>) src(%dma_wait3A_83 : memref<240x8xi32, #tpu.memory_space<hbm>>) dst(%arg12 : memref<240x8xi32, #tpu.memory_space<vmem>>)
      %dma_wait3A_84 = arith.constant 0 : i32
      %dma_wait3A_85 = arith.constant 0 : i32
      %dma_wait3A_86 = tpu.memref_slice %arg5[%dma_wait3A_84, %dma_wait3A_85] : memref<375000x8xf32, #tpu.memory_space<hbm>> -> memref<240x8xf32, #tpu.memory_space<hbm>>
      %dma_wait3A_87 = arith.constant 0 : i32
      %dma_wait3A_88 = arith.constant 0 : i32
      %dma_wait3A_89 = tpu.memref_slice %arg5[%dma_wait3A_87, %dma_wait3A_88] : memref<375000x8xf32, #tpu.memory_space<hbm>> -> memref<240x8xf32, #tpu.memory_space<hbm>>
      tpu.wait_dma2 semaphore(%arg18 : memref<!tpu.dma_semaphore, #tpu.memory_space<semaphore_mem>>) src(%dma_wait3A_89 : memref<240x8xf32, #tpu.memory_space<hbm>>) dst(%arg14 : memref<240x8xf32, #tpu.memory_space<vmem>>)
      %mul3A_90 = arith.constant 64 : i32
      %mul3A_91 = arith.muli %mul3A_2, %mul3A_90 : i32
      %dma_wait3A_92 = tpu.memref_slice %arg6[%mul3A_91] : memref<13107200xf32, #tpu.memory_space<hbm>> -> memref<5120xf32, #tpu.memory_space<hbm>>
      %dma_wait3A_93 = tpu.memref_slice %arg6[%mul3A_91] : memref<13107200xf32, #tpu.memory_space<hbm>> -> memref<5120xf32, #tpu.memory_space<hbm>>
      tpu.wait_dma2 semaphore(%arg19 : memref<!tpu.dma_semaphore, #tpu.memory_space<semaphore_mem>>) src(%arg16 : memref<5120xf32, #tpu.memory_space<vmem>>) dst(%dma_wait3A_93 : memref<5120xf32, #tpu.memory_space<hbm>>)
      %add3A_94 = arith.constant 1 : i32
      %add3A_95 = arith.addi %mul3A_24, %add3A_94 : i32
      %scan3A_96 = arith.constant 0 : i32
      %scan3A_97 = arith.constant 0 : i32
      %scan3A_98 = arith.constant 5 : i32
      %scan3A_99 = arith.addi %scan3A_97, %scan3A_98 : i32
      %scan3A_100 = arith.constant 1 : i32
      scf.for %scan3A_115 = %scan3A_97 to %scan3A_99 step %scan3A_100  : i32 {
        %iota3A = tpu.iota {dimensions = array<i32: 0>} : vector<16xi32>
        %mul3A_116 = arith.constant 16 : i32
        %mul3A_117 = arith.muli %scan3A_115, %mul3A_116 : i32
        %add3A_118 = vector.broadcast %mul3A_117 : i32 to vector<16xi32>
        %add3A_119 = arith.addi %iota3A, %add3A_118 : vector<16xi32>
        %mul3A_120 = arith.constant 80 : i32
        %mul3A_121 = arith.muli %add3A_95, %mul3A_120 : i32
        %mul3A_122 = arith.constant 16 : i32
        %mul3A_123 = arith.muli %scan3A_115, %mul3A_122 : i32
        %add3A_124 = arith.addi %mul3A_121, %mul3A_123 : i32
        %get3A = arith.index_cast %add3A_124 : i32 to index
        %get3A_125 = tpu.vector_load %arg8[%get3A] {strides = array<i32>} : memref<6400xi32, #tpu.memory_space<vmem>>, vector<16xi32>,
        %and3A = arith.constant 7 : i32
        %and3A_126 = vector.broadcast %and3A : i32 to vector<16xi32>
        %and3A_127 = arith.andi %get3A_125, %and3A_126 : vector<16xi32>
        %add3A_128 = arith.constant 0 : i32
        %add3A_129 = vector.broadcast %add3A_128 : i32 to vector<16xi32>
        %add3A_130 = arith.addi %add3A_119, %add3A_129 : vector<16xi32>
        %gather3A = tpu.vector_load_idx %arg12[%add3A_130, %and3A_127] : memref<240x8xi32, #tpu.memory_space<vmem>>[vector<16xi32>, vector<16xi32>], vector<16xi32>,
        %gather3A_131 = tpu.vector_load_idx %arg14[%add3A_130, %and3A_127] : memref<240x8xf32, #tpu.memory_space<vmem>>[vector<16xi32>, vector<16xi32>], vector<16xf32>,
        %pack3A = tpu.pack_subelements %gather3A_131, %gather3A_131 {pack_format = #tpu.pack_format<interleaved>, positions = array<i32: 0, 1>} : vector<16xf32>, vector<16xf32> -> vector<32xbf16>
        %add3A_132 = arith.constant 80 : i32
        %add3A_133 = vector.broadcast %add3A_132 : i32 to vector<16xi32>
        %add3A_134 = arith.addi %add3A_119, %add3A_133 : vector<16xi32>
        %gather3A_135 = tpu.vector_load_idx %arg12[%add3A_134, %and3A_127] : memref<240x8xi32, #tpu.memory_space<vmem>>[vector<16xi32>, vector<16xi32>], vector<16xi32>,
        %gather3A_136 = tpu.vector_load_idx %arg14[%add3A_134, %and3A_127] : memref<240x8xf32, #tpu.memory_space<vmem>>[vector<16xi32>, vector<16xi32>], vector<16xf32>,
        %pack3A_137 = tpu.pack_subelements %gather3A_136, %gather3A_136 {pack_format = #tpu.pack_format<interleaved>, positions = array<i32: 0, 1>} : vector<16xf32>, vector<16xf32> -> vector<32xbf16>
        %add3A_138 = arith.constant 160 : i32
        %add3A_139 = vector.broadcast %add3A_138 : i32 to vector<16xi32>
        %add3A_140 = arith.addi %add3A_119, %add3A_139 : vector<16xi32>
        %gather3A_141 = tpu.vector_load_idx %arg12[%add3A_140, %and3A_127] : memref<240x8xi32, #tpu.memory_space<vmem>>[vector<16xi32>, vector<16xi32>], vector<16xi32>,
        %gather3A_142 = tpu.vector_load_idx %arg14[%add3A_140, %and3A_127] : memref<240x8xf32, #tpu.memory_space<vmem>>[vector<16xi32>, vector<16xi32>], vector<16xf32>,
        %pack3A_143 = tpu.pack_subelements %gather3A_142, %gather3A_142 {pack_format = #tpu.pack_format<interleaved>, positions = array<i32: 0, 1>} : vector<16xf32>, vector<16xf32> -> vector<32xbf16>
        %mul3A_144 = arith.constant 33 : i32
        %mul3A_145 = vector.broadcast %mul3A_144 : i32 to vector<16xi32>
        %mul3A_146 = arith.muli %gather3A, %mul3A_145 : vector<16xi32>
        %add3A_147 = arith.constant 0 : i32
        %add3A_148 = vector.broadcast %add3A_147 : i32 to vector<16xi32>
        %add3A_149 = arith.addi %mul3A_146, %add3A_148 : vector<16xi32>
        %mul3A_150 = arith.constant 33 : i32
        %mul3A_151 = vector.broadcast %mul3A_150 : i32 to vector<16xi32>
        %mul3A_152 = arith.muli %gather3A_135, %mul3A_151 : vector<16xi32>
        %add3A_153 = arith.constant 33693 : i32
        %add3A_154 = vector.broadcast %add3A_153 : i32 to vector<16xi32>
        %add3A_155 = arith.addi %mul3A_152, %add3A_154 : vector<16xi32>
        %mul3A_156 = arith.constant 33 : i32
        %mul3A_157 = vector.broadcast %mul3A_156 : i32 to vector<16xi32>
        %mul3A_158 = arith.muli %gather3A_141, %mul3A_157 : vector<16xi32>
        %add3A_159 = arith.constant 67386 : i32
        %add3A_160 = vector.broadcast %add3A_159 : i32 to vector<16xi32>
        %add3A_161 = arith.addi %mul3A_158, %add3A_160 : vector<16xi32>
        %mul3A_162 = arith.constant 65 : i32
        %mul3A_163 = vector.broadcast %mul3A_162 : i32 to vector<16xi32>
        %mul3A_164 = arith.muli %add3A_119, %mul3A_163 : vector<16xi32>
        %add3A_165 = arith.constant 0 : i32
        %add3A_166 = vector.broadcast %add3A_165 : i32 to vector<16xi32>
        %add3A_167 = arith.addi %add3A_149, %add3A_166 : vector<16xi32>
        %gather3A_168 = tpu.vector_load_idx %arg7[%add3A_167] : memref<101079xi32, #tpu.memory_space<vmem>>[vector<16xi32>], vector<16xi32>,
        %bitcast3A = vector.bitcast %gather3A_168 : vector<16xi32> to vector<32xbf16>
        %mul3A_169 = arith.mulf %bitcast3A, %pack3A : vector<32xbf16>
        %add3A_170 = arith.constant 0 : i32
        %add3A_171 = vector.broadcast %add3A_170 : i32 to vector<16xi32>
        %add3A_172 = arith.addi %add3A_155, %add3A_171 : vector<16xi32>
        %gather3A_173 = tpu.vector_load_idx %arg7[%add3A_172] : memref<101079xi32, #tpu.memory_space<vmem>>[vector<16xi32>], vector<16xi32>,
        %bitcast3A_174 = vector.bitcast %gather3A_173 : vector<16xi32> to vector<32xbf16>
        %mul3A_175 = arith.mulf %bitcast3A_174, %pack3A_137 : vector<32xbf16>
        %add3A_176 = arith.addf %mul3A_169, %mul3A_175 : vector<32xbf16>
        %add3A_177 = arith.constant 0 : i32
        %add3A_178 = vector.broadcast %add3A_177 : i32 to vector<16xi32>
        %add3A_179 = arith.addi %add3A_161, %add3A_178 : vector<16xi32>
        %gather3A_180 = tpu.vector_load_idx %arg7[%add3A_179] : memref<101079xi32, #tpu.memory_space<vmem>>[vector<16xi32>], vector<16xi32>,
        %bitcast3A_181 = vector.bitcast %gather3A_180 : vector<16xi32> to vector<32xbf16>
        %mul3A_182 = arith.mulf %bitcast3A_181, %pack3A_143 : vector<32xbf16>
        %add3A_183 = arith.addf %add3A_176, %mul3A_182 : vector<32xbf16>
        %unpack3A = tpu.unpack_subelements %add3A_183, 0 {pack_format = #tpu.pack_format<interleaved>} : vector<32xbf16> -> vector<16xf32>
        %unpack3A_184 = tpu.unpack_subelements %add3A_183, 1 {pack_format = #tpu.pack_format<interleaved>} : vector<32xbf16> -> vector<16xf32>
        %add3A_185 = arith.constant 0 : i32
        %add3A_186 = vector.broadcast %add3A_185 : i32 to vector<16xi32>
        %add3A_187 = arith.addi %mul3A_164, %add3A_186 : vector<16xi32>
        tpu.vector_store_idx %arg15[%add3A_187], %unpack3A : memref<5200xf32, #tpu.memory_space<vmem>>[vector<16xi32>], vector<16xf32>,
        %add3A_188 = arith.constant 1 : i32
        %add3A_189 = vector.broadcast %add3A_188 : i32 to vector<16xi32>
        %add3A_190 = arith.addi %mul3A_164, %add3A_189 : vector<16xi32>
        tpu.vector_store_idx %arg15[%add3A_190], %unpack3A_184 : memref<5200xf32, #tpu.memory_space<vmem>>[vector<16xi32>], vector<16xf32>,
        %add3A_191 = arith.constant 1 : i32
        %add3A_192 = vector.broadcast %add3A_191 : i32 to vector<16xi32>
        %add3A_193 = arith.addi %add3A_149, %add3A_192 : vector<16xi32>
        %gather3A_194 = tpu.vector_load_idx %arg7[%add3A_193] : memref<101079xi32, #tpu.memory_space<vmem>>[vector<16xi32>], vector<16xi32>,
        %bitcast3A_195 = vector.bitcast %gather3A_194 : vector<16xi32> to vector<32xbf16>
        %mul3A_196 = arith.mulf %bitcast3A_195, %pack3A : vector<32xbf16>
        %add3A_197 = arith.constant 1 : i32
        %add3A_198 = vector.broadcast %add3A_197 : i32 to vector<16xi32>
        %add3A_199 = arith.addi %add3A_155, %add3A_198 : vector<16xi32>
        %gather3A_200 = tpu.vector_load_idx %arg7[%add3A_199] : memref<101079xi32, #tpu.memory_space<vmem>>[vector<16xi32>], vector<16xi32>,
        %bitcast3A_201 = vector.bitcast %gather3A_200 : vector<16xi32> to vector<32xbf16>
        %mul3A_202 = arith.mulf %bitcast3A_201, %pack3A_137 : vector<32xbf16>
        %add3A_203 = arith.addf %mul3A_196, %mul3A_202 : vector<32xbf16>
        %add3A_204 = arith.constant 1 : i32
        %add3A_205 = vector.broadcast %add3A_204 : i32 to vector<16xi32>
        %add3A_206 = arith.addi %add3A_161, %add3A_205 : vector<16xi32>
        %gather3A_207 = tpu.vector_load_idx %arg7[%add3A_206] : memref<101079xi32, #tpu.memory_space<vmem>>[vector<16xi32>], vector<16xi32>,
        %bitcast3A_208 = vector.bitcast %gather3A_207 : vector<16xi32> to vector<32xbf16>
        %mul3A_209 = arith.mulf %bitcast3A_208, %pack3A_143 : vector<32xbf16>
        %add3A_210 = arith.addf %add3A_203, %mul3A_209 : vector<32xbf16>
        %unpack3A_211 = tpu.unpack_subelements %add3A_210, 0 {pack_format = #tpu.pack_format<interleaved>} : vector<32xbf16> -> vector<16xf32>
        %unpack3A_212 = tpu.unpack_subelements %add3A_210, 1 {pack_format = #tpu.pack_format<interleaved>} : vector<32xbf16> -> vector<16xf32>
        %add3A_213 = arith.constant 2 : i32
        %add3A_214 = vector.broadcast %add3A_213 : i32 to vector<16xi32>
        %add3A_215 = arith.addi %mul3A_164, %add3A_214 : vector<16xi32>
        tpu.vector_store_idx %arg15[%add3A_215], %unpack3A_211 : memref<5200xf32, #tpu.memory_space<vmem>>[vector<16xi32>], vector<16xf32>,
        %add3A_216 = arith.constant 3 : i32
        %add3A_217 = vector.broadcast %add3A_216 : i32 to vector<16xi32>
        %add3A_218 = arith.addi %mul3A_164, %add3A_217 : vector<16xi32>
        tpu.vector_store_idx %arg15[%add3A_218], %unpack3A_212 : memref<5200xf32, #tpu.memory_space<vmem>>[vector<16xi32>], vector<16xf32>,
        %add3A_219 = arith.constant 2 : i32
        %add3A_220 = vector.broadcast %add3A_219 : i32 to vector<16xi32>
        %add3A_221 = arith.addi %add3A_149, %add3A_220 : vector<16xi32>
        %gather3A_222 = tpu.vector_load_idx %arg7[%add3A_221] : memref<101079xi32, #tpu.memory_space<vmem>>[vector<16xi32>], vector<16xi32>,
        %bitcast3A_223 = vector.bitcast %gather3A_222 : vector<16xi32> to vector<32xbf16>
        %mul3A_224 = arith.mulf %bitcast3A_223, %pack3A : vector<32xbf16>
        %add3A_225 = arith.constant 2 : i32
        %add3A_226 = vector.broadcast %add3A_225 : i32 to vector<16xi32>
        %add3A_227 = arith.addi %add3A_155, %add3A_226 : vector<16xi32>
        %gather3A_228 = tpu.vector_load_idx %arg7[%add3A_227] : memref<101079xi32, #tpu.memory_space<vmem>>[vector<16xi32>], vector<16xi32>,
        %bitcast3A_229 = vector.bitcast %gather3A_228 : vector<16xi32> to vector<32xbf16>
        %mul3A_230 = arith.mulf %bitcast3A_229, %pack3A_137 : vector<32xbf16>
        %add3A_231 = arith.addf %mul3A_224, %mul3A_230 : vector<32xbf16>
        %add3A_232 = arith.constant 2 : i32
        %add3A_233 = vector.broadcast %add3A_232 : i32 to vector<16xi32>
        %add3A_234 = arith.addi %add3A_161, %add3A_233 : vector<16xi32>
        %gather3A_235 = tpu.vector_load_idx %arg7[%add3A_234] : memref<101079xi32, #tpu.memory_space<vmem>>[vector<16xi32>], vector<16xi32>,
        %bitcast3A_236 = vector.bitcast %gather3A_235 : vector<16xi32> to vector<32xbf16>
        %mul3A_237 = arith.mulf %bitcast3A_236, %pack3A_143 : vector<32xbf16>
        %add3A_238 = arith.addf %add3A_231, %mul3A_237 : vector<32xbf16>
        %unpack3A_239 = tpu.unpack_subelements %add3A_238, 0 {pack_format = #tpu.pack_format<interleaved>} : vector<32xbf16> -> vector<16xf32>
        %unpack3A_240 = tpu.unpack_subelements %add3A_238, 1 {pack_format = #tpu.pack_format<interleaved>} : vector<32xbf16> -> vector<16xf32>
        %add3A_241 = arith.constant 4 : i32
        %add3A_242 = vector.broadcast %add3A_241 : i32 to vector<16xi32>
        %add3A_243 = arith.addi %mul3A_164, %add3A_242 : vector<16xi32>
        tpu.vector_store_idx %arg15[%add3A_243], %unpack3A_239 : memref<5200xf32, #tpu.memory_space<vmem>>[vector<16xi32>], vector<16xf32>,
        %add3A_244 = arith.constant 5 : i32
        %add3A_245 = vector.broadcast %add3A_244 : i32 to vector<16xi32>
        %add3A_246 = arith.addi %mul3A_164, %add3A_245 : vector<16xi32>
        tpu.vector_store_idx %arg15[%add3A_246], %unpack3A_240 : memref<5200xf32, #tpu.memory_space<vmem>>[vector<16xi32>], vector<16xf32>,
        %add3A_247 = arith.constant 3 : i32
        %add3A_248 = vector.broadcast %add3A_247 : i32 to vector<16xi32>
        %add3A_249 = arith.addi %add3A_149, %add3A_248 : vector<16xi32>
        %gather3A_250 = tpu.vector_load_idx %arg7[%add3A_249] : memref<101079xi32, #tpu.memory_space<vmem>>[vector<16xi32>], vector<16xi32>,
        %bitcast3A_251 = vector.bitcast %gather3A_250 : vector<16xi32> to vector<32xbf16>
        %mul3A_252 = arith.mulf %bitcast3A_251, %pack3A : vector<32xbf16>
        %add3A_253 = arith.constant 3 : i32
        %add3A_254 = vector.broadcast %add3A_253 : i32 to vector<16xi32>
        %add3A_255 = arith.addi %add3A_155, %add3A_254 : vector<16xi32>
        %gather3A_256 = tpu.vector_load_idx %arg7[%add3A_255] : memref<101079xi32, #tpu.memory_space<vmem>>[vector<16xi32>], vector<16xi32>,
        %bitcast3A_257 = vector.bitcast %gather3A_256 : vector<16xi32> to vector<32xbf16>
        %mul3A_258 = arith.mulf %bitcast3A_257, %pack3A_137 : vector<32xbf16>
        %add3A_259 = arith.addf %mul3A_252, %mul3A_258 : vector<32xbf16>
        %add3A_260 = arith.constant 3 : i32
        %add3A_261 = vector.broadcast %add3A_260 : i32 to vector<16xi32>
        %add3A_262 = arith.addi %add3A_161, %add3A_261 : vector<16xi32>
        %gather3A_263 = tpu.vector_load_idx %arg7[%add3A_262] : memref<101079xi32, #tpu.memory_space<vmem>>[vector<16xi32>], vector<16xi32>,
        %bitcast3A_264 = vector.bitcast %gather3A_263 : vector<16xi32> to vector<32xbf16>
        %mul3A_265 = arith.mulf %bitcast3A_264, %pack3A_143 : vector<32xbf16>
        %add3A_266 = arith.addf %add3A_259, %mul3A_265 : vector<32xbf16>
        %unpack3A_267 = tpu.unpack_subelements %add3A_266, 0 {pack_format = #tpu.pack_format<interleaved>} : vector<32xbf16> -> vector<16xf32>
        %unpack3A_268 = tpu.unpack_subelements %add3A_266, 1 {pack_format = #tpu.pack_format<interleaved>} : vector<32xbf16> -> vector<16xf32>
        %add3A_269 = arith.constant 6 : i32
        %add3A_270 = vector.broadcast %add3A_269 : i32 to vector<16xi32>
        %add3A_271 = arith.addi %mul3A_164, %add3A_270 : vector<16xi32>
        tpu.vector_store_idx %arg15[%add3A_271], %unpack3A_267 : memref<5200xf32, #tpu.memory_space<vmem>>[vector<16xi32>], vector<16xf32>,
        %add3A_272 = arith.constant 7 : i32
        %add3A_273 = vector.broadcast %add3A_272 : i32 to vector<16xi32>
        %add3A_274 = arith.addi %mul3A_164, %add3A_273 : vector<16xi32>
        tpu.vector_store_idx %arg15[%add3A_274], %unpack3A_268 : memref<5200xf32, #tpu.memory_space<vmem>>[vector<16xi32>], vector<16xf32>,
        %add3A_275 = arith.constant 4 : i32
        %add3A_276 = vector.broadcast %add3A_275 : i32 to vector<16xi32>
        %add3A_277 = arith.addi %add3A_149, %add3A_276 : vector<16xi32>
        %gather3A_278 = tpu.vector_load_idx %arg7[%add3A_277] : memref<101079xi32, #tpu.memory_space<vmem>>[vector<16xi32>], vector<16xi32>,
        %bitcast3A_279 = vector.bitcast %gather3A_278 : vector<16xi32> to vector<32xbf16>
        %mul3A_280 = arith.mulf %bitcast3A_279, %pack3A : vector<32xbf16>
        %add3A_281 = arith.constant 4 : i32
        %add3A_282 = vector.broadcast %add3A_281 : i32 to vector<16xi32>
        %add3A_283 = arith.addi %add3A_155, %add3A_282 : vector<16xi32>
        %gather3A_284 = tpu.vector_load_idx %arg7[%add3A_283] : memref<101079xi32, #tpu.memory_space<vmem>>[vector<16xi32>], vector<16xi32>,
        %bitcast3A_285 = vector.bitcast %gather3A_284 : vector<16xi32> to vector<32xbf16>
        %mul3A_286 = arith.mulf %bitcast3A_285, %pack3A_137 : vector<32xbf16>
        %add3A_287 = arith.addf %mul3A_280, %mul3A_286 : vector<32xbf16>
        %add3A_288 = arith.constant 4 : i32
        %add3A_289 = vector.broadcast %add3A_288 : i32 to vector<16xi32>
        %add3A_290 = arith.addi %add3A_161, %add3A_289 : vector<16xi32>
        %gather3A_291 = tpu.vector_load_idx %arg7[%add3A_290] : memref<101079xi32, #tpu.memory_space<vmem>>[vector<16xi32>], vector<16xi32>,
        %bitcast3A_292 = vector.bitcast %gather3A_291 : vector<16xi32> to vector<32xbf16>
        %mul3A_293 = arith.mulf %bitcast3A_292, %pack3A_143 : vector<32xbf16>
        %add3A_294 = arith.addf %add3A_287, %mul3A_293 : vector<32xbf16>
        %unpack3A_295 = tpu.unpack_subelements %add3A_294, 0 {pack_format = #tpu.pack_format<interleaved>} : vector<32xbf16> -> vector<16xf32>
        %unpack3A_296 = tpu.unpack_subelements %add3A_294, 1 {pack_format = #tpu.pack_format<interleaved>} : vector<32xbf16> -> vector<16xf32>
        %add3A_297 = arith.constant 8 : i32
        %add3A_298 = vector.broadcast %add3A_297 : i32 to vector<16xi32>
        %add3A_299 = arith.addi %mul3A_164, %add3A_298 : vector<16xi32>
        tpu.vector_store_idx %arg15[%add3A_299], %unpack3A_295 : memref<5200xf32, #tpu.memory_space<vmem>>[vector<16xi32>], vector<16xf32>,
        %add3A_300 = arith.constant 9 : i32
        %add3A_301 = vector.broadcast %add3A_300 : i32 to vector<16xi32>
        %add3A_302 = arith.addi %mul3A_164, %add3A_301 : vector<16xi32>
        tpu.vector_store_idx %arg15[%add3A_302], %unpack3A_296 : memref<5200xf32, #tpu.memory_space<vmem>>[vector<16xi32>], vector<16xf32>,
        %add3A_303 = arith.constant 5 : i32
        %add3A_304 = vector.broadcast %add3A_303 : i32 to vector<16xi32>
        %add3A_305 = arith.addi %add3A_149, %add3A_304 : vector<16xi32>
        %gather3A_306 = tpu.vector_load_idx %arg7[%add3A_305] : memref<101079xi32, #tpu.memory_space<vmem>>[vector<16xi32>], vector<16xi32>,
        %bitcast3A_307 = vector.bitcast %gather3A_306 : vector<16xi32> to vector<32xbf16>
        %mul3A_308 = arith.mulf %bitcast3A_307, %pack3A : vector<32xbf16>
        %add3A_309 = arith.constant 5 : i32
        %add3A_310 = vector.broadcast %add3A_309 : i32 to vector<16xi32>
        %add3A_311 = arith.addi %add3A_155, %add3A_310 : vector<16xi32>
        %gather3A_312 = tpu.vector_load_idx %arg7[%add3A_311] : memref<101079xi32, #tpu.memory_space<vmem>>[vector<16xi32>], vector<16xi32>,
        %bitcast3A_313 = vector.bitcast %gather3A_312 : vector<16xi32> to vector<32xbf16>
        %mul3A_314 = arith.mulf %bitcast3A_313, %pack3A_137 : vector<32xbf16>
        %add3A_315 = arith.addf %mul3A_308, %mul3A_314 : vector<32xbf16>
        %add3A_316 = arith.constant 5 : i32
        %add3A_317 = vector.broadcast %add3A_316 : i32 to vector<16xi32>
        %add3A_318 = arith.addi %add3A_161, %add3A_317 : vector<16xi32>
        %gather3A_319 = tpu.vector_load_idx %arg7[%add3A_318] : memref<101079xi32, #tpu.memory_space<vmem>>[vector<16xi32>], vector<16xi32>,
        %bitcast3A_320 = vector.bitcast %gather3A_319 : vector<16xi32> to vector<32xbf16>
        %mul3A_321 = arith.mulf %bitcast3A_320, %pack3A_143 : vector<32xbf16>
        %add3A_322 = arith.addf %add3A_315, %mul3A_321 : vector<32xbf16>
        %unpack3A_323 = tpu.unpack_subelements %add3A_322, 0 {pack_format = #tpu.pack_format<interleaved>} : vector<32xbf16> -> vector<16xf32>
        %unpack3A_324 = tpu.unpack_subelements %add3A_322, 1 {pack_format = #tpu.pack_format<interleaved>} : vector<32xbf16> -> vector<16xf32>
        %add3A_325 = arith.constant 10 : i32
        %add3A_326 = vector.broadcast %add3A_325 : i32 to vector<16xi32>
        %add3A_327 = arith.addi %mul3A_164, %add3A_326 : vector<16xi32>
        tpu.vector_store_idx %arg15[%add3A_327], %unpack3A_323 : memref<5200xf32, #tpu.memory_space<vmem>>[vector<16xi32>], vector<16xf32>,
        %add3A_328 = arith.constant 11 : i32
        %add3A_329 = vector.broadcast %add3A_328 : i32 to vector<16xi32>
        %add3A_330 = arith.addi %mul3A_164, %add3A_329 : vector<16xi32>
        tpu.vector_store_idx %arg15[%add3A_330], %unpack3A_324 : memref<5200xf32, #tpu.memory_space<vmem>>[vector<16xi32>], vector<16xf32>,
        %add3A_331 = arith.constant 6 : i32
        %add3A_332 = vector.broadcast %add3A_331 : i32 to vector<16xi32>
        %add3A_333 = arith.addi %add3A_149, %add3A_332 : vector<16xi32>
        %gather3A_334 = tpu.vector_load_idx %arg7[%add3A_333] : memref<101079xi32, #tpu.memory_space<vmem>>[vector<16xi32>], vector<16xi32>,
        %bitcast3A_335 = vector.bitcast %gather3A_334 : vector<16xi32> to vector<32xbf16>
        %mul3A_336 = arith.mulf %bitcast3A_335, %pack3A : vector<32xbf16>
        %add3A_337 = arith.constant 6 : i32
        %add3A_338 = vector.broadcast %add3A_337 : i32 to vector<16xi32>
        %add3A_339 = arith.addi %add3A_155, %add3A_338 : vector<16xi32>
        %gather3A_340 = tpu.vector_load_idx %arg7[%add3A_339] : memref<101079xi32, #tpu.memory_space<vmem>>[vector<16xi32>], vector<16xi32>,
        %bitcast3A_341 = vector.bitcast %gather3A_340 : vector<16xi32> to vector<32xbf16>
        %mul3A_342 = arith.mulf %bitcast3A_341, %pack3A_137 : vector<32xbf16>
        %add3A_343 = arith.addf %mul3A_336, %mul3A_342 : vector<32xbf16>
        %add3A_344 = arith.constant 6 : i32
        %add3A_345 = vector.broadcast %add3A_344 : i32 to vector<16xi32>
        %add3A_346 = arith.addi %add3A_161, %add3A_345 : vector<16xi32>
        %gather3A_347 = tpu.vector_load_idx %arg7[%add3A_346] : memref<101079xi32, #tpu.memory_space<vmem>>[vector<16xi32>], vector<16xi32>,
        %bitcast3A_348 = vector.bitcast %gather3A_347 : vector<16xi32> to vector<32xbf16>
        %mul3A_349 = arith.mulf %bitcast3A_348, %pack3A_143 : vector<32xbf16>
        %add3A_350 = arith.addf %add3A_343, %mul3A_349 : vector<32xbf16>
        %unpack3A_351 = tpu.unpack_subelements %add3A_350, 0 {pack_format = #tpu.pack_format<interleaved>} : vector<32xbf16> -> vector<16xf32>
        %unpack3A_352 = tpu.unpack_subelements %add3A_350, 1 {pack_format = #tpu.pack_format<interleaved>} : vector<32xbf16> -> vector<16xf32>
        %add3A_353 = arith.constant 12 : i32
        %add3A_354 = vector.broadcast %add3A_353 : i32 to vector<16xi32>
        %add3A_355 = arith.addi %mul3A_164, %add3A_354 : vector<16xi32>
        tpu.vector_store_idx %arg15[%add3A_355], %unpack3A_351 : memref<5200xf32, #tpu.memory_space<vmem>>[vector<16xi32>], vector<16xf32>,
        %add3A_356 = arith.constant 13 : i32
        %add3A_357 = vector.broadcast %add3A_356 : i32 to vector<16xi32>
        %add3A_358 = arith.addi %mul3A_164, %add3A_357 : vector<16xi32>
        tpu.vector_store_idx %arg15[%add3A_358], %unpack3A_352 : memref<5200xf32, #tpu.memory_space<vmem>>[vector<16xi32>], vector<16xf32>,
        %add3A_359 = arith.constant 7 : i32
        %add3A_360 = vector.broadcast %add3A_359 : i32 to vector<16xi32>
        %add3A_361 = arith.addi %add3A_149, %add3A_360 : vector<16xi32>
        %gather3A_362 = tpu.vector_load_idx %arg7[%add3A_361] : memref<101079xi32, #tpu.memory_space<vmem>>[vector<16xi32>], vector<16xi32>,
        %bitcast3A_363 = vector.bitcast %gather3A_362 : vector<16xi32> to vector<32xbf16>
        %mul3A_364 = arith.mulf %bitcast3A_363, %pack3A : vector<32xbf16>
        %add3A_365 = arith.constant 7 : i32
        %add3A_366 = vector.broadcast %add3A_365 : i32 to vector<16xi32>
        %add3A_367 = arith.addi %add3A_155, %add3A_366 : vector<16xi32>
        %gather3A_368 = tpu.vector_load_idx %arg7[%add3A_367] : memref<101079xi32, #tpu.memory_space<vmem>>[vector<16xi32>], vector<16xi32>,
        %bitcast3A_369 = vector.bitcast %gather3A_368 : vector<16xi32> to vector<32xbf16>
        %mul3A_370 = arith.mulf %bitcast3A_369, %pack3A_137 : vector<32xbf16>
        %add3A_371 = arith.addf %mul3A_364, %mul3A_370 : vector<32xbf16>
        %add3A_372 = arith.constant 7 : i32
        %add3A_373 = vector.broadcast %add3A_372 : i32 to vector<16xi32>
        %add3A_374 = arith.addi %add3A_161, %add3A_373 : vector<16xi32>
        %gather3A_375 = tpu.vector_load_idx %arg7[%add3A_374] : memref<101079xi32, #tpu.memory_space<vmem>>[vector<16xi32>], vector<16xi32>,
        %bitcast3A_376 = vector.bitcast %gather3A_375 : vector<16xi32> to vector<32xbf16>
        %mul3A_377 = arith.mulf %bitcast3A_376, %pack3A_143 : vector<32xbf16>
        %add3A_378 = arith.addf %add3A_371, %mul3A_377 : vector<32xbf16>
        %unpack3A_379 = tpu.unpack_subelements %add3A_378, 0 {pack_format = #tpu.pack_format<interleaved>} : vector<32xbf16> -> vector<16xf32>
        %unpack3A_380 = tpu.unpack_subelements %add3A_378, 1 {pack_format = #tpu.pack_format<interleaved>} : vector<32xbf16> -> vector<16xf32>
        %add3A_381 = arith.constant 14 : i32
        %add3A_382 = vector.broadcast %add3A_381 : i32 to vector<16xi32>
        %add3A_383 = arith.addi %mul3A_164, %add3A_382 : vector<16xi32>
        tpu.vector_store_idx %arg15[%add3A_383], %unpack3A_379 : memref<5200xf32, #tpu.memory_space<vmem>>[vector<16xi32>], vector<16xf32>,
        %add3A_384 = arith.constant 15 : i32
        %add3A_385 = vector.broadcast %add3A_384 : i32 to vector<16xi32>
        %add3A_386 = arith.addi %mul3A_164, %add3A_385 : vector<16xi32>
        tpu.vector_store_idx %arg15[%add3A_386], %unpack3A_380 : memref<5200xf32, #tpu.memory_space<vmem>>[vector<16xi32>], vector<16xf32>,
        %add3A_387 = arith.constant 8 : i32
        %add3A_388 = vector.broadcast %add3A_387 : i32 to vector<16xi32>
        %add3A_389 = arith.addi %add3A_149, %add3A_388 : vector<16xi32>
        %gather3A_390 = tpu.vector_load_idx %arg7[%add3A_389] : memref<101079xi32, #tpu.memory_space<vmem>>[vector<16xi32>], vector<16xi32>,
        %bitcast3A_391 = vector.bitcast %gather3A_390 : vector<16xi32> to vector<32xbf16>
        %mul3A_392 = arith.mulf %bitcast3A_391, %pack3A : vector<32xbf16>
        %add3A_393 = arith.constant 8 : i32
        %add3A_394 = vector.broadcast %add3A_393 : i32 to vector<16xi32>
        %add3A_395 = arith.addi %add3A_155, %add3A_394 : vector<16xi32>
        %gather3A_396 = tpu.vector_load_idx %arg7[%add3A_395] : memref<101079xi32, #tpu.memory_space<vmem>>[vector<16xi32>], vector<16xi32>,
        %bitcast3A_397 = vector.bitcast %gather3A_396 : vector<16xi32> to vector<32xbf16>
        %mul3A_398 = arith.mulf %bitcast3A_397, %pack3A_137 : vector<32xbf16>
        %add3A_399 = arith.addf %mul3A_392, %mul3A_398 : vector<32xbf16>
        %add3A_400 = arith.constant 8 : i32
        %add3A_401 = vector.broadcast %add3A_400 : i32 to vector<16xi32>
        %add3A_402 = arith.addi %add3A_161, %add3A_401 : vector<16xi32>
        %gather3A_403 = tpu.vector_load_idx %arg7[%add3A_402] : memref<101079xi32, #tpu.memory_space<vmem>>[vector<16xi32>], vector<16xi32>,
        %bitcast3A_404 = vector.bitcast %gather3A_403 : vector<16xi32> to vector<32xbf16>
        %mul3A_405 = arith.mulf %bitcast3A_404, %pack3A_143 : vector<32xbf16>
        %add3A_406 = arith.addf %add3A_399, %mul3A_405 : vector<32xbf16>
        %unpack3A_407 = tpu.unpack_subelements %add3A_406, 0 {pack_format = #tpu.pack_format<interleaved>} : vector<32xbf16> -> vector<16xf32>
        %unpack3A_408 = tpu.unpack_subelements %add3A_406, 1 {pack_format = #tpu.pack_format<interleaved>} : vector<32xbf16> -> vector<16xf32>
        %add3A_409 = arith.constant 16 : i32
        %add3A_410 = vector.broadcast %add3A_409 : i32 to vector<16xi32>
        %add3A_411 = arith.addi %mul3A_164, %add3A_410 : vector<16xi32>
        tpu.vector_store_idx %arg15[%add3A_411], %unpack3A_407 : memref<5200xf32, #tpu.memory_space<vmem>>[vector<16xi32>], vector<16xf32>,
        %add3A_412 = arith.constant 17 : i32
        %add3A_413 = vector.broadcast %add3A_412 : i32 to vector<16xi32>
        %add3A_414 = arith.addi %mul3A_164, %add3A_413 : vector<16xi32>
        tpu.vector_store_idx %arg15[%add3A_414], %unpack3A_408 : memref<5200xf32, #tpu.memory_space<vmem>>[vector<16xi32>], vector<16xf32>,
        %add3A_415 = arith.constant 9 : i32
        %add3A_416 = vector.broadcast %add3A_415 : i32 to vector<16xi32>
        %add3A_417 = arith.addi %add3A_149, %add3A_416 : vector<16xi32>
        %gather3A_418 = tpu.vector_load_idx %arg7[%add3A_417] : memref<101079xi32, #tpu.memory_space<vmem>>[vector<16xi32>], vector<16xi32>,
        %bitcast3A_419 = vector.bitcast %gather3A_418 : vector<16xi32> to vector<32xbf16>
        %mul3A_420 = arith.mulf %bitcast3A_419, %pack3A : vector<32xbf16>
        %add3A_421 = arith.constant 9 : i32
        %add3A_422 = vector.broadcast %add3A_421 : i32 to vector<16xi32>
        %add3A_423 = arith.addi %add3A_155, %add3A_422 : vector<16xi32>
        %gather3A_424 = tpu.vector_load_idx %arg7[%add3A_423] : memref<101079xi32, #tpu.memory_space<vmem>>[vector<16xi32>], vector<16xi32>,
        %bitcast3A_425 = vector.bitcast %gather3A_424 : vector<16xi32> to vector<32xbf16>
        %mul3A_426 = arith.mulf %bitcast3A_425, %pack3A_137 : vector<32xbf16>
        %add3A_427 = arith.addf %mul3A_420, %mul3A_426 : vector<32xbf16>
        %add3A_428 = arith.constant 9 : i32
        %add3A_429 = vector.broadcast %add3A_428 : i32 to vector<16xi32>
        %add3A_430 = arith.addi %add3A_161, %add3A_429 : vector<16xi32>
        %gather3A_431 = tpu.vector_load_idx %arg7[%add3A_430] : memref<101079xi32, #tpu.memory_space<vmem>>[vector<16xi32>], vector<16xi32>,
        %bitcast3A_432 = vector.bitcast %gather3A_431 : vector<16xi32> to vector<32xbf16>
        %mul3A_433 = arith.mulf %bitcast3A_432, %pack3A_143 : vector<32xbf16>
        %add3A_434 = arith.addf %add3A_427, %mul3A_433 : vector<32xbf16>
        %unpack3A_435 = tpu.unpack_subelements %add3A_434, 0 {pack_format = #tpu.pack_format<interleaved>} : vector<32xbf16> -> vector<16xf32>
        %unpack3A_436 = tpu.unpack_subelements %add3A_434, 1 {pack_format = #tpu.pack_format<interleaved>} : vector<32xbf16> -> vector<16xf32>
        %add3A_437 = arith.constant 18 : i32
        %add3A_438 = vector.broadcast %add3A_437 : i32 to vector<16xi32>
        %add3A_439 = arith.addi %mul3A_164, %add3A_438 : vector<16xi32>
        tpu.vector_store_idx %arg15[%add3A_439], %unpack3A_435 : memref<5200xf32, #tpu.memory_space<vmem>>[vector<16xi32>], vector<16xf32>,
        %add3A_440 = arith.constant 19 : i32
        %add3A_441 = vector.broadcast %add3A_440 : i32 to vector<16xi32>
        %add3A_442 = arith.addi %mul3A_164, %add3A_441 : vector<16xi32>
        tpu.vector_store_idx %arg15[%add3A_442], %unpack3A_436 : memref<5200xf32, #tpu.memory_space<vmem>>[vector<16xi32>], vector<16xf32>,
        %add3A_443 = arith.constant 10 : i32
        %add3A_444 = vector.broadcast %add3A_443 : i32 to vector<16xi32>
        %add3A_445 = arith.addi %add3A_149, %add3A_444 : vector<16xi32>
        %gather3A_446 = tpu.vector_load_idx %arg7[%add3A_445] : memref<101079xi32, #tpu.memory_space<vmem>>[vector<16xi32>], vector<16xi32>,
        %bitcast3A_447 = vector.bitcast %gather3A_446 : vector<16xi32> to vector<32xbf16>
        %mul3A_448 = arith.mulf %bitcast3A_447, %pack3A : vector<32xbf16>
        %add3A_449 = arith.constant 10 : i32
        %add3A_450 = vector.broadcast %add3A_449 : i32 to vector<16xi32>
        %add3A_451 = arith.addi %add3A_155, %add3A_450 : vector<16xi32>
        %gather3A_452 = tpu.vector_load_idx %arg7[%add3A_451] : memref<101079xi32, #tpu.memory_space<vmem>>[vector<16xi32>], vector<16xi32>,
        %bitcast3A_453 = vector.bitcast %gather3A_452 : vector<16xi32> to vector<32xbf16>
        %mul3A_454 = arith.mulf %bitcast3A_453, %pack3A_137 : vector<32xbf16>
        %add3A_455 = arith.addf %mul3A_448, %mul3A_454 : vector<32xbf16>
        %add3A_456 = arith.constant 10 : i32
        %add3A_457 = vector.broadcast %add3A_456 : i32 to vector<16xi32>
        %add3A_458 = arith.addi %add3A_161, %add3A_457 : vector<16xi32>
        %gather3A_459 = tpu.vector_load_idx %arg7[%add3A_458] : memref<101079xi32, #tpu.memory_space<vmem>>[vector<16xi32>], vector<16xi32>,
        %bitcast3A_460 = vector.bitcast %gather3A_459 : vector<16xi32> to vector<32xbf16>
        %mul3A_461 = arith.mulf %bitcast3A_460, %pack3A_143 : vector<32xbf16>
        %add3A_462 = arith.addf %add3A_455, %mul3A_461 : vector<32xbf16>
        %unpack3A_463 = tpu.unpack_subelements %add3A_462, 0 {pack_format = #tpu.pack_format<interleaved>} : vector<32xbf16> -> vector<16xf32>
        %unpack3A_464 = tpu.unpack_subelements %add3A_462, 1 {pack_format = #tpu.pack_format<interleaved>} : vector<32xbf16> -> vector<16xf32>
        %add3A_465 = arith.constant 20 : i32
        %add3A_466 = vector.broadcast %add3A_465 : i32 to vector<16xi32>
        %add3A_467 = arith.addi %mul3A_164, %add3A_466 : vector<16xi32>
        tpu.vector_store_idx %arg15[%add3A_467], %unpack3A_463 : memref<5200xf32, #tpu.memory_space<vmem>>[vector<16xi32>], vector<16xf32>,
        %add3A_468 = arith.constant 21 : i32
        %add3A_469 = vector.broadcast %add3A_468 : i32 to vector<16xi32>
        %add3A_470 = arith.addi %mul3A_164, %add3A_469 : vector<16xi32>
        tpu.vector_store_idx %arg15[%add3A_470], %unpack3A_464 : memref<5200xf32, #tpu.memory_space<vmem>>[vector<16xi32>], vector<16xf32>,
        %add3A_471 = arith.constant 11 : i32
        %add3A_472 = vector.broadcast %add3A_471 : i32 to vector<16xi32>
        %add3A_473 = arith.addi %add3A_149, %add3A_472 : vector<16xi32>
        %gather3A_474 = tpu.vector_load_idx %arg7[%add3A_473] : memref<101079xi32, #tpu.memory_space<vmem>>[vector<16xi32>], vector<16xi32>,
        %bitcast3A_475 = vector.bitcast %gather3A_474 : vector<16xi32> to vector<32xbf16>
        %mul3A_476 = arith.mulf %bitcast3A_475, %pack3A : vector<32xbf16>
        %add3A_477 = arith.constant 11 : i32
        %add3A_478 = vector.broadcast %add3A_477 : i32 to vector<16xi32>
        %add3A_479 = arith.addi %add3A_155, %add3A_478 : vector<16xi32>
        %gather3A_480 = tpu.vector_load_idx %arg7[%add3A_479] : memref<101079xi32, #tpu.memory_space<vmem>>[vector<16xi32>], vector<16xi32>,
        %bitcast3A_481 = vector.bitcast %gather3A_480 : vector<16xi32> to vector<32xbf16>
        %mul3A_482 = arith.mulf %bitcast3A_481, %pack3A_137 : vector<32xbf16>
        %add3A_483 = arith.addf %mul3A_476, %mul3A_482 : vector<32xbf16>
        %add3A_484 = arith.constant 11 : i32
        %add3A_485 = vector.broadcast %add3A_484 : i32 to vector<16xi32>
        %add3A_486 = arith.addi %add3A_161, %add3A_485 : vector<16xi32>
        %gather3A_487 = tpu.vector_load_idx %arg7[%add3A_486] : memref<101079xi32, #tpu.memory_space<vmem>>[vector<16xi32>], vector<16xi32>,
        %bitcast3A_488 = vector.bitcast %gather3A_487 : vector<16xi32> to vector<32xbf16>
        %mul3A_489 = arith.mulf %bitcast3A_488, %pack3A_143 : vector<32xbf16>
        %add3A_490 = arith.addf %add3A_483, %mul3A_489 : vector<32xbf16>
        %unpack3A_491 = tpu.unpack_subelements %add3A_490, 0 {pack_format = #tpu.pack_format<interleaved>} : vector<32xbf16> -> vector<16xf32>
        %unpack3A_492 = tpu.unpack_subelements %add3A_490, 1 {pack_format = #tpu.pack_format<interleaved>} : vector<32xbf16> -> vector<16xf32>
        %add3A_493 = arith.constant 22 : i32
        %add3A_494 = vector.broadcast %add3A_493 : i32 to vector<16xi32>
        %add3A_495 = arith.addi %mul3A_164, %add3A_494 : vector<16xi32>
        tpu.vector_store_idx %arg15[%add3A_495], %unpack3A_491 : memref<5200xf32, #tpu.memory_space<vmem>>[vector<16xi32>], vector<16xf32>,
        %add3A_496 = arith.constant 23 : i32
        %add3A_497 = vector.broadcast %add3A_496 : i32 to vector<16xi32>
        %add3A_498 = arith.addi %mul3A_164, %add3A_497 : vector<16xi32>
        tpu.vector_store_idx %arg15[%add3A_498], %unpack3A_492 : memref<5200xf32, #tpu.memory_space<vmem>>[vector<16xi32>], vector<16xf32>,
        %add3A_499 = arith.constant 12 : i32
        %add3A_500 = vector.broadcast %add3A_499 : i32 to vector<16xi32>
        %add3A_501 = arith.addi %add3A_149, %add3A_500 : vector<16xi32>
        %gather3A_502 = tpu.vector_load_idx %arg7[%add3A_501] : memref<101079xi32, #tpu.memory_space<vmem>>[vector<16xi32>], vector<16xi32>,
        %bitcast3A_503 = vector.bitcast %gather3A_502 : vector<16xi32> to vector<32xbf16>
        %mul3A_504 = arith.mulf %bitcast3A_503, %pack3A : vector<32xbf16>
        %add3A_505 = arith.constant 12 : i32
        %add3A_506 = vector.broadcast %add3A_505 : i32 to vector<16xi32>
        %add3A_507 = arith.addi %add3A_155, %add3A_506 : vector<16xi32>
        %gather3A_508 = tpu.vector_load_idx %arg7[%add3A_507] : memref<101079xi32, #tpu.memory_space<vmem>>[vector<16xi32>], vector<16xi32>,
        %bitcast3A_509 = vector.bitcast %gather3A_508 : vector<16xi32> to vector<32xbf16>
        %mul3A_510 = arith.mulf %bitcast3A_509, %pack3A_137 : vector<32xbf16>
        %add3A_511 = arith.addf %mul3A_504, %mul3A_510 : vector<32xbf16>
        %add3A_512 = arith.constant 12 : i32
        %add3A_513 = vector.broadcast %add3A_512 : i32 to vector<16xi32>
        %add3A_514 = arith.addi %add3A_161, %add3A_513 : vector<16xi32>
        %gather3A_515 = tpu.vector_load_idx %arg7[%add3A_514] : memref<101079xi32, #tpu.memory_space<vmem>>[vector<16xi32>], vector<16xi32>,
        %bitcast3A_516 = vector.bitcast %gather3A_515 : vector<16xi32> to vector<32xbf16>
        %mul3A_517 = arith.mulf %bitcast3A_516, %pack3A_143 : vector<32xbf16>
        %add3A_518 = arith.addf %add3A_511, %mul3A_517 : vector<32xbf16>
        %unpack3A_519 = tpu.unpack_subelements %add3A_518, 0 {pack_format = #tpu.pack_format<interleaved>} : vector<32xbf16> -> vector<16xf32>
        %unpack3A_520 = tpu.unpack_subelements %add3A_518, 1 {pack_format = #tpu.pack_format<interleaved>} : vector<32xbf16> -> vector<16xf32>
        %add3A_521 = arith.constant 24 : i32
        %add3A_522 = vector.broadcast %add3A_521 : i32 to vector<16xi32>
        %add3A_523 = arith.addi %mul3A_164, %add3A_522 : vector<16xi32>
        tpu.vector_store_idx %arg15[%add3A_523], %unpack3A_519 : memref<5200xf32, #tpu.memory_space<vmem>>[vector<16xi32>], vector<16xf32>,
        %add3A_524 = arith.constant 25 : i32
        %add3A_525 = vector.broadcast %add3A_524 : i32 to vector<16xi32>
        %add3A_526 = arith.addi %mul3A_164, %add3A_525 : vector<16xi32>
        tpu.vector_store_idx %arg15[%add3A_526], %unpack3A_520 : memref<5200xf32, #tpu.memory_space<vmem>>[vector<16xi32>], vector<16xf32>,
        %add3A_527 = arith.constant 13 : i32
        %add3A_528 = vector.broadcast %add3A_527 : i32 to vector<16xi32>
        %add3A_529 = arith.addi %add3A_149, %add3A_528 : vector<16xi32>
        %gather3A_530 = tpu.vector_load_idx %arg7[%add3A_529] : memref<101079xi32, #tpu.memory_space<vmem>>[vector<16xi32>], vector<16xi32>,
        %bitcast3A_531 = vector.bitcast %gather3A_530 : vector<16xi32> to vector<32xbf16>
        %mul3A_532 = arith.mulf %bitcast3A_531, %pack3A : vector<32xbf16>
        %add3A_533 = arith.constant 13 : i32
        %add3A_534 = vector.broadcast %add3A_533 : i32 to vector<16xi32>
        %add3A_535 = arith.addi %add3A_155, %add3A_534 : vector<16xi32>
        %gather3A_536 = tpu.vector_load_idx %arg7[%add3A_535] : memref<101079xi32, #tpu.memory_space<vmem>>[vector<16xi32>], vector<16xi32>,
        %bitcast3A_537 = vector.bitcast %gather3A_536 : vector<16xi32> to vector<32xbf16>
        %mul3A_538 = arith.mulf %bitcast3A_537, %pack3A_137 : vector<32xbf16>
        %add3A_539 = arith.addf %mul3A_532, %mul3A_538 : vector<32xbf16>
        %add3A_540 = arith.constant 13 : i32
        %add3A_541 = vector.broadcast %add3A_540 : i32 to vector<16xi32>
        %add3A_542 = arith.addi %add3A_161, %add3A_541 : vector<16xi32>
        %gather3A_543 = tpu.vector_load_idx %arg7[%add3A_542] : memref<101079xi32, #tpu.memory_space<vmem>>[vector<16xi32>], vector<16xi32>,
        %bitcast3A_544 = vector.bitcast %gather3A_543 : vector<16xi32> to vector<32xbf16>
        %mul3A_545 = arith.mulf %bitcast3A_544, %pack3A_143 : vector<32xbf16>
        %add3A_546 = arith.addf %add3A_539, %mul3A_545 : vector<32xbf16>
        %unpack3A_547 = tpu.unpack_subelements %add3A_546, 0 {pack_format = #tpu.pack_format<interleaved>} : vector<32xbf16> -> vector<16xf32>
        %unpack3A_548 = tpu.unpack_subelements %add3A_546, 1 {pack_format = #tpu.pack_format<interleaved>} : vector<32xbf16> -> vector<16xf32>
        %add3A_549 = arith.constant 26 : i32
        %add3A_550 = vector.broadcast %add3A_549 : i32 to vector<16xi32>
        %add3A_551 = arith.addi %mul3A_164, %add3A_550 : vector<16xi32>
        tpu.vector_store_idx %arg15[%add3A_551], %unpack3A_547 : memref<5200xf32, #tpu.memory_space<vmem>>[vector<16xi32>], vector<16xf32>,
        %add3A_552 = arith.constant 27 : i32
        %add3A_553 = vector.broadcast %add3A_552 : i32 to vector<16xi32>
        %add3A_554 = arith.addi %mul3A_164, %add3A_553 : vector<16xi32>
        tpu.vector_store_idx %arg15[%add3A_554], %unpack3A_548 : memref<5200xf32, #tpu.memory_space<vmem>>[vector<16xi32>], vector<16xf32>,
        %add3A_555 = arith.constant 14 : i32
        %add3A_556 = vector.broadcast %add3A_555 : i32 to vector<16xi32>
        %add3A_557 = arith.addi %add3A_149, %add3A_556 : vector<16xi32>
        %gather3A_558 = tpu.vector_load_idx %arg7[%add3A_557] : memref<101079xi32, #tpu.memory_space<vmem>>[vector<16xi32>], vector<16xi32>,
        %bitcast3A_559 = vector.bitcast %gather3A_558 : vector<16xi32> to vector<32xbf16>
        %mul3A_560 = arith.mulf %bitcast3A_559, %pack3A : vector<32xbf16>
        %add3A_561 = arith.constant 14 : i32
        %add3A_562 = vector.broadcast %add3A_561 : i32 to vector<16xi32>
        %add3A_563 = arith.addi %add3A_155, %add3A_562 : vector<16xi32>
        %gather3A_564 = tpu.vector_load_idx %arg7[%add3A_563] : memref<101079xi32, #tpu.memory_space<vmem>>[vector<16xi32>], vector<16xi32>,
        %bitcast3A_565 = vector.bitcast %gather3A_564 : vector<16xi32> to vector<32xbf16>
        %mul3A_566 = arith.mulf %bitcast3A_565, %pack3A_137 : vector<32xbf16>
        %add3A_567 = arith.addf %mul3A_560, %mul3A_566 : vector<32xbf16>
        %add3A_568 = arith.constant 14 : i32
        %add3A_569 = vector.broadcast %add3A_568 : i32 to vector<16xi32>
        %add3A_570 = arith.addi %add3A_161, %add3A_569 : vector<16xi32>
        %gather3A_571 = tpu.vector_load_idx %arg7[%add3A_570] : memref<101079xi32, #tpu.memory_space<vmem>>[vector<16xi32>], vector<16xi32>,
        %bitcast3A_572 = vector.bitcast %gather3A_571 : vector<16xi32> to vector<32xbf16>
        %mul3A_573 = arith.mulf %bitcast3A_572, %pack3A_143 : vector<32xbf16>
        %add3A_574 = arith.addf %add3A_567, %mul3A_573 : vector<32xbf16>
        %unpack3A_575 = tpu.unpack_subelements %add3A_574, 0 {pack_format = #tpu.pack_format<interleaved>} : vector<32xbf16> -> vector<16xf32>
        %unpack3A_576 = tpu.unpack_subelements %add3A_574, 1 {pack_format = #tpu.pack_format<interleaved>} : vector<32xbf16> -> vector<16xf32>
        %add3A_577 = arith.constant 28 : i32
        %add3A_578 = vector.broadcast %add3A_577 : i32 to vector<16xi32>
        %add3A_579 = arith.addi %mul3A_164, %add3A_578 : vector<16xi32>
        tpu.vector_store_idx %arg15[%add3A_579], %unpack3A_575 : memref<5200xf32, #tpu.memory_space<vmem>>[vector<16xi32>], vector<16xf32>,
        %add3A_580 = arith.constant 29 : i32
        %add3A_581 = vector.broadcast %add3A_580 : i32 to vector<16xi32>
        %add3A_582 = arith.addi %mul3A_164, %add3A_581 : vector<16xi32>
        tpu.vector_store_idx %arg15[%add3A_582], %unpack3A_576 : memref<5200xf32, #tpu.memory_space<vmem>>[vector<16xi32>], vector<16xf32>,
        %add3A_583 = arith.constant 15 : i32
        %add3A_584 = vector.broadcast %add3A_583 : i32 to vector<16xi32>
        %add3A_585 = arith.addi %add3A_149, %add3A_584 : vector<16xi32>
        %gather3A_586 = tpu.vector_load_idx %arg7[%add3A_585] : memref<101079xi32, #tpu.memory_space<vmem>>[vector<16xi32>], vector<16xi32>,
        %bitcast3A_587 = vector.bitcast %gather3A_586 : vector<16xi32> to vector<32xbf16>
        %mul3A_588 = arith.mulf %bitcast3A_587, %pack3A : vector<32xbf16>
        %add3A_589 = arith.constant 15 : i32
        %add3A_590 = vector.broadcast %add3A_589 : i32 to vector<16xi32>
        %add3A_591 = arith.addi %add3A_155, %add3A_590 : vector<16xi32>
        %gather3A_592 = tpu.vector_load_idx %arg7[%add3A_591] : memref<101079xi32, #tpu.memory_space<vmem>>[vector<16xi32>], vector<16xi32>,
        %bitcast3A_593 = vector.bitcast %gather3A_592 : vector<16xi32> to vector<32xbf16>
        %mul3A_594 = arith.mulf %bitcast3A_593, %pack3A_137 : vector<32xbf16>
        %add3A_595 = arith.addf %mul3A_588, %mul3A_594 : vector<32xbf16>
        %add3A_596 = arith.constant 15 : i32
        %add3A_597 = vector.broadcast %add3A_596 : i32 to vector<16xi32>
        %add3A_598 = arith.addi %add3A_161, %add3A_597 : vector<16xi32>
        %gather3A_599 = tpu.vector_load_idx %arg7[%add3A_598] : memref<101079xi32, #tpu.memory_space<vmem>>[vector<16xi32>], vector<16xi32>,
        %bitcast3A_600 = vector.bitcast %gather3A_599 : vector<16xi32> to vector<32xbf16>
        %mul3A_601 = arith.mulf %bitcast3A_600, %pack3A_143 : vector<32xbf16>
        %add3A_602 = arith.addf %add3A_595, %mul3A_601 : vector<32xbf16>
        %unpack3A_603 = tpu.unpack_subelements %add3A_602, 0 {pack_format = #tpu.pack_format<interleaved>} : vector<32xbf16> -> vector<16xf32>
        %unpack3A_604 = tpu.unpack_subelements %add3A_602, 1 {pack_format = #tpu.pack_format<interleaved>} : vector<32xbf16> -> vector<16xf32>
        %add3A_605 = arith.constant 30 : i32
        %add3A_606 = vector.broadcast %add3A_605 : i32 to vector<16xi32>
        %add3A_607 = arith.addi %mul3A_164, %add3A_606 : vector<16xi32>
        tpu.vector_store_idx %arg15[%add3A_607], %unpack3A_603 : memref<5200xf32, #tpu.memory_space<vmem>>[vector<16xi32>], vector<16xf32>,
        %add3A_608 = arith.constant 31 : i32
        %add3A_609 = vector.broadcast %add3A_608 : i32 to vector<16xi32>
        %add3A_610 = arith.addi %mul3A_164, %add3A_609 : vector<16xi32>
        tpu.vector_store_idx %arg15[%add3A_610], %unpack3A_604 : memref<5200xf32, #tpu.memory_space<vmem>>[vector<16xi32>], vector<16xf32>,
        %add3A_611 = arith.constant 16 : i32
        %add3A_612 = vector.broadcast %add3A_611 : i32 to vector<16xi32>
        %add3A_613 = arith.addi %add3A_149, %add3A_612 : vector<16xi32>
        %gather3A_614 = tpu.vector_load_idx %arg7[%add3A_613] : memref<101079xi32, #tpu.memory_space<vmem>>[vector<16xi32>], vector<16xi32>,
        %bitcast3A_615 = vector.bitcast %gather3A_614 : vector<16xi32> to vector<32xbf16>
        %mul3A_616 = arith.mulf %bitcast3A_615, %pack3A : vector<32xbf16>
        %add3A_617 = arith.constant 16 : i32
        %add3A_618 = vector.broadcast %add3A_617 : i32 to vector<16xi32>
        %add3A_619 = arith.addi %add3A_155, %add3A_618 : vector<16xi32>
        %gather3A_620 = tpu.vector_load_idx %arg7[%add3A_619] : memref<101079xi32, #tpu.memory_space<vmem>>[vector<16xi32>], vector<16xi32>,
        %bitcast3A_621 = vector.bitcast %gather3A_620 : vector<16xi32> to vector<32xbf16>
        %mul3A_622 = arith.mulf %bitcast3A_621, %pack3A_137 : vector<32xbf16>
        %add3A_623 = arith.addf %mul3A_616, %mul3A_622 : vector<32xbf16>
        %add3A_624 = arith.constant 16 : i32
        %add3A_625 = vector.broadcast %add3A_624 : i32 to vector<16xi32>
        %add3A_626 = arith.addi %add3A_161, %add3A_625 : vector<16xi32>
        %gather3A_627 = tpu.vector_load_idx %arg7[%add3A_626] : memref<101079xi32, #tpu.memory_space<vmem>>[vector<16xi32>], vector<16xi32>,
        %bitcast3A_628 = vector.bitcast %gather3A_627 : vector<16xi32> to vector<32xbf16>
        %mul3A_629 = arith.mulf %bitcast3A_628, %pack3A_143 : vector<32xbf16>
        %add3A_630 = arith.addf %add3A_623, %mul3A_629 : vector<32xbf16>
        %unpack3A_631 = tpu.unpack_subelements %add3A_630, 0 {pack_format = #tpu.pack_format<interleaved>} : vector<32xbf16> -> vector<16xf32>
        %unpack3A_632 = tpu.unpack_subelements %add3A_630, 1 {pack_format = #tpu.pack_format<interleaved>} : vector<32xbf16> -> vector<16xf32>
        %add3A_633 = arith.constant 32 : i32
        %add3A_634 = vector.broadcast %add3A_633 : i32 to vector<16xi32>
        %add3A_635 = arith.addi %mul3A_164, %add3A_634 : vector<16xi32>
        tpu.vector_store_idx %arg15[%add3A_635], %unpack3A_631 : memref<5200xf32, #tpu.memory_space<vmem>>[vector<16xi32>], vector<16xf32>,
        %add3A_636 = arith.constant 33 : i32
        %add3A_637 = vector.broadcast %add3A_636 : i32 to vector<16xi32>
        %add3A_638 = arith.addi %mul3A_164, %add3A_637 : vector<16xi32>
        tpu.vector_store_idx %arg15[%add3A_638], %unpack3A_632 : memref<5200xf32, #tpu.memory_space<vmem>>[vector<16xi32>], vector<16xf32>,
        %add3A_639 = arith.constant 17 : i32
        %add3A_640 = vector.broadcast %add3A_639 : i32 to vector<16xi32>
        %add3A_641 = arith.addi %add3A_149, %add3A_640 : vector<16xi32>
        %gather3A_642 = tpu.vector_load_idx %arg7[%add3A_641] : memref<101079xi32, #tpu.memory_space<vmem>>[vector<16xi32>], vector<16xi32>,
        %bitcast3A_643 = vector.bitcast %gather3A_642 : vector<16xi32> to vector<32xbf16>
        %mul3A_644 = arith.mulf %bitcast3A_643, %pack3A : vector<32xbf16>
        %add3A_645 = arith.constant 17 : i32
        %add3A_646 = vector.broadcast %add3A_645 : i32 to vector<16xi32>
        %add3A_647 = arith.addi %add3A_155, %add3A_646 : vector<16xi32>
        %gather3A_648 = tpu.vector_load_idx %arg7[%add3A_647] : memref<101079xi32, #tpu.memory_space<vmem>>[vector<16xi32>], vector<16xi32>,
        %bitcast3A_649 = vector.bitcast %gather3A_648 : vector<16xi32> to vector<32xbf16>
        %mul3A_650 = arith.mulf %bitcast3A_649, %pack3A_137 : vector<32xbf16>
        %add3A_651 = arith.addf %mul3A_644, %mul3A_650 : vector<32xbf16>
        %add3A_652 = arith.constant 17 : i32
        %add3A_653 = vector.broadcast %add3A_652 : i32 to vector<16xi32>
        %add3A_654 = arith.addi %add3A_161, %add3A_653 : vector<16xi32>
        %gather3A_655 = tpu.vector_load_idx %arg7[%add3A_654] : memref<101079xi32, #tpu.memory_space<vmem>>[vector<16xi32>], vector<16xi32>,
        %bitcast3A_656 = vector.bitcast %gather3A_655 : vector<16xi32> to vector<32xbf16>
        %mul3A_657 = arith.mulf %bitcast3A_656, %pack3A_143 : vector<32xbf16>
        %add3A_658 = arith.addf %add3A_651, %mul3A_657 : vector<32xbf16>
        %unpack3A_659 = tpu.unpack_subelements %add3A_658, 0 {pack_format = #tpu.pack_format<interleaved>} : vector<32xbf16> -> vector<16xf32>
        %unpack3A_660 = tpu.unpack_subelements %add3A_658, 1 {pack_format = #tpu.pack_format<interleaved>} : vector<32xbf16> -> vector<16xf32>
        %add3A_661 = arith.constant 34 : i32
        %add3A_662 = vector.broadcast %add3A_661 : i32 to vector<16xi32>
        %add3A_663 = arith.addi %mul3A_164, %add3A_662 : vector<16xi32>
        tpu.vector_store_idx %arg15[%add3A_663], %unpack3A_659 : memref<5200xf32, #tpu.memory_space<vmem>>[vector<16xi32>], vector<16xf32>,
        %add3A_664 = arith.constant 35 : i32
        %add3A_665 = vector.broadcast %add3A_664 : i32 to vector<16xi32>
        %add3A_666 = arith.addi %mul3A_164, %add3A_665 : vector<16xi32>
        tpu.vector_store_idx %arg15[%add3A_666], %unpack3A_660 : memref<5200xf32, #tpu.memory_space<vmem>>[vector<16xi32>], vector<16xf32>,
        %add3A_667 = arith.constant 18 : i32
        %add3A_668 = vector.broadcast %add3A_667 : i32 to vector<16xi32>
        %add3A_669 = arith.addi %add3A_149, %add3A_668 : vector<16xi32>
        %gather3A_670 = tpu.vector_load_idx %arg7[%add3A_669] : memref<101079xi32, #tpu.memory_space<vmem>>[vector<16xi32>], vector<16xi32>,
        %bitcast3A_671 = vector.bitcast %gather3A_670 : vector<16xi32> to vector<32xbf16>
        %mul3A_672 = arith.mulf %bitcast3A_671, %pack3A : vector<32xbf16>
        %add3A_673 = arith.constant 18 : i32
        %add3A_674 = vector.broadcast %add3A_673 : i32 to vector<16xi32>
        %add3A_675 = arith.addi %add3A_155, %add3A_674 : vector<16xi32>
        %gather3A_676 = tpu.vector_load_idx %arg7[%add3A_675] : memref<101079xi32, #tpu.memory_space<vmem>>[vector<16xi32>], vector<16xi32>,
        %bitcast3A_677 = vector.bitcast %gather3A_676 : vector<16xi32> to vector<32xbf16>
        %mul3A_678 = arith.mulf %bitcast3A_677, %pack3A_137 : vector<32xbf16>
        %add3A_679 = arith.addf %mul3A_672, %mul3A_678 : vector<32xbf16>
        %add3A_680 = arith.constant 18 : i32
        %add3A_681 = vector.broadcast %add3A_680 : i32 to vector<16xi32>
        %add3A_682 = arith.addi %add3A_161, %add3A_681 : vector<16xi32>
        %gather3A_683 = tpu.vector_load_idx %arg7[%add3A_682] : memref<101079xi32, #tpu.memory_space<vmem>>[vector<16xi32>], vector<16xi32>,
        %bitcast3A_684 = vector.bitcast %gather3A_683 : vector<16xi32> to vector<32xbf16>
        %mul3A_685 = arith.mulf %bitcast3A_684, %pack3A_143 : vector<32xbf16>
        %add3A_686 = arith.addf %add3A_679, %mul3A_685 : vector<32xbf16>
        %unpack3A_687 = tpu.unpack_subelements %add3A_686, 0 {pack_format = #tpu.pack_format<interleaved>} : vector<32xbf16> -> vector<16xf32>
        %unpack3A_688 = tpu.unpack_subelements %add3A_686, 1 {pack_format = #tpu.pack_format<interleaved>} : vector<32xbf16> -> vector<16xf32>
        %add3A_689 = arith.constant 36 : i32
        %add3A_690 = vector.broadcast %add3A_689 : i32 to vector<16xi32>
        %add3A_691 = arith.addi %mul3A_164, %add3A_690 : vector<16xi32>
        tpu.vector_store_idx %arg15[%add3A_691], %unpack3A_687 : memref<5200xf32, #tpu.memory_space<vmem>>[vector<16xi32>], vector<16xf32>,
        %add3A_692 = arith.constant 37 : i32
        %add3A_693 = vector.broadcast %add3A_692 : i32 to vector<16xi32>
        %add3A_694 = arith.addi %mul3A_164, %add3A_693 : vector<16xi32>
        tpu.vector_store_idx %arg15[%add3A_694], %unpack3A_688 : memref<5200xf32, #tpu.memory_space<vmem>>[vector<16xi32>], vector<16xf32>,
        %add3A_695 = arith.constant 19 : i32
        %add3A_696 = vector.broadcast %add3A_695 : i32 to vector<16xi32>
        %add3A_697 = arith.addi %add3A_149, %add3A_696 : vector<16xi32>
        %gather3A_698 = tpu.vector_load_idx %arg7[%add3A_697] : memref<101079xi32, #tpu.memory_space<vmem>>[vector<16xi32>], vector<16xi32>,
        %bitcast3A_699 = vector.bitcast %gather3A_698 : vector<16xi32> to vector<32xbf16>
        %mul3A_700 = arith.mulf %bitcast3A_699, %pack3A : vector<32xbf16>
        %add3A_701 = arith.constant 19 : i32
        %add3A_702 = vector.broadcast %add3A_701 : i32 to vector<16xi32>
        %add3A_703 = arith.addi %add3A_155, %add3A_702 : vector<16xi32>
        %gather3A_704 = tpu.vector_load_idx %arg7[%add3A_703] : memref<101079xi32, #tpu.memory_space<vmem>>[vector<16xi32>], vector<16xi32>,
        %bitcast3A_705 = vector.bitcast %gather3A_704 : vector<16xi32> to vector<32xbf16>
        %mul3A_706 = arith.mulf %bitcast3A_705, %pack3A_137 : vector<32xbf16>
        %add3A_707 = arith.addf %mul3A_700, %mul3A_706 : vector<32xbf16>
        %add3A_708 = arith.constant 19 : i32
        %add3A_709 = vector.broadcast %add3A_708 : i32 to vector<16xi32>
        %add3A_710 = arith.addi %add3A_161, %add3A_709 : vector<16xi32>
        %gather3A_711 = tpu.vector_load_idx %arg7[%add3A_710] : memref<101079xi32, #tpu.memory_space<vmem>>[vector<16xi32>], vector<16xi32>,
        %bitcast3A_712 = vector.bitcast %gather3A_711 : vector<16xi32> to vector<32xbf16>
        %mul3A_713 = arith.mulf %bitcast3A_712, %pack3A_143 : vector<32xbf16>
        %add3A_714 = arith.addf %add3A_707, %mul3A_713 : vector<32xbf16>
        %unpack3A_715 = tpu.unpack_subelements %add3A_714, 0 {pack_format = #tpu.pack_format<interleaved>} : vector<32xbf16> -> vector<16xf32>
        %unpack3A_716 = tpu.unpack_subelements %add3A_714, 1 {pack_format = #tpu.pack_format<interleaved>} : vector<32xbf16> -> vector<16xf32>
        %add3A_717 = arith.constant 38 : i32
        %add3A_718 = vector.broadcast %add3A_717 : i32 to vector<16xi32>
        %add3A_719 = arith.addi %mul3A_164, %add3A_718 : vector<16xi32>
        tpu.vector_store_idx %arg15[%add3A_719], %unpack3A_715 : memref<5200xf32, #tpu.memory_space<vmem>>[vector<16xi32>], vector<16xf32>,
        %add3A_720 = arith.constant 39 : i32
        %add3A_721 = vector.broadcast %add3A_720 : i32 to vector<16xi32>
        %add3A_722 = arith.addi %mul3A_164, %add3A_721 : vector<16xi32>
        tpu.vector_store_idx %arg15[%add3A_722], %unpack3A_716 : memref<5200xf32, #tpu.memory_space<vmem>>[vector<16xi32>], vector<16xf32>,
        %add3A_723 = arith.constant 20 : i32
        %add3A_724 = vector.broadcast %add3A_723 : i32 to vector<16xi32>
        %add3A_725 = arith.addi %add3A_149, %add3A_724 : vector<16xi32>
        %gather3A_726 = tpu.vector_load_idx %arg7[%add3A_725] : memref<101079xi32, #tpu.memory_space<vmem>>[vector<16xi32>], vector<16xi32>,
        %bitcast3A_727 = vector.bitcast %gather3A_726 : vector<16xi32> to vector<32xbf16>
        %mul3A_728 = arith.mulf %bitcast3A_727, %pack3A : vector<32xbf16>
        %add3A_729 = arith.constant 20 : i32
        %add3A_730 = vector.broadcast %add3A_729 : i32 to vector<16xi32>
        %add3A_731 = arith.addi %add3A_155, %add3A_730 : vector<16xi32>
        %gather3A_732 = tpu.vector_load_idx %arg7[%add3A_731] : memref<101079xi32, #tpu.memory_space<vmem>>[vector<16xi32>], vector<16xi32>,
        %bitcast3A_733 = vector.bitcast %gather3A_732 : vector<16xi32> to vector<32xbf16>
        %mul3A_734 = arith.mulf %bitcast3A_733, %pack3A_137 : vector<32xbf16>
        %add3A_735 = arith.addf %mul3A_728, %mul3A_734 : vector<32xbf16>
        %add3A_736 = arith.constant 20 : i32
        %add3A_737 = vector.broadcast %add3A_736 : i32 to vector<16xi32>
        %add3A_738 = arith.addi %add3A_161, %add3A_737 : vector<16xi32>
        %gather3A_739 = tpu.vector_load_idx %arg7[%add3A_738] : memref<101079xi32, #tpu.memory_space<vmem>>[vector<16xi32>], vector<16xi32>,
        %bitcast3A_740 = vector.bitcast %gather3A_739 : vector<16xi32> to vector<32xbf16>
        %mul3A_741 = arith.mulf %bitcast3A_740, %pack3A_143 : vector<32xbf16>
        %add3A_742 = arith.addf %add3A_735, %mul3A_741 : vector<32xbf16>
        %unpack3A_743 = tpu.unpack_subelements %add3A_742, 0 {pack_format = #tpu.pack_format<interleaved>} : vector<32xbf16> -> vector<16xf32>
        %unpack3A_744 = tpu.unpack_subelements %add3A_742, 1 {pack_format = #tpu.pack_format<interleaved>} : vector<32xbf16> -> vector<16xf32>
        %add3A_745 = arith.constant 40 : i32
        %add3A_746 = vector.broadcast %add3A_745 : i32 to vector<16xi32>
        %add3A_747 = arith.addi %mul3A_164, %add3A_746 : vector<16xi32>
        tpu.vector_store_idx %arg15[%add3A_747], %unpack3A_743 : memref<5200xf32, #tpu.memory_space<vmem>>[vector<16xi32>], vector<16xf32>,
        %add3A_748 = arith.constant 41 : i32
        %add3A_749 = vector.broadcast %add3A_748 : i32 to vector<16xi32>
        %add3A_750 = arith.addi %mul3A_164, %add3A_749 : vector<16xi32>
        tpu.vector_store_idx %arg15[%add3A_750], %unpack3A_744 : memref<5200xf32, #tpu.memory_space<vmem>>[vector<16xi32>], vector<16xf32>,
        %add3A_751 = arith.constant 21 : i32
        %add3A_752 = vector.broadcast %add3A_751 : i32 to vector<16xi32>
        %add3A_753 = arith.addi %add3A_149, %add3A_752 : vector<16xi32>
        %gather3A_754 = tpu.vector_load_idx %arg7[%add3A_753] : memref<101079xi32, #tpu.memory_space<vmem>>[vector<16xi32>], vector<16xi32>,
        %bitcast3A_755 = vector.bitcast %gather3A_754 : vector<16xi32> to vector<32xbf16>
        %mul3A_756 = arith.mulf %bitcast3A_755, %pack3A : vector<32xbf16>
        %add3A_757 = arith.constant 21 : i32
        %add3A_758 = vector.broadcast %add3A_757 : i32 to vector<16xi32>
        %add3A_759 = arith.addi %add3A_155, %add3A_758 : vector<16xi32>
        %gather3A_760 = tpu.vector_load_idx %arg7[%add3A_759] : memref<101079xi32, #tpu.memory_space<vmem>>[vector<16xi32>], vector<16xi32>,
        %bitcast3A_761 = vector.bitcast %gather3A_760 : vector<16xi32> to vector<32xbf16>
        %mul3A_762 = arith.mulf %bitcast3A_761, %pack3A_137 : vector<32xbf16>
        %add3A_763 = arith.addf %mul3A_756, %mul3A_762 : vector<32xbf16>
        %add3A_764 = arith.constant 21 : i32
        %add3A_765 = vector.broadcast %add3A_764 : i32 to vector<16xi32>
        %add3A_766 = arith.addi %add3A_161, %add3A_765 : vector<16xi32>
        %gather3A_767 = tpu.vector_load_idx %arg7[%add3A_766] : memref<101079xi32, #tpu.memory_space<vmem>>[vector<16xi32>], vector<16xi32>,
        %bitcast3A_768 = vector.bitcast %gather3A_767 : vector<16xi32> to vector<32xbf16>
        %mul3A_769 = arith.mulf %bitcast3A_768, %pack3A_143 : vector<32xbf16>
        %add3A_770 = arith.addf %add3A_763, %mul3A_769 : vector<32xbf16>
        %unpack3A_771 = tpu.unpack_subelements %add3A_770, 0 {pack_format = #tpu.pack_format<interleaved>} : vector<32xbf16> -> vector<16xf32>
        %unpack3A_772 = tpu.unpack_subelements %add3A_770, 1 {pack_format = #tpu.pack_format<interleaved>} : vector<32xbf16> -> vector<16xf32>
        %add3A_773 = arith.constant 42 : i32
        %add3A_774 = vector.broadcast %add3A_773 : i32 to vector<16xi32>
        %add3A_775 = arith.addi %mul3A_164, %add3A_774 : vector<16xi32>
        tpu.vector_store_idx %arg15[%add3A_775], %unpack3A_771 : memref<5200xf32, #tpu.memory_space<vmem>>[vector<16xi32>], vector<16xf32>,
        %add3A_776 = arith.constant 43 : i32
        %add3A_777 = vector.broadcast %add3A_776 : i32 to vector<16xi32>
        %add3A_778 = arith.addi %mul3A_164, %add3A_777 : vector<16xi32>
        tpu.vector_store_idx %arg15[%add3A_778], %unpack3A_772 : memref<5200xf32, #tpu.memory_space<vmem>>[vector<16xi32>], vector<16xf32>,
        %add3A_779 = arith.constant 22 : i32
        %add3A_780 = vector.broadcast %add3A_779 : i32 to vector<16xi32>
        %add3A_781 = arith.addi %add3A_149, %add3A_780 : vector<16xi32>
        %gather3A_782 = tpu.vector_load_idx %arg7[%add3A_781] : memref<101079xi32, #tpu.memory_space<vmem>>[vector<16xi32>], vector<16xi32>,
        %bitcast3A_783 = vector.bitcast %gather3A_782 : vector<16xi32> to vector<32xbf16>
        %mul3A_784 = arith.mulf %bitcast3A_783, %pack3A : vector<32xbf16>
        %add3A_785 = arith.constant 22 : i32
        %add3A_786 = vector.broadcast %add3A_785 : i32 to vector<16xi32>
        %add3A_787 = arith.addi %add3A_155, %add3A_786 : vector<16xi32>
        %gather3A_788 = tpu.vector_load_idx %arg7[%add3A_787] : memref<101079xi32, #tpu.memory_space<vmem>>[vector<16xi32>], vector<16xi32>,
        %bitcast3A_789 = vector.bitcast %gather3A_788 : vector<16xi32> to vector<32xbf16>
        %mul3A_790 = arith.mulf %bitcast3A_789, %pack3A_137 : vector<32xbf16>
        %add3A_791 = arith.addf %mul3A_784, %mul3A_790 : vector<32xbf16>
        %add3A_792 = arith.constant 22 : i32
        %add3A_793 = vector.broadcast %add3A_792 : i32 to vector<16xi32>
        %add3A_794 = arith.addi %add3A_161, %add3A_793 : vector<16xi32>
        %gather3A_795 = tpu.vector_load_idx %arg7[%add3A_794] : memref<101079xi32, #tpu.memory_space<vmem>>[vector<16xi32>], vector<16xi32>,
        %bitcast3A_796 = vector.bitcast %gather3A_795 : vector<16xi32> to vector<32xbf16>
        %mul3A_797 = arith.mulf %bitcast3A_796, %pack3A_143 : vector<32xbf16>
        %add3A_798 = arith.addf %add3A_791, %mul3A_797 : vector<32xbf16>
        %unpack3A_799 = tpu.unpack_subelements %add3A_798, 0 {pack_format = #tpu.pack_format<interleaved>} : vector<32xbf16> -> vector<16xf32>
        %unpack3A_800 = tpu.unpack_subelements %add3A_798, 1 {pack_format = #tpu.pack_format<interleaved>} : vector<32xbf16> -> vector<16xf32>
        %add3A_801 = arith.constant 44 : i32
        %add3A_802 = vector.broadcast %add3A_801 : i32 to vector<16xi32>
        %add3A_803 = arith.addi %mul3A_164, %add3A_802 : vector<16xi32>
        tpu.vector_store_idx %arg15[%add3A_803], %unpack3A_799 : memref<5200xf32, #tpu.memory_space<vmem>>[vector<16xi32>], vector<16xf32>,
        %add3A_804 = arith.constant 45 : i32
        %add3A_805 = vector.broadcast %add3A_804 : i32 to vector<16xi32>
        %add3A_806 = arith.addi %mul3A_164, %add3A_805 : vector<16xi32>
        tpu.vector_store_idx %arg15[%add3A_806], %unpack3A_800 : memref<5200xf32, #tpu.memory_space<vmem>>[vector<16xi32>], vector<16xf32>,
        %add3A_807 = arith.constant 23 : i32
        %add3A_808 = vector.broadcast %add3A_807 : i32 to vector<16xi32>
        %add3A_809 = arith.addi %add3A_149, %add3A_808 : vector<16xi32>
        %gather3A_810 = tpu.vector_load_idx %arg7[%add3A_809] : memref<101079xi32, #tpu.memory_space<vmem>>[vector<16xi32>], vector<16xi32>,
        %bitcast3A_811 = vector.bitcast %gather3A_810 : vector<16xi32> to vector<32xbf16>
        %mul3A_812 = arith.mulf %bitcast3A_811, %pack3A : vector<32xbf16>
        %add3A_813 = arith.constant 23 : i32
        %add3A_814 = vector.broadcast %add3A_813 : i32 to vector<16xi32>
        %add3A_815 = arith.addi %add3A_155, %add3A_814 : vector<16xi32>
        %gather3A_816 = tpu.vector_load_idx %arg7[%add3A_815] : memref<101079xi32, #tpu.memory_space<vmem>>[vector<16xi32>], vector<16xi32>,
        %bitcast3A_817 = vector.bitcast %gather3A_816 : vector<16xi32> to vector<32xbf16>
        %mul3A_818 = arith.mulf %bitcast3A_817, %pack3A_137 : vector<32xbf16>
        %add3A_819 = arith.addf %mul3A_812, %mul3A_818 : vector<32xbf16>
        %add3A_820 = arith.constant 23 : i32
        %add3A_821 = vector.broadcast %add3A_820 : i32 to vector<16xi32>
        %add3A_822 = arith.addi %add3A_161, %add3A_821 : vector<16xi32>
        %gather3A_823 = tpu.vector_load_idx %arg7[%add3A_822] : memref<101079xi32, #tpu.memory_space<vmem>>[vector<16xi32>], vector<16xi32>,
        %bitcast3A_824 = vector.bitcast %gather3A_823 : vector<16xi32> to vector<32xbf16>
        %mul3A_825 = arith.mulf %bitcast3A_824, %pack3A_143 : vector<32xbf16>
        %add3A_826 = arith.addf %add3A_819, %mul3A_825 : vector<32xbf16>
        %unpack3A_827 = tpu.unpack_subelements %add3A_826, 0 {pack_format = #tpu.pack_format<interleaved>} : vector<32xbf16> -> vector<16xf32>
        %unpack3A_828 = tpu.unpack_subelements %add3A_826, 1 {pack_format = #tpu.pack_format<interleaved>} : vector<32xbf16> -> vector<16xf32>
        %add3A_829 = arith.constant 46 : i32
        %add3A_830 = vector.broadcast %add3A_829 : i32 to vector<16xi32>
        %add3A_831 = arith.addi %mul3A_164, %add3A_830 : vector<16xi32>
        tpu.vector_store_idx %arg15[%add3A_831], %unpack3A_827 : memref<5200xf32, #tpu.memory_space<vmem>>[vector<16xi32>], vector<16xf32>,
        %add3A_832 = arith.constant 47 : i32
        %add3A_833 = vector.broadcast %add3A_832 : i32 to vector<16xi32>
        %add3A_834 = arith.addi %mul3A_164, %add3A_833 : vector<16xi32>
        tpu.vector_store_idx %arg15[%add3A_834], %unpack3A_828 : memref<5200xf32, #tpu.memory_space<vmem>>[vector<16xi32>], vector<16xf32>,
        %add3A_835 = arith.constant 24 : i32
        %add3A_836 = vector.broadcast %add3A_835 : i32 to vector<16xi32>
        %add3A_837 = arith.addi %add3A_149, %add3A_836 : vector<16xi32>
        %gather3A_838 = tpu.vector_load_idx %arg7[%add3A_837] : memref<101079xi32, #tpu.memory_space<vmem>>[vector<16xi32>], vector<16xi32>,
        %bitcast3A_839 = vector.bitcast %gather3A_838 : vector<16xi32> to vector<32xbf16>
        %mul3A_840 = arith.mulf %bitcast3A_839, %pack3A : vector<32xbf16>
        %add3A_841 = arith.constant 24 : i32
        %add3A_842 = vector.broadcast %add3A_841 : i32 to vector<16xi32>
        %add3A_843 = arith.addi %add3A_155, %add3A_842 : vector<16xi32>
        %gather3A_844 = tpu.vector_load_idx %arg7[%add3A_843] : memref<101079xi32, #tpu.memory_space<vmem>>[vector<16xi32>], vector<16xi32>,
        %bitcast3A_845 = vector.bitcast %gather3A_844 : vector<16xi32> to vector<32xbf16>
        %mul3A_846 = arith.mulf %bitcast3A_845, %pack3A_137 : vector<32xbf16>
        %add3A_847 = arith.addf %mul3A_840, %mul3A_846 : vector<32xbf16>
        %add3A_848 = arith.constant 24 : i32
        %add3A_849 = vector.broadcast %add3A_848 : i32 to vector<16xi32>
        %add3A_850 = arith.addi %add3A_161, %add3A_849 : vector<16xi32>
        %gather3A_851 = tpu.vector_load_idx %arg7[%add3A_850] : memref<101079xi32, #tpu.memory_space<vmem>>[vector<16xi32>], vector<16xi32>,
        %bitcast3A_852 = vector.bitcast %gather3A_851 : vector<16xi32> to vector<32xbf16>
        %mul3A_853 = arith.mulf %bitcast3A_852, %pack3A_143 : vector<32xbf16>
        %add3A_854 = arith.addf %add3A_847, %mul3A_853 : vector<32xbf16>
        %unpack3A_855 = tpu.unpack_subelements %add3A_854, 0 {pack_format = #tpu.pack_format<interleaved>} : vector<32xbf16> -> vector<16xf32>
        %unpack3A_856 = tpu.unpack_subelements %add3A_854, 1 {pack_format = #tpu.pack_format<interleaved>} : vector<32xbf16> -> vector<16xf32>
        %add3A_857 = arith.constant 48 : i32
        %add3A_858 = vector.broadcast %add3A_857 : i32 to vector<16xi32>
        %add3A_859 = arith.addi %mul3A_164, %add3A_858 : vector<16xi32>
        tpu.vector_store_idx %arg15[%add3A_859], %unpack3A_855 : memref<5200xf32, #tpu.memory_space<vmem>>[vector<16xi32>], vector<16xf32>,
        %add3A_860 = arith.constant 49 : i32
        %add3A_861 = vector.broadcast %add3A_860 : i32 to vector<16xi32>
        %add3A_862 = arith.addi %mul3A_164, %add3A_861 : vector<16xi32>
        tpu.vector_store_idx %arg15[%add3A_862], %unpack3A_856 : memref<5200xf32, #tpu.memory_space<vmem>>[vector<16xi32>], vector<16xf32>,
        %add3A_863 = arith.constant 25 : i32
        %add3A_864 = vector.broadcast %add3A_863 : i32 to vector<16xi32>
        %add3A_865 = arith.addi %add3A_149, %add3A_864 : vector<16xi32>
        %gather3A_866 = tpu.vector_load_idx %arg7[%add3A_865] : memref<101079xi32, #tpu.memory_space<vmem>>[vector<16xi32>], vector<16xi32>,
        %bitcast3A_867 = vector.bitcast %gather3A_866 : vector<16xi32> to vector<32xbf16>
        %mul3A_868 = arith.mulf %bitcast3A_867, %pack3A : vector<32xbf16>
        %add3A_869 = arith.constant 25 : i32
        %add3A_870 = vector.broadcast %add3A_869 : i32 to vector<16xi32>
        %add3A_871 = arith.addi %add3A_155, %add3A_870 : vector<16xi32>
        %gather3A_872 = tpu.vector_load_idx %arg7[%add3A_871] : memref<101079xi32, #tpu.memory_space<vmem>>[vector<16xi32>], vector<16xi32>,
        %bitcast3A_873 = vector.bitcast %gather3A_872 : vector<16xi32> to vector<32xbf16>
        %mul3A_874 = arith.mulf %bitcast3A_873, %pack3A_137 : vector<32xbf16>
        %add3A_875 = arith.addf %mul3A_868, %mul3A_874 : vector<32xbf16>
        %add3A_876 = arith.constant 25 : i32
        %add3A_877 = vector.broadcast %add3A_876 : i32 to vector<16xi32>
        %add3A_878 = arith.addi %add3A_161, %add3A_877 : vector<16xi32>
        %gather3A_879 = tpu.vector_load_idx %arg7[%add3A_878] : memref<101079xi32, #tpu.memory_space<vmem>>[vector<16xi32>], vector<16xi32>,
        %bitcast3A_880 = vector.bitcast %gather3A_879 : vector<16xi32> to vector<32xbf16>
        %mul3A_881 = arith.mulf %bitcast3A_880, %pack3A_143 : vector<32xbf16>
        %add3A_882 = arith.addf %add3A_875, %mul3A_881 : vector<32xbf16>
        %unpack3A_883 = tpu.unpack_subelements %add3A_882, 0 {pack_format = #tpu.pack_format<interleaved>} : vector<32xbf16> -> vector<16xf32>
        %unpack3A_884 = tpu.unpack_subelements %add3A_882, 1 {pack_format = #tpu.pack_format<interleaved>} : vector<32xbf16> -> vector<16xf32>
        %add3A_885 = arith.constant 50 : i32
        %add3A_886 = vector.broadcast %add3A_885 : i32 to vector<16xi32>
        %add3A_887 = arith.addi %mul3A_164, %add3A_886 : vector<16xi32>
        tpu.vector_store_idx %arg15[%add3A_887], %unpack3A_883 : memref<5200xf32, #tpu.memory_space<vmem>>[vector<16xi32>], vector<16xf32>,
        %add3A_888 = arith.constant 51 : i32
        %add3A_889 = vector.broadcast %add3A_888 : i32 to vector<16xi32>
        %add3A_890 = arith.addi %mul3A_164, %add3A_889 : vector<16xi32>
        tpu.vector_store_idx %arg15[%add3A_890], %unpack3A_884 : memref<5200xf32, #tpu.memory_space<vmem>>[vector<16xi32>], vector<16xf32>,
        %add3A_891 = arith.constant 26 : i32
        %add3A_892 = vector.broadcast %add3A_891 : i32 to vector<16xi32>
        %add3A_893 = arith.addi %add3A_149, %add3A_892 : vector<16xi32>
        %gather3A_894 = tpu.vector_load_idx %arg7[%add3A_893] : memref<101079xi32, #tpu.memory_space<vmem>>[vector<16xi32>], vector<16xi32>,
        %bitcast3A_895 = vector.bitcast %gather3A_894 : vector<16xi32> to vector<32xbf16>
        %mul3A_896 = arith.mulf %bitcast3A_895, %pack3A : vector<32xbf16>
        %add3A_897 = arith.constant 26 : i32
        %add3A_898 = vector.broadcast %add3A_897 : i32 to vector<16xi32>
        %add3A_899 = arith.addi %add3A_155, %add3A_898 : vector<16xi32>
        %gather3A_900 = tpu.vector_load_idx %arg7[%add3A_899] : memref<101079xi32, #tpu.memory_space<vmem>>[vector<16xi32>], vector<16xi32>,
        %bitcast3A_901 = vector.bitcast %gather3A_900 : vector<16xi32> to vector<32xbf16>
        %mul3A_902 = arith.mulf %bitcast3A_901, %pack3A_137 : vector<32xbf16>
        %add3A_903 = arith.addf %mul3A_896, %mul3A_902 : vector<32xbf16>
        %add3A_904 = arith.constant 26 : i32
        %add3A_905 = vector.broadcast %add3A_904 : i32 to vector<16xi32>
        %add3A_906 = arith.addi %add3A_161, %add3A_905 : vector<16xi32>
        %gather3A_907 = tpu.vector_load_idx %arg7[%add3A_906] : memref<101079xi32, #tpu.memory_space<vmem>>[vector<16xi32>], vector<16xi32>,
        %bitcast3A_908 = vector.bitcast %gather3A_907 : vector<16xi32> to vector<32xbf16>
        %mul3A_909 = arith.mulf %bitcast3A_908, %pack3A_143 : vector<32xbf16>
        %add3A_910 = arith.addf %add3A_903, %mul3A_909 : vector<32xbf16>
        %unpack3A_911 = tpu.unpack_subelements %add3A_910, 0 {pack_format = #tpu.pack_format<interleaved>} : vector<32xbf16> -> vector<16xf32>
        %unpack3A_912 = tpu.unpack_subelements %add3A_910, 1 {pack_format = #tpu.pack_format<interleaved>} : vector<32xbf16> -> vector<16xf32>
        %add3A_913 = arith.constant 52 : i32
        %add3A_914 = vector.broadcast %add3A_913 : i32 to vector<16xi32>
        %add3A_915 = arith.addi %mul3A_164, %add3A_914 : vector<16xi32>
        tpu.vector_store_idx %arg15[%add3A_915], %unpack3A_911 : memref<5200xf32, #tpu.memory_space<vmem>>[vector<16xi32>], vector<16xf32>,
        %add3A_916 = arith.constant 53 : i32
        %add3A_917 = vector.broadcast %add3A_916 : i32 to vector<16xi32>
        %add3A_918 = arith.addi %mul3A_164, %add3A_917 : vector<16xi32>
        tpu.vector_store_idx %arg15[%add3A_918], %unpack3A_912 : memref<5200xf32, #tpu.memory_space<vmem>>[vector<16xi32>], vector<16xf32>,
        %add3A_919 = arith.constant 27 : i32
        %add3A_920 = vector.broadcast %add3A_919 : i32 to vector<16xi32>
        %add3A_921 = arith.addi %add3A_149, %add3A_920 : vector<16xi32>
        %gather3A_922 = tpu.vector_load_idx %arg7[%add3A_921] : memref<101079xi32, #tpu.memory_space<vmem>>[vector<16xi32>], vector<16xi32>,
        %bitcast3A_923 = vector.bitcast %gather3A_922 : vector<16xi32> to vector<32xbf16>
        %mul3A_924 = arith.mulf %bitcast3A_923, %pack3A : vector<32xbf16>
        %add3A_925 = arith.constant 27 : i32
        %add3A_926 = vector.broadcast %add3A_925 : i32 to vector<16xi32>
        %add3A_927 = arith.addi %add3A_155, %add3A_926 : vector<16xi32>
        %gather3A_928 = tpu.vector_load_idx %arg7[%add3A_927] : memref<101079xi32, #tpu.memory_space<vmem>>[vector<16xi32>], vector<16xi32>,
        %bitcast3A_929 = vector.bitcast %gather3A_928 : vector<16xi32> to vector<32xbf16>
        %mul3A_930 = arith.mulf %bitcast3A_929, %pack3A_137 : vector<32xbf16>
        %add3A_931 = arith.addf %mul3A_924, %mul3A_930 : vector<32xbf16>
        %add3A_932 = arith.constant 27 : i32
        %add3A_933 = vector.broadcast %add3A_932 : i32 to vector<16xi32>
        %add3A_934 = arith.addi %add3A_161, %add3A_933 : vector<16xi32>
        %gather3A_935 = tpu.vector_load_idx %arg7[%add3A_934] : memref<101079xi32, #tpu.memory_space<vmem>>[vector<16xi32>], vector<16xi32>,
        %bitcast3A_936 = vector.bitcast %gather3A_935 : vector<16xi32> to vector<32xbf16>
        %mul3A_937 = arith.mulf %bitcast3A_936, %pack3A_143 : vector<32xbf16>
        %add3A_938 = arith.addf %add3A_931, %mul3A_937 : vector<32xbf16>
        %unpack3A_939 = tpu.unpack_subelements %add3A_938, 0 {pack_format = #tpu.pack_format<interleaved>} : vector<32xbf16> -> vector<16xf32>
        %unpack3A_940 = tpu.unpack_subelements %add3A_938, 1 {pack_format = #tpu.pack_format<interleaved>} : vector<32xbf16> -> vector<16xf32>
        %add3A_941 = arith.constant 54 : i32
        %add3A_942 = vector.broadcast %add3A_941 : i32 to vector<16xi32>
        %add3A_943 = arith.addi %mul3A_164, %add3A_942 : vector<16xi32>
        tpu.vector_store_idx %arg15[%add3A_943], %unpack3A_939 : memref<5200xf32, #tpu.memory_space<vmem>>[vector<16xi32>], vector<16xf32>,
        %add3A_944 = arith.constant 55 : i32
        %add3A_945 = vector.broadcast %add3A_944 : i32 to vector<16xi32>
        %add3A_946 = arith.addi %mul3A_164, %add3A_945 : vector<16xi32>
        tpu.vector_store_idx %arg15[%add3A_946], %unpack3A_940 : memref<5200xf32, #tpu.memory_space<vmem>>[vector<16xi32>], vector<16xf32>,
        %add3A_947 = arith.constant 28 : i32
        %add3A_948 = vector.broadcast %add3A_947 : i32 to vector<16xi32>
        %add3A_949 = arith.addi %add3A_149, %add3A_948 : vector<16xi32>
        %gather3A_950 = tpu.vector_load_idx %arg7[%add3A_949] : memref<101079xi32, #tpu.memory_space<vmem>>[vector<16xi32>], vector<16xi32>,
        %bitcast3A_951 = vector.bitcast %gather3A_950 : vector<16xi32> to vector<32xbf16>
        %mul3A_952 = arith.mulf %bitcast3A_951, %pack3A : vector<32xbf16>
        %add3A_953 = arith.constant 28 : i32
        %add3A_954 = vector.broadcast %add3A_953 : i32 to vector<16xi32>
        %add3A_955 = arith.addi %add3A_155, %add3A_954 : vector<16xi32>
        %gather3A_956 = tpu.vector_load_idx %arg7[%add3A_955] : memref<101079xi32, #tpu.memory_space<vmem>>[vector<16xi32>], vector<16xi32>,
        %bitcast3A_957 = vector.bitcast %gather3A_956 : vector<16xi32> to vector<32xbf16>
        %mul3A_958 = arith.mulf %bitcast3A_957, %pack3A_137 : vector<32xbf16>
        %add3A_959 = arith.addf %mul3A_952, %mul3A_958 : vector<32xbf16>
        %add3A_960 = arith.constant 28 : i32
        %add3A_961 = vector.broadcast %add3A_960 : i32 to vector<16xi32>
        %add3A_962 = arith.addi %add3A_161, %add3A_961 : vector<16xi32>
        %gather3A_963 = tpu.vector_load_idx %arg7[%add3A_962] : memref<101079xi32, #tpu.memory_space<vmem>>[vector<16xi32>], vector<16xi32>,
        %bitcast3A_964 = vector.bitcast %gather3A_963 : vector<16xi32> to vector<32xbf16>
        %mul3A_965 = arith.mulf %bitcast3A_964, %pack3A_143 : vector<32xbf16>
        %add3A_966 = arith.addf %add3A_959, %mul3A_965 : vector<32xbf16>
        %unpack3A_967 = tpu.unpack_subelements %add3A_966, 0 {pack_format = #tpu.pack_format<interleaved>} : vector<32xbf16> -> vector<16xf32>
        %unpack3A_968 = tpu.unpack_subelements %add3A_966, 1 {pack_format = #tpu.pack_format<interleaved>} : vector<32xbf16> -> vector<16xf32>
        %add3A_969 = arith.constant 56 : i32
        %add3A_970 = vector.broadcast %add3A_969 : i32 to vector<16xi32>
        %add3A_971 = arith.addi %mul3A_164, %add3A_970 : vector<16xi32>
        tpu.vector_store_idx %arg15[%add3A_971], %unpack3A_967 : memref<5200xf32, #tpu.memory_space<vmem>>[vector<16xi32>], vector<16xf32>,
        %add3A_972 = arith.constant 57 : i32
        %add3A_973 = vector.broadcast %add3A_972 : i32 to vector<16xi32>
        %add3A_974 = arith.addi %mul3A_164, %add3A_973 : vector<16xi32>
        tpu.vector_store_idx %arg15[%add3A_974], %unpack3A_968 : memref<5200xf32, #tpu.memory_space<vmem>>[vector<16xi32>], vector<16xf32>,
        %add3A_975 = arith.constant 29 : i32
        %add3A_976 = vector.broadcast %add3A_975 : i32 to vector<16xi32>
        %add3A_977 = arith.addi %add3A_149, %add3A_976 : vector<16xi32>
        %gather3A_978 = tpu.vector_load_idx %arg7[%add3A_977] : memref<101079xi32, #tpu.memory_space<vmem>>[vector<16xi32>], vector<16xi32>,
        %bitcast3A_979 = vector.bitcast %gather3A_978 : vector<16xi32> to vector<32xbf16>
        %mul3A_980 = arith.mulf %bitcast3A_979, %pack3A : vector<32xbf16>
        %add3A_981 = arith.constant 29 : i32
        %add3A_982 = vector.broadcast %add3A_981 : i32 to vector<16xi32>
        %add3A_983 = arith.addi %add3A_155, %add3A_982 : vector<16xi32>
        %gather3A_984 = tpu.vector_load_idx %arg7[%add3A_983] : memref<101079xi32, #tpu.memory_space<vmem>>[vector<16xi32>], vector<16xi32>,
        %bitcast3A_985 = vector.bitcast %gather3A_984 : vector<16xi32> to vector<32xbf16>
        %mul3A_986 = arith.mulf %bitcast3A_985, %pack3A_137 : vector<32xbf16>
        %add3A_987 = arith.addf %mul3A_980, %mul3A_986 : vector<32xbf16>
        %add3A_988 = arith.constant 29 : i32
        %add3A_989 = vector.broadcast %add3A_988 : i32 to vector<16xi32>
        %add3A_990 = arith.addi %add3A_161, %add3A_989 : vector<16xi32>
        %gather3A_991 = tpu.vector_load_idx %arg7[%add3A_990] : memref<101079xi32, #tpu.memory_space<vmem>>[vector<16xi32>], vector<16xi32>,
        %bitcast3A_992 = vector.bitcast %gather3A_991 : vector<16xi32> to vector<32xbf16>
        %mul3A_993 = arith.mulf %bitcast3A_992, %pack3A_143 : vector<32xbf16>
        %add3A_994 = arith.addf %add3A_987, %mul3A_993 : vector<32xbf16>
        %unpack3A_995 = tpu.unpack_subelements %add3A_994, 0 {pack_format = #tpu.pack_format<interleaved>} : vector<32xbf16> -> vector<16xf32>
        %unpack3A_996 = tpu.unpack_subelements %add3A_994, 1 {pack_format = #tpu.pack_format<interleaved>} : vector<32xbf16> -> vector<16xf32>
        %add3A_997 = arith.constant 58 : i32
        %add3A_998 = vector.broadcast %add3A_997 : i32 to vector<16xi32>
        %add3A_999 = arith.addi %mul3A_164, %add3A_998 : vector<16xi32>
        tpu.vector_store_idx %arg15[%add3A_999], %unpack3A_995 : memref<5200xf32, #tpu.memory_space<vmem>>[vector<16xi32>], vector<16xf32>,
        %add3A_1000 = arith.constant 59 : i32
        %add3A_1001 = vector.broadcast %add3A_1000 : i32 to vector<16xi32>
        %add3A_1002 = arith.addi %mul3A_164, %add3A_1001 : vector<16xi32>
        tpu.vector_store_idx %arg15[%add3A_1002], %unpack3A_996 : memref<5200xf32, #tpu.memory_space<vmem>>[vector<16xi32>], vector<16xf32>,
        %add3A_1003 = arith.constant 30 : i32
        %add3A_1004 = vector.broadcast %add3A_1003 : i32 to vector<16xi32>
        %add3A_1005 = arith.addi %add3A_149, %add3A_1004 : vector<16xi32>
        %gather3A_1006 = tpu.vector_load_idx %arg7[%add3A_1005] : memref<101079xi32, #tpu.memory_space<vmem>>[vector<16xi32>], vector<16xi32>,
        %bitcast3A_1007 = vector.bitcast %gather3A_1006 : vector<16xi32> to vector<32xbf16>
        %mul3A_1008 = arith.mulf %bitcast3A_1007, %pack3A : vector<32xbf16>
        %add3A_1009 = arith.constant 30 : i32
        %add3A_1010 = vector.broadcast %add3A_1009 : i32 to vector<16xi32>
        %add3A_1011 = arith.addi %add3A_155, %add3A_1010 : vector<16xi32>
        %gather3A_1012 = tpu.vector_load_idx %arg7[%add3A_1011] : memref<101079xi32, #tpu.memory_space<vmem>>[vector<16xi32>], vector<16xi32>,
        %bitcast3A_1013 = vector.bitcast %gather3A_1012 : vector<16xi32> to vector<32xbf16>
        %mul3A_1014 = arith.mulf %bitcast3A_1013, %pack3A_137 : vector<32xbf16>
        %add3A_1015 = arith.addf %mul3A_1008, %mul3A_1014 : vector<32xbf16>
        %add3A_1016 = arith.constant 30 : i32
        %add3A_1017 = vector.broadcast %add3A_1016 : i32 to vector<16xi32>
        %add3A_1018 = arith.addi %add3A_161, %add3A_1017 : vector<16xi32>
        %gather3A_1019 = tpu.vector_load_idx %arg7[%add3A_1018] : memref<101079xi32, #tpu.memory_space<vmem>>[vector<16xi32>], vector<16xi32>,
        %bitcast3A_1020 = vector.bitcast %gather3A_1019 : vector<16xi32> to vector<32xbf16>
        %mul3A_1021 = arith.mulf %bitcast3A_1020, %pack3A_143 : vector<32xbf16>
        %add3A_1022 = arith.addf %add3A_1015, %mul3A_1021 : vector<32xbf16>
        %unpack3A_1023 = tpu.unpack_subelements %add3A_1022, 0 {pack_format = #tpu.pack_format<interleaved>} : vector<32xbf16> -> vector<16xf32>
        %unpack3A_1024 = tpu.unpack_subelements %add3A_1022, 1 {pack_format = #tpu.pack_format<interleaved>} : vector<32xbf16> -> vector<16xf32>
        %add3A_1025 = arith.constant 60 : i32
        %add3A_1026 = vector.broadcast %add3A_1025 : i32 to vector<16xi32>
        %add3A_1027 = arith.addi %mul3A_164, %add3A_1026 : vector<16xi32>
        tpu.vector_store_idx %arg15[%add3A_1027], %unpack3A_1023 : memref<5200xf32, #tpu.memory_space<vmem>>[vector<16xi32>], vector<16xf32>,
        %add3A_1028 = arith.constant 61 : i32
        %add3A_1029 = vector.broadcast %add3A_1028 : i32 to vector<16xi32>
        %add3A_1030 = arith.addi %mul3A_164, %add3A_1029 : vector<16xi32>
        tpu.vector_store_idx %arg15[%add3A_1030], %unpack3A_1024 : memref<5200xf32, #tpu.memory_space<vmem>>[vector<16xi32>], vector<16xf32>,
        %add3A_1031 = arith.constant 31 : i32
        %add3A_1032 = vector.broadcast %add3A_1031 : i32 to vector<16xi32>
        %add3A_1033 = arith.addi %add3A_149, %add3A_1032 : vector<16xi32>
        %gather3A_1034 = tpu.vector_load_idx %arg7[%add3A_1033] : memref<101079xi32, #tpu.memory_space<vmem>>[vector<16xi32>], vector<16xi32>,
        %bitcast3A_1035 = vector.bitcast %gather3A_1034 : vector<16xi32> to vector<32xbf16>
        %mul3A_1036 = arith.mulf %bitcast3A_1035, %pack3A : vector<32xbf16>
        %add3A_1037 = arith.constant 31 : i32
        %add3A_1038 = vector.broadcast %add3A_1037 : i32 to vector<16xi32>
        %add3A_1039 = arith.addi %add3A_155, %add3A_1038 : vector<16xi32>
        %gather3A_1040 = tpu.vector_load_idx %arg7[%add3A_1039] : memref<101079xi32, #tpu.memory_space<vmem>>[vector<16xi32>], vector<16xi32>,
        %bitcast3A_1041 = vector.bitcast %gather3A_1040 : vector<16xi32> to vector<32xbf16>
        %mul3A_1042 = arith.mulf %bitcast3A_1041, %pack3A_137 : vector<32xbf16>
        %add3A_1043 = arith.addf %mul3A_1036, %mul3A_1042 : vector<32xbf16>
        %add3A_1044 = arith.constant 31 : i32
        %add3A_1045 = vector.broadcast %add3A_1044 : i32 to vector<16xi32>
        %add3A_1046 = arith.addi %add3A_161, %add3A_1045 : vector<16xi32>
        %gather3A_1047 = tpu.vector_load_idx %arg7[%add3A_1046] : memref<101079xi32, #tpu.memory_space<vmem>>[vector<16xi32>], vector<16xi32>,
        %bitcast3A_1048 = vector.bitcast %gather3A_1047 : vector<16xi32> to vector<32xbf16>
        %mul3A_1049 = arith.mulf %bitcast3A_1048, %pack3A_143 : vector<32xbf16>
        %add3A_1050 = arith.addf %add3A_1043, %mul3A_1049 : vector<32xbf16>
        %unpack3A_1051 = tpu.unpack_subelements %add3A_1050, 0 {pack_format = #tpu.pack_format<interleaved>} : vector<32xbf16> -> vector<16xf32>
        %unpack3A_1052 = tpu.unpack_subelements %add3A_1050, 1 {pack_format = #tpu.pack_format<interleaved>} : vector<32xbf16> -> vector<16xf32>
        %add3A_1053 = arith.constant 62 : i32
        %add3A_1054 = vector.broadcast %add3A_1053 : i32 to vector<16xi32>
        %add3A_1055 = arith.addi %mul3A_164, %add3A_1054 : vector<16xi32>
        tpu.vector_store_idx %arg15[%add3A_1055], %unpack3A_1051 : memref<5200xf32, #tpu.memory_space<vmem>>[vector<16xi32>], vector<16xf32>,
        %add3A_1056 = arith.constant 63 : i32
        %add3A_1057 = vector.broadcast %add3A_1056 : i32 to vector<16xi32>
        %add3A_1058 = arith.addi %mul3A_164, %add3A_1057 : vector<16xi32>
        tpu.vector_store_idx %arg15[%add3A_1058], %unpack3A_1052 : memref<5200xf32, #tpu.memory_space<vmem>>[vector<16xi32>], vector<16xf32>,
      }
      %scan3A_101 = arith.constant 5 : i32
      %scan3A_102 = arith.constant 0 : i32
      %scan3A_103 = arith.constant 0 : i32
      %scan3A_104 = arith.constant 80 : i32
      %scan3A_105 = arith.addi %scan3A_103, %scan3A_104 : i32
      %scan3A_106 = arith.constant 1 : i32
      scf.for %scan3A_115 = %scan3A_103 to %scan3A_105 step %scan3A_106  : i32 {
        %mul3A_116 = arith.constant 65 : i32
        %mul3A_117 = arith.muli %scan3A_115, %mul3A_116 : i32
        %add3A_118 = arith.constant 0 : i32
        %add3A_119 = arith.addi %mul3A_117, %add3A_118 : i32
        %get3A = arith.index_cast %add3A_119 : i32 to index
        %get3A_120 = tpu.vector_load %arg15[%get3A] {strides = array<i32>} : memref<5200xf32, #tpu.memory_space<vmem>>, vector<16xf32>,
        %mul3A_121 = arith.constant 64 : i32
        %mul3A_122 = arith.muli %scan3A_115, %mul3A_121 : i32
        %add3A_123 = arith.constant 0 : i32
        %add3A_124 = arith.addi %mul3A_122, %add3A_123 : i32
        %swap3A = arith.index_cast %add3A_124 : i32 to index
        %swap3A_125 = tpu.vector_load %arg16[%swap3A] {strides = array<i32>} : memref<5120xf32, #tpu.memory_space<vmem>>, vector<16xf32>,
        tpu.vector_store %arg16[%swap3A], %get3A_120 {strides = array<i32>} : memref<5120xf32, #tpu.memory_space<vmem>>, vector<16xf32>,
        %mul3A_126 = arith.constant 65 : i32
        %mul3A_127 = arith.muli %scan3A_115, %mul3A_126 : i32
        %add3A_128 = arith.constant 16 : i32
        %add3A_129 = arith.addi %mul3A_127, %add3A_128 : i32
        %get3A_130 = arith.index_cast %add3A_129 : i32 to index
        %get3A_131 = tpu.vector_load %arg15[%get3A_130] {strides = array<i32>} : memref<5200xf32, #tpu.memory_space<vmem>>, vector<16xf32>,
        %mul3A_132 = arith.constant 64 : i32
        %mul3A_133 = arith.muli %scan3A_115, %mul3A_132 : i32
        %add3A_134 = arith.constant 16 : i32
        %add3A_135 = arith.addi %mul3A_133, %add3A_134 : i32
        %swap3A_136 = arith.index_cast %add3A_135 : i32 to index
        %swap3A_137 = tpu.vector_load %arg16[%swap3A_136] {strides = array<i32>} : memref<5120xf32, #tpu.memory_space<vmem>>, vector<16xf32>,
        tpu.vector_store %arg16[%swap3A_136], %get3A_131 {strides = array<i32>} : memref<5120xf32, #tpu.memory_space<vmem>>, vector<16xf32>,
        %mul3A_138 = arith.constant 65 : i32
        %mul3A_139 = arith.muli %scan3A_115, %mul3A_138 : i32
        %add3A_140 = arith.constant 32 : i32
        %add3A_141 = arith.addi %mul3A_139, %add3A_140 : i32
        %get3A_142 = arith.index_cast %add3A_141 : i32 to index
        %get3A_143 = tpu.vector_load %arg15[%get3A_142] {strides = array<i32>} : memref<5200xf32, #tpu.memory_space<vmem>>, vector<16xf32>,
        %mul3A_144 = arith.constant 64 : i32
        %mul3A_145 = arith.muli %scan3A_115, %mul3A_144 : i32
        %add3A_146 = arith.constant 32 : i32
        %add3A_147 = arith.addi %mul3A_145, %add3A_146 : i32
        %swap3A_148 = arith.index_cast %add3A_147 : i32 to index
        %swap3A_149 = tpu.vector_load %arg16[%swap3A_148] {strides = array<i32>} : memref<5120xf32, #tpu.memory_space<vmem>>, vector<16xf32>,
        tpu.vector_store %arg16[%swap3A_148], %get3A_143 {strides = array<i32>} : memref<5120xf32, #tpu.memory_space<vmem>>, vector<16xf32>,
        %mul3A_150 = arith.constant 65 : i32
        %mul3A_151 = arith.muli %scan3A_115, %mul3A_150 : i32
        %add3A_152 = arith.constant 48 : i32
        %add3A_153 = arith.addi %mul3A_151, %add3A_152 : i32
        %get3A_154 = arith.index_cast %add3A_153 : i32 to index
        %get3A_155 = tpu.vector_load %arg15[%get3A_154] {strides = array<i32>} : memref<5200xf32, #tpu.memory_space<vmem>>, vector<16xf32>,
        %mul3A_156 = arith.constant 64 : i32
        %mul3A_157 = arith.muli %scan3A_115, %mul3A_156 : i32
        %add3A_158 = arith.constant 48 : i32
        %add3A_159 = arith.addi %mul3A_157, %add3A_158 : i32
        %swap3A_160 = arith.index_cast %add3A_159 : i32 to index
        %swap3A_161 = tpu.vector_load %arg16[%swap3A_160] {strides = array<i32>} : memref<5120xf32, #tpu.memory_space<vmem>>, vector<16xf32>,
        tpu.vector_store %arg16[%swap3A_160], %get3A_155 {strides = array<i32>} : memref<5120xf32, #tpu.memory_space<vmem>>, vector<16xf32>,
      }
      %scan3A_107 = arith.constant 80 : i32
      %mul3A_108 = arith.constant 80 : i32
      %mul3A_109 = arith.muli %add3A_95, %mul3A_108 : i32
      %add3A_110 = arith.addi %mul3A_2, %mul3A_109 : i32
      %mul3A_111 = arith.constant 64 : i32
      %mul3A_112 = arith.muli %add3A_110, %mul3A_111 : i32
      %dma_start3A_113 = tpu.memref_slice %arg6[%mul3A_112] : memref<13107200xf32, #tpu.memory_space<hbm>> -> memref<5120xf32, #tpu.memory_space<hbm>>
      %dma_start3A_114 = tpu.memref_slice %arg6[%mul3A_112] : memref<13107200xf32, #tpu.memory_space<hbm>> -> memref<5120xf32, #tpu.memory_space<hbm>>
      tpu.enqueue_dma source(%arg16 : memref<5120xf32, #tpu.memory_space<vmem>>) target(%dma_start3A_114 : memref<5120xf32, #tpu.memory_space<hbm>>) target_semaphore(%arg19 : memref<!tpu.dma_semaphore, #tpu.memory_space<semaphore_mem>>)
    }
    %scan3A_18 = arith.constant 40 : i32
    %mul3A_19 = arith.constant 64 : i32
    %mul3A_20 = arith.muli %mul3A_2, %mul3A_19 : i32
    %dma_wait3A = tpu.memref_slice %arg6[%mul3A_20] : memref<13107200xf32, #tpu.memory_space<hbm>> -> memref<5120xf32, #tpu.memory_space<hbm>>
    %dma_wait3A_21 = tpu.memref_slice %arg6[%mul3A_20] : memref<13107200xf32, #tpu.memory_space<hbm>> -> memref<5120xf32, #tpu.memory_space<hbm>>
    tpu.wait_dma2 semaphore(%arg19 : memref<!tpu.dma_semaphore, #tpu.memory_space<semaphore_mem>>) src(%arg16 : memref<5120xf32, #tpu.memory_space<vmem>>) dst(%dma_wait3A_21 : memref<5120xf32, #tpu.memory_space<hbm>>)
    return
  }
}

</mosaic_0001>

<sc_bundles>
// kernel: kernel.3.cloned.1.call-start
scs
__scs_entry_jumppad:
0x0: {  	(pc) =	sbr.rel $0x88, $3  }
0x1: {  	(tag) =	ssettag $0x0;
	lr =	simm.s32 $0x1  }
0x2: {  	[smem:$0x3F9D] =	sst lr;
	_ =	strace $0xD0000000  }
0x3: {  	_ = 	snop  }
0x4: {  	_ = 	snop  }
0x5: {  	_ = 	snop  }
0x6: {  	_ = 	snop  }
0x7: {  	_ = 	snop  }
__scs_overlays_trampoline_lowered:
0x8: {  	[smem:$0x3FAC] =	sst s0  }
0x9: {  	[smem:$0x3FAD] =	sst s1  }
0xa: {  	[smem:$0x3FAE] =	sst s2  }
0xb: {  	[smem:$0x3FAF] =	sst s3  }
0xc: {  	[smem:$0x3FB0] =	sst s4  }
0xd: {  	[smem:$0x3FB1] =	sst s5  }
0xe: {  	[smem:$0x3FB2] =	sst s6  }
0xf: {  	[smem:$0x3FB3] =	sst s7  }
0x10: {  	[smem:$0x3FB4] =	sst s8  }
0x11: {  	[smem:$0x3FB5] =	sst s9;
	s0 =	simm.s32 @!p0 $0x0  }
0x12: {  	s1 =	sld [smem:$0x3F9B];
	s0 =	simm.s32 @p0 $0x1  }
0x13: {  	[smem:$0x3FB6] =	sst s0;
	s0 =	simm.s32 @!p1 $0x0  }
0x14: {  	s2 =	sld [smem:$0x3F9A];
	s0 =	simm.s32 @p1 $0x1  }
0x15: {  	[smem:$0x3FB7] =	sst s0;
	s0 =	simm.s32 @!p2 $0x0  }
0x16: {  	s3 =	sld [smem:$0x3FDB];
	s0 =	simm.s32 @p2 $0x1  }
0x17: {  	s4 =	simm.s32 $0x1BF5;
	[smem:$0x3FB9] =	sst s0  }
0x18: {  	s0 =	sld [smem:$0x3F9C];
	_ =	swait.ge [sflag:s4], $0x0  }
0x19: {  	s7 =	sld [smem:$0x3F9D]  }
0x1a: {  	s8 =	sadd.s32 $0xFFFFE003, lr  }
0x1b: {  	s9 =	sadd.s32 $0xFFFFFEF7, lr;
	s5 =	simm.s32 $0xFFFFFFFF;
	p2 =	slt.u32 s8, $0xFFFFF086  }
0x1c: {  	p1 =	slt.u32 s9, $0xF7A;
	s5 =	simm.s32 @!p2 $0x0  }
0x1d: {  	s5 =	simm.s32 @p1 $0x1;
	p0 =	seq.s32 s7, s2  }
0x1e: {  	s7 =	smul.u32 @!p0 $0xF7A, s2;
	p2 =	seq.s32 @!p0 s5, $0x0  }
0x1f: {  	s9 =	smul.u32 $0xF7A, s1;
	s8 =	simm.s32 @!p0 $0x1BF5;
	p2 =	por !p2, p0  }
0x20: {  	[sflag:s8] =	ssyncset.s32 @!p0 $0xFFFFF086;
	s6 =	sadd.s32 @!p0 s3, s7;
	s7 =	simm.s32 @!p0 $0x108  }
0x21: {  	s3 =	sadd.s32 s3, s9;
	s6 =	sadd.s32 @!p0 $0x88, s6;
	s7 =	simm.s32 @p2 $0x1082  }
0x22: {  	[simem:s7], [sflag:s8] =	dma.local @!p0 [hbm:s6], $0xF7A  }
0x23: {  	s9 =	sor.u32 $0xD0000000, s2;
	s6 =	simm.s32 $0x108;
	_ =	swait.ge @!p0 [sflag:s8], $0x0  }
0x24: {  	s3 =	sadd.s32 $0x88, s3;
	s6 =	simm.s32 @!p1 $0x1082;
	[sflag:s4] =	ssyncset.s32 $0xFFFFF086  }
0x25: {  	[simem:s6], [sflag:s4] =	dma.local [hbm:s3], $0xF7A  }
0x26: {  	[smem:$0x3F9D] =	sst s1;
	(tag) =	ssettag s2;
	_ =	strace s9  }
0x27: {  	s1 =	sld [smem:$0x3FAD]  }
0x28: {  	s2 =	sld [smem:$0x3FAE]  }
0x29: {  	s4 =	sld [smem:$0x3FB0]  }
0x2a: {  	p0 =	seq.s32 s5, $0x0;
	s5 =	sld [smem:$0x3FB1]  }
0x2b: {  	s6 =	sld [smem:$0x3FB2]  }
0x2c: {  	s7 =	sld [smem:$0x3FB3]  }
0x2d: {  	s3 =	simm.s32 $0x108;
	s8 =	sld [smem:$0x3FB4]  }
0x2e: {  	s3 =	simm.s32 @!p0 $0x1082;
	s9 =	sld [smem:$0x3FB5]  }
0x2f: {  	lr =	sadd.s32 s0, s3;
	s0 =	sld [smem:$0x3FAC]  }
0x30: {  	s3 =	sld [smem:$0x3FAF]  }
0x31: {  	[smem:$0x3FB8] =	sst s10  }
0x32: {  	s10 =	sld [smem:$0x3FB6];
	_ =	sdelay $0x3  }
0x33: {  	p0 =	seq.s32 s10, $0x1;
	s10 =	sld [smem:$0x3FB8];
	_ =	sdelay $0x3  }
0x34: {  	[smem:$0x3FB8] =	sst s10  }
0x35: {  	s10 =	sld [smem:$0x3FB7];
	_ =	sdelay $0x3  }
0x36: {  	p1 =	seq.s32 s10, $0x1;
	s10 =	sld [smem:$0x3FB8];
	_ =	sdelay $0x3  }
0x37: {  	[smem:$0x3FB8] =	sst s10  }
0x38: {  	s10 =	sld [smem:$0x3FB9]  }
0x39: {  	_ = 	snop;
	(pc) =	sbr.ind lr, $3  }
0x3a: {  	_ = 	snop  }
0x3b: {  	_ = 	snop  }
0x3c: {  	p2 =	seq.s32 s10, $0x1;
	s10 =	sld [smem:$0x3FB8]  }
0x3d: {  	_ =	shalt  }
0x3e: {  	_ =	shalt  }
0x3f: {  	_ =	shalt  }
0x40: {  	_ =	shalt  }
0x41: {  	_ =	shalt  }
0x42: {  	_ =	shalt  }
0x43: {  	_ =	shalt  }
0x44: {  	_ =	shalt  }
0x45: {  	_ =	shalt  }
0x46: {  	_ =	shalt  }
0x47: {  	_ =	shalt  }
0x48: {  	_ =	shalt  }
0x49: {  	_ =	shalt  }
0x4a: {  	_ =	shalt  }
0x4b: {  	_ =	shalt  }
0x4c: {  	_ =	shalt  }
0x4d: {  	_ =	shalt  }
0x4e: {  	_ =	shalt  }
0x4f: {  	_ =	shalt  }
0x50: {  	_ =	shalt  }
0x51: {  	_ =	shalt  }
0x52: {  	_ =	shalt  }
0x53: {  	_ =	shalt  }
0x54: {  	_ =	shalt  }
0x55: {  	_ =	shalt  }
0x56: {  	_ =	shalt  }
0x57: {  	_ =	shalt  }
0x58: {  	_ =	shalt  }
0x59: {  	_ =	shalt  }
0x5a: {  	_ =	shalt  }
0x5b: {  	_ =	shalt  }
0x5c: {  	_ =	shalt  }
0x5d: {  	_ =	shalt  }
0x5e: {  	_ =	shalt  }
0x5f: {  	_ =	shalt  }
0x60: {  	_ =	shalt  }
0x61: {  	_ =	shalt  }
0x62: {  	_ =	shalt  }
0x63: {  	_ =	shalt  }
0x64: {  	_ =	shalt  }
0x65: {  	_ =	shalt  }
0x66: {  	_ =	shalt  }
0x67: {  	_ =	shalt  }
0x68: {  	_ =	shalt  }
0x69: {  	_ =	shalt  }
0x6a: {  	_ =	shalt  }
0x6b: {  	_ =	shalt  }
0x6c: {  	_ =	shalt  }
0x6d: {  	_ =	shalt  }
0x6e: {  	_ =	shalt  }
0x6f: {  	_ =	shalt  }
0x70: {  	_ =	shalt  }
0x71: {  	_ =	shalt  }
0x72: {  	_ =	shalt  }
0x73: {  	_ =	shalt  }
0x74: {  	_ =	shalt  }
0x75: {  	_ =	shalt  }
0x76: {  	_ =	shalt  }
0x77: {  	_ =	shalt  }
0x78: {  	_ =	shalt  }
0x79: {  	_ =	shalt  }
0x7a: {  	_ =	shalt  }
0x7b: {  	_ =	shalt  }
0x7c: {  	_ =	shalt  }
0x7d: {  	_ =	shalt  }
0x7e: {  	_ =	shalt  }
0x7f: {  	_ =	shalt  }
0x80: {  	_ =	shalt  }
0x81: {  	_ =	shalt  }
0x82: {  	_ =	shalt  }
0x83: {  	_ =	shalt  }
0x84: {  	_ =	shalt  }
0x85: {  	_ =	shalt  }
0x86: {  	_ =	shalt  }
0x87: {  	_ =	shalt  }
.Lfunc_end0:
.L_simem_size_0:
called_computation.1_lowered:
.L_overlay_start_0:
0x88: {  	s2 =	sld [smem:$0x3FD9]  }
0x89: {  	s3 =	sld [smem:$0x3FFE];
	_ =	sdelay $0x1  }
0x8a: {  	s1 =	srdreg.scid  }
0x8b: {  	s0 =	sand.u32 $0x1, s1  }
0x8c: {  	s17 =	sshll.u32 s0, $0xA;
	s2 =	sadd.s32 s3, s2  }
0x8d: {  	s2 =	sadd.s32 s2, s17  }
0x8e: {  	[smem:$0x3FC4] =	sst s2  }
0x8f: {  	_ = 	snop  }
0x90: {  	s2 =	sld [smem:$0x3FD0];
	(tm) =	ssettm $0x1  }
0x91: {  	s18 =	sld [smem:$0x3FFB];
	_ =	sdelay $0x3  }
0x92: {  	_ =	strace s18  }
0x93: {  	s3 =	sld [smem:$0x3FFC];
	_ =	sdelay $0x3  }
0x94: {  	_ =	strace s3  }
0x95: {  	s3 =	sld [smem:$0x3FFD];
	_ =	sdelay $0x3  }
0x96: {  	_ =	strace s3  }
0x97: {  	_ =	strace $0x8FFFFFFF  }
0x98: {  	s19 =	sld [smem:$0x3FDB];
	_ =	sdelay $0x1  }
0x99: {  	s4 =	simm.s32 $_scs_section_size  }
0x9a: {  	s5 =	simm.s32 $_size__tile_overlayer_lowered;
	s6 =	simm.s32 $_tile_overlayer_lowered  }
0x9b: {  	s22 =	simm.s32 $0x1BFF;
	s21 =	sshll.u32 s6, $0x1;
	s3 =	sadd.s32 s4, s19  }
0x9c: {  	s7 =	simm.s32 $0x0;
	s20 =	sshll.u32 s5, $0x1;
	s5 =	sadd.s32 s21, s3  }
0x9d: {  	[timem:s7], [sflag:s22] =	dma.local [hbm:s5], s20  }
0x9e: {  	_ =	swait.ge [sflag:s22], s20  }
0x9f: {  	s4 =	ssub.s32 $0x0, s20;
	[sflag:s22] =	ssyncset.done $0x0  }
0xa0: {  	[sflag:s22] =	ssyncadd.s32 s4;
	_ =	sdelay $0x1  }
0xa1: {  	s23 =	simm.s32 $0x1B8B  }
0xa2: {  	_ =	swait.ge [sflag:s23], $0x1  }
0xa3: {  	[sflag:s23] =	ssyncset.done $0x0  }
0xa4: {  	s25 =	simm.s32 $0x1B8E;
	s24 =	sld [smem:$0x3FFE];
	[sflag:s23] =	ssyncadd.s32 $0xFFFFFFFF  }
0xa5: {  	s26 =	simm.s32 $execute0_lowered;
	[smem:$0x3FD2] =	sst s25  }
0xa6: {  	s5 =	sshll.u32 s26, $0x1;
	_ =	strace $0x80000046;
	[dreg:$0x1] =	wrdreg $0xFFFFFFFF  }
0xa7: {  	s28 =	simm.s32 $_size_execute0_lowered;
	s3 =	sadd.s32 s3, s5;
	[dreg:$0x0] =	wrdreg $0x0  }
0xa8: {  	s5 =	sshll.u32 s28, $0x1;
	[dreg:$0x2] =	wrdreg s3  }
0xa9: {  	[dreg:$0x3] =	wrdreg s5  }
0xaa: {  	[dreg:$0x4] =	wrdreg $0xC0  }
0xab: {  	_ =	task [dreg:s7], $0x5FFFF  }
0xac: {  	[dreg:$0x1] =	wrdreg $0xFFFFFFFF  }
0xad: {  	[dreg:$0x0] =	wrdreg $0x60  }
0xae: {  	[dreg:$0x2] =	wrdreg s24  }
0xaf: {  	[dreg:$0x3] =	wrdreg s2  }
0xb0: {  	[dreg:$0x4] =	wrdreg $0x9  }
0xb1: {  	_ =	task.clear_ibuf [dreg:s7], $0x5FFFF;
	_ =	strace $0x90000046  }
0xb2: {  	s29 =	simm.s32 $0x9;
	_ =	strace $0x80000048  }
0xb3: {  	_ =	swait.ge [sflag:s29], $0x1  }
0xb4: {  	[sflag:s29] =	ssyncadd.s32 $0xFFFFFFFF  }
0xb5: {  	_ =	strace $0x90000048  }
0xb6: {  	_ =	sfence  }
0xb7: {  	s30 =	sld [smem:$0x0];
	_ =	sdelay $0x2  }
0xb8: {  	s31 =	sshll.u32 s1, $0xD;
	s1 =	sshrl.u32 s1, $0x2  }
0xb9: {  	s3 =	sand.u32 $0x4000, s31;
	s1 =	sadd.s32 s1, s30  }
0xba: {  	s0 =	sor.u32 s3, s0;
	s1 =	sshll.u32 s1, $0x11  }
0xbb: {  	s0 =	sor.u32 s1, s0  }
0xbc: {  	s0 =	sadd.s32 $0x8F2B, s0  }
0xbd: {  	[sflag:s0] =	ssyncadd.remote.s32 $0x1  }
0xbe: {  	_ =	sfence.sel $0xFFFF  }
0xbf: {  	[dreg:$0x0] =	wrdreg $0xFFFFFFFF;
	(pc) =	sbr.abs _section_cstart, $3  }
0xc0: {  	[dreg:$0x1] =	wrdreg $0xFFFFFFFF  }
0xc1: {  	_ =	task.clear_ibuf [dreg:s7], $0x2FFFF;
	_ =	strace $0x9FFFFFFF  }
0xc2: {  	(tm) =	ssettm $0x7FFFFFFF  }
0xc3: {  	_ =	shalt  }
tec
execute0_lowered:
.L_overlay_start_1:
0x0: {  	(tag) =	ssettag $0x1  }
0x1: {  	s1 =	srdreg.scid;
	s7 =	rddreg [dreg:$0x0]  }
0x2: {  	s0 =	stileid.u32;
	s2 =	rddreg [dreg:$0x1]  }
0x3: {  	s10 =	simm.s32 $0x4;
	s11 =	simm.s32 $0xF0;
	s12 =	simm.s32 $0x1A3D8  }
0x4: {  	s13 =	simm.s32 $0x1A5B8;
	s14 =	simm.s32 $0x1B4B8;
	s15 =	simm.s32 $0x1A4C8  }
0x5: {  	s16 =	simm.s32 $0x1AD38;
	s17 =	simm.s32 $0x1BC38;
	s18 =	simm.s32 $0x1  }
0x6: {  	s19 =	simm.s32 $0x1D808;
	s1 =	sand.u32 $0x1, s1;
	s3 =	sshll.u32 s0, $0x1  }
0x7: {  	s20 =	simm.s32 $0x2;
	s21 =	simm.s32 $0x3;
	s4 =	sor.u32 s1, s3  }
0x8: {  	s22 =	simm.s32 $0x0;
	s1 =	ssub.s32 $0x2, s1;
	s4 =	smul.u32 $0x1900, s4  }
0x9: {  	v0 =	vlaneseq.u32;
	s5 =	sadd.s32 $0x7C00, s7;
	s3 =	simm.s32 $0x0;
	s9 =	sshrl.u32 s1, $0x1  }
0xa: {  	v2 =	vmul.u32 $0x8, v0;
	[smem:$0x7FF] =	sst s3;
	s1 =	ssub.s32 s1, s9;
	s6 =	sshrl.u32 s4, $0x3  }
0xb: {  	_ =	strace $0x80000047;
	s9 =	smax.u32 s1, $0x1;
	s8 =	sadd.s32 s6, s7  }
0xc: {  	v1 =	vor.u32 $0x500, v2;
	v2 =	vor.u32 $0x280, v2;
	s6 =	sadd.s32 $0xAE00, s7;
	s7 =	sadd.s32 $0x66800, s7;
	s8 =	sadd.s32 $0x1800, s8  }
.LBB2_1:
0xd: {  	[tilespmem:s3], [sflag:$0x4] =	stream.linear.gather [hbm4b:s5+s3], $0x18AD8, $0x38;
	[tilespmem:$0x1EC08] =	vst v63  }
0xe: {  	_ =	swait.ge [sflag:s10], $0x18AD8  }
0xf: {  	[sflag:s10] =	ssyncset.done $0x0  }
0x10: {  	s23 =	simm.s32 $0x18AD8;
	[sflag:s10] =	ssyncadd.s32 $0xFFFE7528  }
0x11: {  	[tilespmem:s23], [sflag:$0x4] =	stream.linear.gather [hbm4b:s8+s3], $0x1900, $0x38;
	[tilespmem:$0x1EC08] =	vst v63  }
0x12: {  	_ =	swait.ge [sflag:s10], $0x1900  }
0x13: {  	[sflag:s10] =	ssyncset.done $0x0  }
0x14: {  	[sflag:s10] =	ssyncadd.s32 $0xFFFFE700  }
0x15: {  	v3 =	vld [tilespmem:$0x18AD8]  }
0x16: {  	v4 =	vld [tilespmem:$0x18AE8]  }
0x17: {  	v5 =	vld [tilespmem:$0x18AF8];
	_ =	sdelay $0x2  }
0x18: {  	v3 =	vshra.s32 v3, $0x3  }
0x19: {  	v4 =	vshra.s32 v4, $0x3;
	[tilespmem:$0x1A3D8] =	vst v3  }
0x1a: {  	v58 =	vld [tilespmem:$0x18B08];
	v59 =	vshra.s32 v5, $0x3;
	[tilespmem:$0x1A3E8] =	vst v4  }
0x1b: {  	v6 =	vadd.s32 $0x1E848, v3;
	v3 =	vadd.s32 $0x3D090, v3;
	[tilespmem:$0x1A3F8] =	vst v59  }
0x1c: {  	[tilespmem:$0x1A478] =	vst v3;
	v3 =	vadd.s32 $0x1E848, v4  }
0x1d: {  	[tilespmem:$0x1A438] =	vst v3;
	v3 =	vadd.s32 $0x3D090, v4  }
0x1e: {  	[tilespmem:$0x1A488] =	vst v3;
	v3 =	vadd.s32 $0x1E848, v59  }
0x1f: {  	v60 =	vshra.s32 v58, $0x3;
	[tilespmem:$0x1A448] =	vst v3;
	v3 =	vld [tilespmem:$0x18B18]  }
0x20: {  	[tilespmem:$0x1A408] =	vst v60  }
0x21: {  	v61 =	vadd.s32 $0x1E848, v60;
	[tilespmem:$0x1A428] =	vst v6  }
0x22: {  	v62 =	vadd.s32 $0x3D090, v60;
	[tilespmem:$0x1A458] =	vst v61  }
0x23: {  	[tilespmem:$0x1A4A8] =	vst v62;
	v4 =	vadd.s32 $0x3D090, v59  }
0x24: {  	[tilespmem:$0x1A498] =	vst v4;
	v3 =	vshra.s32 v3, $0x3  }
0x25: {  	[tilespmem:$0x1A418] =	vst v3;
	v63 =	vadd.s32 $0x1E848, v3  }
0x26: {  	v3 =	vadd.s32 $0x3D090, v3;
	[tilespmem:$0x1A468] =	vst v63  }
0x27: {  	[tilespmem:$0x1A4B8] =	vst v3  }
0x28: {  	[tilespmem:s13], [sflag:$0x1] =	stream.indirect.gather [hbm4b:s6+s11], $0x8, s12, s11, $0xb8;
	[tilespmem:$0x1EC08] =	vst v63  }
0x29: {  	s24 =	simm.s32 $0x18B28;
	s25 =	simm.s32 $0x0  }
0x2a: {  	[tilespmem:s14], [sflag:$0x1] =	stream.indirect.gather [hbm4b:s7+s11], $0x8, s12, s11, $0xb8;
	[tilespmem:$0x1EC08] =	vst v63  }
.LBB2_2:
0x2b: {  	s26 =	sshllo.u32 s25, $0x1  }
0x2c: {  	s1 =	smul.u32 $0x140, s26;
	_ =	sdelay $0x1  }
0x2d: {  	s1 =	sshra.s32 s1, $0x2  }
0x2e: {  	v3 =	vld [tilespmem:s1+$0x18AD8];
	_ =	sdelay $0x4  }
0x2f: {  	v3 =	vshra.s32 v3, $0x3  }
0x30: {  	[tilespmem:$0x1A4C8] =	vst v3;
	v4 =	vadd.s32 $0x1E848, v3  }
0x31: {  	v3 =	vadd.s32 $0x3D090, v3;
	[tilespmem:$0x1A518] =	vst v4  }
0x32: {  	[tilespmem:$0x1A568] =	vst v3  }
0x33: {  	v3 =	vld [tilespmem:s1+$0x18AE8];
	_ =	sdelay $0x4  }
0x34: {  	v3 =	vshra.s32 v3, $0x3  }
0x35: {  	[tilespmem:$0x1A4D8] =	vst v3;
	v60 =	vadd.s32 $0x1E848, v3  }
0x36: {  	v3 =	vadd.s32 $0x3D090, v3;
	[tilespmem:$0x1A528] =	vst v60  }
0x37: {  	[tilespmem:$0x1A578] =	vst v3  }
0x38: {  	v3 =	vld [tilespmem:s1+$0x18AF8];
	_ =	sdelay $0x4  }
0x39: {  	v3 =	vshra.s32 v3, $0x3  }
0x3a: {  	[tilespmem:$0x1A4E8] =	vst v3;
	v61 =	vadd.s32 $0x1E848, v3  }
0x3b: {  	v3 =	vadd.s32 $0x3D090, v3;
	[tilespmem:$0x1A538] =	vst v61  }
0x3c: {  	[tilespmem:$0x1A588] =	vst v3  }
0x3d: {  	v3 =	vld [tilespmem:s1+$0x18B08];
	_ =	sdelay $0x4  }
0x3e: {  	v3 =	vshra.s32 v3, $0x3  }
0x3f: {  	[tilespmem:$0x1A4F8] =	vst v3;
	v62 =	vadd.s32 $0x1E848, v3  }
0x40: {  	v3 =	vadd.s32 $0x3D090, v3;
	[tilespmem:$0x1A548] =	vst v62  }
0x41: {  	[tilespmem:$0x1A598] =	vst v3  }
0x42: {  	v3 =	vld [tilespmem:s1+$0x18B18];
	_ =	sdelay $0x4  }
0x43: {  	v3 =	vshra.s32 v3, $0x3  }
0x44: {  	[tilespmem:$0x1A508] =	vst v3;
	v63 =	vadd.s32 $0x1E848, v3  }
0x45: {  	v3 =	vadd.s32 $0x3D090, v3;
	[tilespmem:$0x1A558] =	vst v63  }
0x46: {  	[tilespmem:$0x1A5A8] =	vst v3  }
0x47: {  	[tilespmem:s16], [sflag:$0x2] =	stream.indirect.gather [hbm4b:s6+s11], $0x8, s15, s11, $0xb8;
	[tilespmem:$0x1EC08] =	vst v63  }
0x48: {  	_ = 	snop  }
0x49: {  	[tilespmem:s17], [sflag:$0x2] =	stream.indirect.gather [hbm4b:s7+s11], $0x8, s15, s11, $0xb8;
	[tilespmem:$0x1EC08] =	vst v63  }
0x4a: {  	_ =	swait.ge [sflag:s18], $0x780  }
0x4b: {  	[sflag:s18] =	ssyncset.done $0x0  }
0x4c: {  	[sflag:s18] =	ssyncadd.s32 $0xFFFFF880  }
0x4d: {  	_ =	swait.ge [sflag:s18], $0x780  }
0x4e: {  	p0 =	seq.s32 s25, $0x0;
	[sflag:s18] =	ssyncset.done $0x0  }
0x4f: {  	s1 =	simm.s32 @!p0 $0x3;
	[sflag:s18] =	ssyncadd.s32 $0xFFFFF880  }
0x50: {  	s28 =	smul.u32 $0x280, s25;
	_ =	swait.ge @!p0 [sflag:s1], $0x1400  }
0x51: {  	s29 =	simm.s32 $0x0;
	s30 =	smov.u32 s23;
	[sflag:s1] =	ssyncset.done @!p0 $0x0  }
0x52: {  	s31 =	simm.s32 $0x0;
	s28 =	sshra.s32 s28, $0x2;
	[sflag:s1] =	ssyncadd.s32 @!p0 $0xFFFFEC00  }
.LBB2_3:
0x53: {  	v3 =	vld [tilespmem:s30+$0x0];
	_ =	sdelay $0x3  }
0x54: {  	v4 =	vmov s31;
	v8 =	vor.u32 s31, v0  }
0x55: {  	v5 =	vshll.u32 v8, $0x3;
	v4 =	vshll.u32 v4, $0x3;
	v3 =	vand.u32 $0x7, v3  }
0x56: {  	v49 =	vadd.s32 v2, v4;
	v6 =	vor.u32 v5, v3  }
0x57: {  	v7 =	vor.u32 v49, v3  }
0x58: {  	v4 =	vadd.s32 v1, v4  }
0x59: {  	v9 =	vor.u32 v4, v3;
	_ =	sdelay $0x1  }
0x5a: {  	v3 =	vld.idx.msk [tilespmem:v6+s13+$0x0], $0xffff  }
0x5b: {  	v5 =	vld.idx.msk [tilespmem:v7+s13+$0x0], $0xffff;
	_ =	sdelay $0x1  }
0x5c: {  	v10 =	vld.idx.msk [tilespmem:v9+s13+$0x0], $0xffff;
	_ =	sdelay $0x2  }
0x5d: {  	v4 =	vmul.u32 $0x21, v3;
	v5 =	vmul.u32 $0x21, v5;
	_ =	sdelay $0x1  }
0x5e: {  	v3 =	vmul.u32 $0x21, v10;
	v11 =	vadd.s32 $0x839D, v5;
	_ =	sdelay $0x1  }
0x5f: {  	v6 =	vld.idx.msk [tilespmem:v6+s14+$0x0], $0xffff;
	v10 =	vadd.s32 $0x1073A, v3  }
0x60: {  	v7 =	vld.idx.msk [tilespmem:v7+s14+$0x0], $0xffff  }
0x61: {  	v12 =	vld.idx.msk [tilespmem:v4+s29+$0x0], $0xffff  }
0x62: {  	v11 =	vld.idx.msk [tilespmem:v11+s29+$0x0], $0xffff  }
0x63: {  	v9 =	vld.idx.msk [tilespmem:v9+s14+$0x0], $0xffff  }
0x64: {  	v10 =	vld.idx.msk [tilespmem:v10+s29+$0x0], $0xffff;
	_ =	sdelay $0x1  }
0x65: {  	v6 =	vpack.i.f32.bf16 v6, v6;
	v7 =	vpack.i.f32.bf16 v7, v7  }
0x66: {  	v12 =	vmul.bf16 v12, v6;
	v11 =	vmul.bf16 v11, v7  }
0x67: {  	v8 =	vmul.u32 $0x41, v8;
	v9 =	vpack.i.f32.bf16 v9, v9  }
0x68: {  	v10 =	vmul.bf16 v10, v9;
	v11 =	vadd.bf16 v11, v12  }
0x69: {  	v50 =	vadd.s32 $0x1, v8  }
0x6a: {  	v51 =	vadd.s32 $0x1, v4;
	v10 =	vadd.bf16 v10, v11  }
0x6b: {  	v13 =	vadd.s32 $0x839E, v5  }
0x6c: {  	s1 =	simm.s32 $0x1C3B8;
	v14 =	vunpack.i.l.bf16.f32 v10  }
0x6d: {  	v52 =	vadd.s32 $0x1073B, v3;
	v10 =	vunpack.i.u.bf16.f32 v10;
	[tilespmem:v8+s1+$0x0] =	vst.idx.msk $0xffff, v14  }
0x6e: {  	[tilespmem:v50+s1+$0x0] =	vst.idx.msk $0xffff, v10  }
0x6f: {  	v10 =	vld.idx.msk [tilespmem:v51+s29+$0x0], $0xffff  }
0x70: {  	v53 =	vld.idx.msk [tilespmem:v13+s29+$0x0], $0xffff;
	_ =	sdelay $0x1  }
0x71: {  	v12 =	vld.idx.msk [tilespmem:v52+s29+$0x0], $0xffff;
	_ =	sdelay $0x2  }
0x72: {  	v10 =	vmul.bf16 v10, v6;
	v11 =	vmul.bf16 v53, v7;
	_ =	sdelay $0x1  }
0x73: {  	v55 =	vadd.s32 $0x2, v8;
	v54 =	vmul.bf16 v12, v9;
	v10 =	vadd.bf16 v11, v10  }
0x74: {  	v56 =	vadd.s32 $0x3, v8  }
0x75: {  	v57 =	vadd.s32 $0x2, v4;
	v10 =	vadd.bf16 v54, v10  }
0x76: {  	v58 =	vadd.s32 $0x839F, v5  }
0x77: {  	v15 =	vunpack.i.l.bf16.f32 v10  }
0x78: {  	v59 =	vadd.s32 $0x1073C, v3;
	v10 =	vunpack.i.u.bf16.f32 v10;
	[tilespmem:v55+s1+$0x0] =	vst.idx.msk $0xffff, v15  }
0x79: {  	[tilespmem:v56+s1+$0x0] =	vst.idx.msk $0xffff, v10  }
0x7a: {  	v10 =	vld.idx.msk [tilespmem:v57+s29+$0x0], $0xffff  }
0x7b: {  	v60 =	vld.idx.msk [tilespmem:v58+s29+$0x0], $0xffff;
	_ =	sdelay $0x1  }
0x7c: {  	v12 =	vld.idx.msk [tilespmem:v59+s29+$0x0], $0xffff;
	_ =	sdelay $0x2  }
0x7d: {  	v10 =	vmul.bf16 v10, v6;
	v11 =	vmul.bf16 v60, v7;
	_ =	sdelay $0x1  }
0x7e: {  	v62 =	vadd.s32 $0x4, v8;
	v61 =	vmul.bf16 v12, v9;
	v10 =	vadd.bf16 v11, v10  }
0x7f: {  	v63 =	vadd.s32 $0x5, v8  }
0x80: {  	v18 =	vadd.s32 $0x3, v4;
	v10 =	vadd.bf16 v61, v10  }
0x81: {  	v19 =	vadd.s32 $0x83A0, v5  }
0x82: {  	v20 =	vunpack.i.l.bf16.f32 v10  }
0x83: {  	v21 =	vadd.s32 $0x1073D, v3;
	v10 =	vunpack.i.u.bf16.f32 v10;
	[tilespmem:v62+s1+$0x0] =	vst.idx.msk $0xffff, v20  }
0x84: {  	[tilespmem:v63+s1+$0x0] =	vst.idx.msk $0xffff, v10  }
0x85: {  	v10 =	vld.idx.msk [tilespmem:v18+s29+$0x0], $0xffff  }
0x86: {  	v22 =	vld.idx.msk [tilespmem:v19+s29+$0x0], $0xffff;
	_ =	sdelay $0x1  }
0x87: {  	v12 =	vld.idx.msk [tilespmem:v21+s29+$0x0], $0xffff;
	_ =	sdelay $0x2  }
0x88: {  	v10 =	vmul.bf16 v10, v6;
	v11 =	vmul.bf16 v22, v7;
	_ =	sdelay $0x1  }
0x89: {  	v24 =	vadd.s32 $0x6, v8;
	v23 =	vmul.bf16 v12, v9;
	v10 =	vadd.bf16 v11, v10  }
0x8a: {  	v25 =	vadd.s32 $0x7, v8  }
0x8b: {  	v26 =	vadd.s32 $0x4, v4;
	v10 =	vadd.bf16 v23, v10  }
0x8c: {  	v27 =	vadd.s32 $0x83A1, v5  }
0x8d: {  	v28 =	vunpack.i.l.bf16.f32 v10  }
0x8e: {  	v29 =	vadd.s32 $0x1073E, v3;
	v10 =	vunpack.i.u.bf16.f32 v10;
	[tilespmem:v24+s1+$0x0] =	vst.idx.msk $0xffff, v28  }
0x8f: {  	[tilespmem:v25+s1+$0x0] =	vst.idx.msk $0xffff, v10  }
0x90: {  	v10 =	vld.idx.msk [tilespmem:v26+s29+$0x0], $0xffff  }
0x91: {  	v30 =	vld.idx.msk [tilespmem:v27+s29+$0x0], $0xffff;
	_ =	sdelay $0x1  }
0x92: {  	v12 =	vld.idx.msk [tilespmem:v29+s29+$0x0], $0xffff;
	_ =	sdelay $0x2  }
0x93: {  	v31 =	vmul.bf16 v10, v6;
	v11 =	vmul.bf16 v30, v7  }
0x94: {  	v10 =	vand.u32 $0x3FFF, v8  }
0x95: {  	v12 =	vmul.bf16 v12, v9;
	v32 =	vadd.s32 $0x8, v10;
	v11 =	vadd.bf16 v11, v31  }
0x96: {  	v33 =	vadd.s32 $0x9, v8  }
0x97: {  	v34 =	vadd.s32 $0x5, v4;
	v11 =	vadd.bf16 v12, v11  }
0x98: {  	v35 =	vadd.s32 $0x83A2, v5  }
0x99: {  	v16 =	vunpack.i.l.bf16.f32 v11  }
0x9a: {  	v36 =	vadd.s32 $0x1073F, v3;
	v11 =	vunpack.i.u.bf16.f32 v11;
	[tilespmem:v32+s1+$0x0] =	vst.idx.msk $0xffff, v16  }
0x9b: {  	[tilespmem:v33+s1+$0x0] =	vst.idx.msk $0xffff, v11  }
0x9c: {  	v11 =	vld.idx.msk [tilespmem:v34+s29+$0x0], $0xffff  }
0x9d: {  	v37 =	vld.idx.msk [tilespmem:v35+s29+$0x0], $0xffff;
	_ =	sdelay $0x1  }
0x9e: {  	v13 =	vld.idx.msk [tilespmem:v36+s29+$0x0], $0xffff;
	_ =	sdelay $0x2  }
0x9f: {  	v11 =	vmul.bf16 v11, v6;
	v12 =	vmul.bf16 v37, v7;
	_ =	sdelay $0x1  }
0xa0: {  	v39 =	vadd.s32 $0xA, v8;
	v38 =	vmul.bf16 v13, v9;
	v11 =	vadd.bf16 v12, v11  }
0xa1: {  	v40 =	vadd.s32 $0xB, v8  }
0xa2: {  	v41 =	vadd.s32 $0x6, v4;
	v11 =	vadd.bf16 v38, v11  }
0xa3: {  	v42 =	vadd.s32 $0x83A3, v5  }
0xa4: {  	v43 =	vunpack.i.l.bf16.f32 v11  }
0xa5: {  	v44 =	vadd.s32 $0x10740, v3;
	v11 =	vunpack.i.u.bf16.f32 v11;
	[tilespmem:v39+s1+$0x0] =	vst.idx.msk $0xffff, v43  }
0xa6: {  	[tilespmem:v40+s1+$0x0] =	vst.idx.msk $0xffff, v11  }
0xa7: {  	v11 =	vld.idx.msk [tilespmem:v41+s29+$0x0], $0xffff  }
0xa8: {  	v45 =	vld.idx.msk [tilespmem:v42+s29+$0x0], $0xffff;
	_ =	sdelay $0x1  }
0xa9: {  	v13 =	vld.idx.msk [tilespmem:v44+s29+$0x0], $0xffff;
	_ =	sdelay $0x2  }
0xaa: {  	v11 =	vmul.bf16 v11, v6;
	v12 =	vmul.bf16 v45, v7;
	_ =	sdelay $0x1  }
0xab: {  	v47 =	vadd.s32 $0xC, v8;
	v46 =	vmul.bf16 v13, v9;
	v11 =	vadd.bf16 v12, v11  }
0xac: {  	v48 =	vadd.s32 $0xD, v8  }
0xad: {  	v49 =	vadd.s32 $0x7, v4;
	v11 =	vadd.bf16 v46, v11  }
0xae: {  	v50 =	vadd.s32 $0x83A4, v5  }
0xaf: {  	v51 =	vunpack.i.l.bf16.f32 v11  }
0xb0: {  	v52 =	vadd.s32 $0x10741, v3;
	v11 =	vunpack.i.u.bf16.f32 v11;
	[tilespmem:v47+s1+$0x0] =	vst.idx.msk $0xffff, v51  }
0xb1: {  	[tilespmem:v48+s1+$0x0] =	vst.idx.msk $0xffff, v11  }
0xb2: {  	v11 =	vld.idx.msk [tilespmem:v49+s29+$0x0], $0xffff  }
0xb3: {  	v53 =	vld.idx.msk [tilespmem:v50+s29+$0x0], $0xffff;
	_ =	sdelay $0x1  }
0xb4: {  	v13 =	vld.idx.msk [tilespmem:v52+s29+$0x0], $0xffff;
	_ =	sdelay $0x2  }
0xb5: {  	v11 =	vmul.bf16 v11, v6;
	v12 =	vmul.bf16 v53, v7;
	_ =	sdelay $0x1  }
0xb6: {  	v55 =	vadd.s32 $0xE, v8;
	v54 =	vmul.bf16 v13, v9;
	v11 =	vadd.bf16 v12, v11  }
0xb7: {  	v56 =	vadd.s32 $0xF, v8  }
0xb8: {  	v57 =	vadd.s32 $0x8, v4;
	v11 =	vadd.bf16 v54, v11  }
0xb9: {  	v58 =	vadd.s32 $0x83A5, v5  }
0xba: {  	v59 =	vunpack.i.l.bf16.f32 v11  }
0xbb: {  	v60 =	vadd.s32 $0x10742, v3;
	v11 =	vunpack.i.u.bf16.f32 v11;
	[tilespmem:v55+s1+$0x0] =	vst.idx.msk $0xffff, v59  }
0xbc: {  	[tilespmem:v56+s1+$0x0] =	vst.idx.msk $0xffff, v11  }
0xbd: {  	v11 =	vld.idx.msk [tilespmem:v57+s29+$0x0], $0xffff  }
0xbe: {  	v61 =	vld.idx.msk [tilespmem:v58+s29+$0x0], $0xffff;
	_ =	sdelay $0x1  }
0xbf: {  	v13 =	vld.idx.msk [tilespmem:v60+s29+$0x0], $0xffff;
	_ =	sdelay $0x2  }
0xc0: {  	v11 =	vmul.bf16 v11, v6;
	v12 =	vmul.bf16 v61, v7;
	_ =	sdelay $0x1  }
0xc1: {  	v63 =	vadd.s32 $0x10, v10;
	v62 =	vmul.bf16 v13, v9;
	v11 =	vadd.bf16 v12, v11  }
0xc2: {  	v20 =	vadd.s32 $0x11, v8  }
0xc3: {  	v21 =	vadd.s32 $0x9, v4;
	v11 =	vadd.bf16 v62, v11  }
0xc4: {  	v22 =	vadd.s32 $0x83A6, v5  }
0xc5: {  	v23 =	vunpack.i.l.bf16.f32 v11  }
0xc6: {  	v24 =	vadd.s32 $0x10743, v3;
	v11 =	vunpack.i.u.bf16.f32 v11;
	[tilespmem:v63+s1+$0x0] =	vst.idx.msk $0xffff, v23  }
0xc7: {  	[tilespmem:v20+s1+$0x0] =	vst.idx.msk $0xffff, v11  }
0xc8: {  	v11 =	vld.idx.msk [tilespmem:v21+s29+$0x0], $0xffff  }
0xc9: {  	v25 =	vld.idx.msk [tilespmem:v22+s29+$0x0], $0xffff;
	_ =	sdelay $0x1  }
0xca: {  	v13 =	vld.idx.msk [tilespmem:v24+s29+$0x0], $0xffff;
	_ =	sdelay $0x2  }
0xcb: {  	v11 =	vmul.bf16 v11, v6;
	v12 =	vmul.bf16 v25, v7;
	_ =	sdelay $0x1  }
0xcc: {  	v27 =	vadd.s32 $0x12, v8;
	v26 =	vmul.bf16 v13, v9;
	v11 =	vadd.bf16 v12, v11  }
0xcd: {  	v28 =	vadd.s32 $0x13, v8  }
0xce: {  	v29 =	vadd.s32 $0xA, v4;
	v11 =	vadd.bf16 v26, v11  }
0xcf: {  	v30 =	vadd.s32 $0x83A7, v5  }
0xd0: {  	v31 =	vunpack.i.l.bf16.f32 v11  }
0xd1: {  	v32 =	vadd.s32 $0x10744, v3;
	v11 =	vunpack.i.u.bf16.f32 v11;
	[tilespmem:v27+s1+$0x0] =	vst.idx.msk $0xffff, v31  }
0xd2: {  	[tilespmem:v28+s1+$0x0] =	vst.idx.msk $0xffff, v11  }
0xd3: {  	v11 =	vld.idx.msk [tilespmem:v29+s29+$0x0], $0xffff  }
0xd4: {  	v33 =	vld.idx.msk [tilespmem:v30+s29+$0x0], $0xffff;
	_ =	sdelay $0x1  }
0xd5: {  	v13 =	vld.idx.msk [tilespmem:v32+s29+$0x0], $0xffff;
	_ =	sdelay $0x2  }
0xd6: {  	v11 =	vmul.bf16 v11, v6;
	v12 =	vmul.bf16 v33, v7;
	_ =	sdelay $0x1  }
0xd7: {  	v35 =	vadd.s32 $0x14, v8;
	v34 =	vmul.bf16 v13, v9;
	v11 =	vadd.bf16 v12, v11  }
0xd8: {  	v36 =	vadd.s32 $0x15, v8  }
0xd9: {  	v37 =	vadd.s32 $0xB, v4;
	v11 =	vadd.bf16 v34, v11  }
0xda: {  	v38 =	vadd.s32 $0x83A8, v5  }
0xdb: {  	v39 =	vunpack.i.l.bf16.f32 v11  }
0xdc: {  	v40 =	vadd.s32 $0x10745, v3;
	v11 =	vunpack.i.u.bf16.f32 v11;
	[tilespmem:v35+s1+$0x0] =	vst.idx.msk $0xffff, v39  }
0xdd: {  	[tilespmem:v36+s1+$0x0] =	vst.idx.msk $0xffff, v11  }
0xde: {  	v11 =	vld.idx.msk [tilespmem:v37+s29+$0x0], $0xffff  }
0xdf: {  	v41 =	vld.idx.msk [tilespmem:v38+s29+$0x0], $0xffff;
	_ =	sdelay $0x1  }
0xe0: {  	v13 =	vld.idx.msk [tilespmem:v40+s29+$0x0], $0xffff;
	_ =	sdelay $0x2  }
0xe1: {  	v11 =	vmul.bf16 v11, v6;
	v12 =	vmul.bf16 v41, v7;
	_ =	sdelay $0x1  }
0xe2: {  	v43 =	vadd.s32 $0x16, v8;
	v42 =	vmul.bf16 v13, v9;
	v11 =	vadd.bf16 v12, v11  }
0xe3: {  	v44 =	vadd.s32 $0x17, v8  }
0xe4: {  	v45 =	vadd.s32 $0xC, v4;
	v11 =	vadd.bf16 v42, v11  }
0xe5: {  	v46 =	vadd.s32 $0x83A9, v5  }
0xe6: {  	v47 =	vunpack.i.l.bf16.f32 v11  }
0xe7: {  	v48 =	vadd.s32 $0x10746, v3;
	v11 =	vunpack.i.u.bf16.f32 v11;
	[tilespmem:v43+s1+$0x0] =	vst.idx.msk $0xffff, v47  }
0xe8: {  	[tilespmem:v44+s1+$0x0] =	vst.idx.msk $0xffff, v11  }
0xe9: {  	v11 =	vld.idx.msk [tilespmem:v45+s29+$0x0], $0xffff  }
0xea: {  	v49 =	vld.idx.msk [tilespmem:v46+s29+$0x0], $0xffff;
	_ =	sdelay $0x1  }
0xeb: {  	v13 =	vld.idx.msk [tilespmem:v48+s29+$0x0], $0xffff;
	_ =	sdelay $0x2  }
0xec: {  	v11 =	vmul.bf16 v11, v6;
	v12 =	vmul.bf16 v49, v7;
	_ =	sdelay $0x1  }
0xed: {  	v51 =	vadd.s32 $0x18, v10;
	v50 =	vmul.bf16 v13, v9;
	v11 =	vadd.bf16 v12, v11  }
0xee: {  	v52 =	vadd.s32 $0x19, v8  }
0xef: {  	v53 =	vadd.s32 $0xD, v4;
	v11 =	vadd.bf16 v50, v11  }
0xf0: {  	v54 =	vadd.s32 $0x83AA, v5  }
0xf1: {  	v55 =	vunpack.i.l.bf16.f32 v11  }
0xf2: {  	v56 =	vadd.s32 $0x10747, v3;
	v11 =	vunpack.i.u.bf16.f32 v11;
	[tilespmem:v51+s1+$0x0] =	vst.idx.msk $0xffff, v55  }
0xf3: {  	[tilespmem:v52+s1+$0x0] =	vst.idx.msk $0xffff, v11  }
0xf4: {  	v11 =	vld.idx.msk [tilespmem:v53+s29+$0x0], $0xffff  }
0xf5: {  	v57 =	vld.idx.msk [tilespmem:v54+s29+$0x0], $0xffff;
	_ =	sdelay $0x1  }
0xf6: {  	v13 =	vld.idx.msk [tilespmem:v56+s29+$0x0], $0xffff;
	_ =	sdelay $0x2  }
0xf7: {  	v11 =	vmul.bf16 v11, v6;
	v12 =	vmul.bf16 v57, v7;
	_ =	sdelay $0x1  }
0xf8: {  	v59 =	vadd.s32 $0x1A, v8;
	v58 =	vmul.bf16 v13, v9;
	v11 =	vadd.bf16 v12, v11  }
0xf9: {  	v60 =	vadd.s32 $0x1B, v8  }
0xfa: {  	v61 =	vadd.s32 $0xE, v4;
	v11 =	vadd.bf16 v58, v11  }
0xfb: {  	v62 =	vadd.s32 $0x83AB, v5  }
0xfc: {  	v63 =	vunpack.i.l.bf16.f32 v11  }
0xfd: {  	v20 =	vadd.s32 $0x10748, v3;
	v11 =	vunpack.i.u.bf16.f32 v11;
	[tilespmem:v59+s1+$0x0] =	vst.idx.msk $0xffff, v63  }
0xfe: {  	[tilespmem:v60+s1+$0x0] =	vst.idx.msk $0xffff, v11  }
0xff: {  	v11 =	vld.idx.msk [tilespmem:v61+s29+$0x0], $0xffff  }
0x100: {  	v21 =	vld.idx.msk [tilespmem:v62+s29+$0x0], $0xffff;
	_ =	sdelay $0x1  }
0x101: {  	v13 =	vld.idx.msk [tilespmem:v20+s29+$0x0], $0xffff;
	_ =	sdelay $0x2  }
0x102: {  	v11 =	vmul.bf16 v11, v6;
	v12 =	vmul.bf16 v21, v7;
	_ =	sdelay $0x1  }
0x103: {  	v23 =	vadd.s32 $0x1C, v8;
	v22 =	vmul.bf16 v13, v9;
	v11 =	vadd.bf16 v12, v11  }
0x104: {  	v24 =	vadd.s32 $0x1D, v8  }
0x105: {  	v25 =	vadd.s32 $0xF, v4;
	v11 =	vadd.bf16 v22, v11  }
0x106: {  	v26 =	vadd.s32 $0x83AC, v5  }
0x107: {  	v27 =	vunpack.i.l.bf16.f32 v11  }
0x108: {  	v28 =	vadd.s32 $0x10749, v3;
	v11 =	vunpack.i.u.bf16.f32 v11;
	[tilespmem:v23+s1+$0x0] =	vst.idx.msk $0xffff, v27  }
0x109: {  	[tilespmem:v24+s1+$0x0] =	vst.idx.msk $0xffff, v11  }
0x10a: {  	v11 =	vld.idx.msk [tilespmem:v25+s29+$0x0], $0xffff  }
0x10b: {  	v29 =	vld.idx.msk [tilespmem:v26+s29+$0x0], $0xffff;
	_ =	sdelay $0x1  }
0x10c: {  	v13 =	vld.idx.msk [tilespmem:v28+s29+$0x0], $0xffff;
	_ =	sdelay $0x2  }
0x10d: {  	v11 =	vmul.bf16 v11, v6;
	v12 =	vmul.bf16 v29, v7;
	_ =	sdelay $0x1  }
0x10e: {  	v31 =	vadd.s32 $0x1E, v8;
	v30 =	vmul.bf16 v13, v9;
	v11 =	vadd.bf16 v12, v11  }
0x10f: {  	v32 =	vadd.s32 $0x1F, v8  }
0x110: {  	v33 =	vadd.s32 $0x10, v4;
	v11 =	vadd.bf16 v30, v11  }
0x111: {  	v34 =	vadd.s32 $0x83AD, v5  }
0x112: {  	v35 =	vunpack.i.l.bf16.f32 v11  }
0x113: {  	v36 =	vadd.s32 $0x1074A, v3;
	v11 =	vunpack.i.u.bf16.f32 v11;
	[tilespmem:v31+s1+$0x0] =	vst.idx.msk $0xffff, v35  }
0x114: {  	[tilespmem:v32+s1+$0x0] =	vst.idx.msk $0xffff, v11  }
0x115: {  	v11 =	vld.idx.msk [tilespmem:v33+s29+$0x0], $0xffff  }
0x116: {  	v37 =	vld.idx.msk [tilespmem:v34+s29+$0x0], $0xffff;
	_ =	sdelay $0x1  }
0x117: {  	v13 =	vld.idx.msk [tilespmem:v36+s29+$0x0], $0xffff;
	_ =	sdelay $0x2  }
0x118: {  	v11 =	vmul.bf16 v11, v6;
	v12 =	vmul.bf16 v37, v7;
	_ =	sdelay $0x1  }
0x119: {  	v39 =	vadd.s32 $0x20, v10;
	v38 =	vmul.bf16 v13, v9;
	v11 =	vadd.bf16 v12, v11  }
0x11a: {  	v40 =	vadd.s32 $0x21, v8  }
0x11b: {  	v41 =	vadd.s32 $0x11, v4;
	v11 =	vadd.bf16 v38, v11  }
0x11c: {  	v42 =	vadd.s32 $0x83AE, v5  }
0x11d: {  	v43 =	vunpack.i.l.bf16.f32 v11  }
0x11e: {  	v44 =	vadd.s32 $0x1074B, v3;
	v11 =	vunpack.i.u.bf16.f32 v11;
	[tilespmem:v39+s1+$0x0] =	vst.idx.msk $0xffff, v43  }
0x11f: {  	[tilespmem:v40+s1+$0x0] =	vst.idx.msk $0xffff, v11  }
0x120: {  	v11 =	vld.idx.msk [tilespmem:v41+s29+$0x0], $0xffff  }
0x121: {  	v45 =	vld.idx.msk [tilespmem:v42+s29+$0x0], $0xffff;
	_ =	sdelay $0x1  }
0x122: {  	v13 =	vld.idx.msk [tilespmem:v44+s29+$0x0], $0xffff;
	_ =	sdelay $0x2  }
0x123: {  	v11 =	vmul.bf16 v11, v6;
	v12 =	vmul.bf16 v45, v7;
	_ =	sdelay $0x1  }
0x124: {  	v47 =	vadd.s32 $0x22, v8;
	v46 =	vmul.bf16 v13, v9;
	v11 =	vadd.bf16 v12, v11  }
0x125: {  	v48 =	vadd.s32 $0x23, v8  }
0x126: {  	v49 =	vadd.s32 $0x12, v4;
	v11 =	vadd.bf16 v46, v11  }
0x127: {  	v50 =	vadd.s32 $0x83AF, v5  }
0x128: {  	v51 =	vunpack.i.l.bf16.f32 v11  }
0x129: {  	v52 =	vadd.s32 $0x1074C, v3;
	v11 =	vunpack.i.u.bf16.f32 v11;
	[tilespmem:v47+s1+$0x0] =	vst.idx.msk $0xffff, v51  }
0x12a: {  	[tilespmem:v48+s1+$0x0] =	vst.idx.msk $0xffff, v11  }
0x12b: {  	v11 =	vld.idx.msk [tilespmem:v49+s29+$0x0], $0xffff  }
0x12c: {  	v53 =	vld.idx.msk [tilespmem:v50+s29+$0x0], $0xffff;
	_ =	sdelay $0x1  }
0x12d: {  	v13 =	vld.idx.msk [tilespmem:v52+s29+$0x0], $0xffff;
	_ =	sdelay $0x2  }
0x12e: {  	v11 =	vmul.bf16 v11, v6;
	v12 =	vmul.bf16 v53, v7;
	_ =	sdelay $0x1  }
0x12f: {  	v55 =	vadd.s32 $0x24, v8;
	v54 =	vmul.bf16 v13, v9;
	v11 =	vadd.bf16 v12, v11  }
0x130: {  	v56 =	vadd.s32 $0x25, v8  }
0x131: {  	v57 =	vadd.s32 $0x13, v4;
	v11 =	vadd.bf16 v54, v11  }
0x132: {  	v58 =	vadd.s32 $0x83B0, v5  }
0x133: {  	v59 =	vunpack.i.l.bf16.f32 v11  }
0x134: {  	v60 =	vadd.s32 $0x1074D, v3;
	v11 =	vunpack.i.u.bf16.f32 v11;
	[tilespmem:v55+s1+$0x0] =	vst.idx.msk $0xffff, v59  }
0x135: {  	[tilespmem:v56+s1+$0x0] =	vst.idx.msk $0xffff, v11  }
0x136: {  	v11 =	vld.idx.msk [tilespmem:v57+s29+$0x0], $0xffff  }
0x137: {  	v61 =	vld.idx.msk [tilespmem:v58+s29+$0x0], $0xffff;
	_ =	sdelay $0x1  }
0x138: {  	v13 =	vld.idx.msk [tilespmem:v60+s29+$0x0], $0xffff;
	_ =	sdelay $0x2  }
0x139: {  	v11 =	vmul.bf16 v11, v6;
	v12 =	vmul.bf16 v61, v7;
	_ =	sdelay $0x1  }
0x13a: {  	v63 =	vadd.s32 $0x26, v8;
	v62 =	vmul.bf16 v13, v9;
	v11 =	vadd.bf16 v12, v11  }
0x13b: {  	v20 =	vadd.s32 $0x27, v8  }
0x13c: {  	v21 =	vadd.s32 $0x14, v4;
	v11 =	vadd.bf16 v62, v11  }
0x13d: {  	v22 =	vadd.s32 $0x83B1, v5  }
0x13e: {  	v23 =	vunpack.i.l.bf16.f32 v11  }
0x13f: {  	v24 =	vadd.s32 $0x1074E, v3;
	v11 =	vunpack.i.u.bf16.f32 v11;
	[tilespmem:v63+s1+$0x0] =	vst.idx.msk $0xffff, v23  }
0x140: {  	[tilespmem:v20+s1+$0x0] =	vst.idx.msk $0xffff, v11  }
0x141: {  	v11 =	vld.idx.msk [tilespmem:v21+s29+$0x0], $0xffff  }
0x142: {  	v25 =	vld.idx.msk [tilespmem:v22+s29+$0x0], $0xffff;
	_ =	sdelay $0x1  }
0x143: {  	v13 =	vld.idx.msk [tilespmem:v24+s29+$0x0], $0xffff;
	_ =	sdelay $0x2  }
0x144: {  	v11 =	vmul.bf16 v11, v6;
	v12 =	vmul.bf16 v25, v7;
	_ =	sdelay $0x1  }
0x145: {  	v27 =	vadd.s32 $0x28, v10;
	v26 =	vmul.bf16 v13, v9;
	v11 =	vadd.bf16 v12, v11  }
0x146: {  	v28 =	vadd.s32 $0x29, v8  }
0x147: {  	v29 =	vadd.s32 $0x15, v4;
	v11 =	vadd.bf16 v26, v11  }
0x148: {  	v30 =	vadd.s32 $0x83B2, v5  }
0x149: {  	v31 =	vunpack.i.l.bf16.f32 v11  }
0x14a: {  	v32 =	vadd.s32 $0x1074F, v3;
	v11 =	vunpack.i.u.bf16.f32 v11;
	[tilespmem:v27+s1+$0x0] =	vst.idx.msk $0xffff, v31  }
0x14b: {  	[tilespmem:v28+s1+$0x0] =	vst.idx.msk $0xffff, v11  }
0x14c: {  	v11 =	vld.idx.msk [tilespmem:v29+s29+$0x0], $0xffff  }
0x14d: {  	v33 =	vld.idx.msk [tilespmem:v30+s29+$0x0], $0xffff;
	_ =	sdelay $0x1  }
0x14e: {  	v13 =	vld.idx.msk [tilespmem:v32+s29+$0x0], $0xffff;
	_ =	sdelay $0x2  }
0x14f: {  	v11 =	vmul.bf16 v11, v6;
	v12 =	vmul.bf16 v33, v7;
	_ =	sdelay $0x1  }
0x150: {  	v35 =	vadd.s32 $0x2A, v8;
	v34 =	vmul.bf16 v13, v9;
	v11 =	vadd.bf16 v12, v11  }
0x151: {  	v36 =	vadd.s32 $0x2B, v8  }
0x152: {  	v37 =	vadd.s32 $0x16, v4;
	v11 =	vadd.bf16 v34, v11  }
0x153: {  	v38 =	vadd.s32 $0x83B3, v5  }
0x154: {  	v39 =	vunpack.i.l.bf16.f32 v11  }
0x155: {  	v40 =	vadd.s32 $0x10750, v3;
	v11 =	vunpack.i.u.bf16.f32 v11;
	[tilespmem:v35+s1+$0x0] =	vst.idx.msk $0xffff, v39  }
0x156: {  	[tilespmem:v36+s1+$0x0] =	vst.idx.msk $0xffff, v11  }
0x157: {  	v11 =	vld.idx.msk [tilespmem:v37+s29+$0x0], $0xffff  }
0x158: {  	v41 =	vld.idx.msk [tilespmem:v38+s29+$0x0], $0xffff;
	_ =	sdelay $0x1  }
0x159: {  	v13 =	vld.idx.msk [tilespmem:v40+s29+$0x0], $0xffff;
	_ =	sdelay $0x2  }
0x15a: {  	v11 =	vmul.bf16 v11, v6;
	v12 =	vmul.bf16 v41, v7;
	_ =	sdelay $0x1  }
0x15b: {  	v43 =	vadd.s32 $0x2C, v8;
	v42 =	vmul.bf16 v13, v9;
	v11 =	vadd.bf16 v12, v11  }
0x15c: {  	v44 =	vadd.s32 $0x2D, v8  }
0x15d: {  	v45 =	vadd.s32 $0x17, v4;
	v11 =	vadd.bf16 v42, v11  }
0x15e: {  	v46 =	vadd.s32 $0x83B4, v5  }
0x15f: {  	v47 =	vunpack.i.l.bf16.f32 v11  }
0x160: {  	v48 =	vadd.s32 $0x10751, v3;
	v11 =	vunpack.i.u.bf16.f32 v11;
	[tilespmem:v43+s1+$0x0] =	vst.idx.msk $0xffff, v47  }
0x161: {  	[tilespmem:v44+s1+$0x0] =	vst.idx.msk $0xffff, v11  }
0x162: {  	v11 =	vld.idx.msk [tilespmem:v45+s29+$0x0], $0xffff  }
0x163: {  	v49 =	vld.idx.msk [tilespmem:v46+s29+$0x0], $0xffff;
	_ =	sdelay $0x1  }
0x164: {  	v13 =	vld.idx.msk [tilespmem:v48+s29+$0x0], $0xffff;
	_ =	sdelay $0x2  }
0x165: {  	v11 =	vmul.bf16 v11, v6;
	v12 =	vmul.bf16 v49, v7;
	_ =	sdelay $0x1  }
0x166: {  	v51 =	vadd.s32 $0x2E, v8;
	v50 =	vmul.bf16 v13, v9;
	v11 =	vadd.bf16 v12, v11  }
0x167: {  	v52 =	vadd.s32 $0x2F, v8  }
0x168: {  	v53 =	vadd.s32 $0x18, v4;
	v11 =	vadd.bf16 v50, v11  }
0x169: {  	v54 =	vadd.s32 $0x83B5, v5  }
0x16a: {  	v55 =	vunpack.i.l.bf16.f32 v11  }
0x16b: {  	v56 =	vadd.s32 $0x10752, v3;
	v11 =	vunpack.i.u.bf16.f32 v11;
	[tilespmem:v51+s1+$0x0] =	vst.idx.msk $0xffff, v55  }
0x16c: {  	[tilespmem:v52+s1+$0x0] =	vst.idx.msk $0xffff, v11  }
0x16d: {  	v11 =	vld.idx.msk [tilespmem:v53+s29+$0x0], $0xffff  }
0x16e: {  	v57 =	vld.idx.msk [tilespmem:v54+s29+$0x0], $0xffff;
	_ =	sdelay $0x1  }
0x16f: {  	v13 =	vld.idx.msk [tilespmem:v56+s29+$0x0], $0xffff;
	_ =	sdelay $0x2  }
0x170: {  	v11 =	vmul.bf16 v11, v6;
	v12 =	vmul.bf16 v57, v7;
	_ =	sdelay $0x1  }
0x171: {  	v59 =	vadd.s32 $0x30, v10;
	v58 =	vmul.bf16 v13, v9;
	v11 =	vadd.bf16 v12, v11  }
0x172: {  	v60 =	vadd.s32 $0x31, v8  }
0x173: {  	v61 =	vadd.s32 $0x19, v4;
	v11 =	vadd.bf16 v58, v11  }
0x174: {  	v62 =	vadd.s32 $0x83B6, v5  }
0x175: {  	v63 =	vunpack.i.l.bf16.f32 v11  }
0x176: {  	v19 =	vadd.s32 $0x10753, v3;
	v11 =	vunpack.i.u.bf16.f32 v11;
	[tilespmem:v59+s1+$0x0] =	vst.idx.msk $0xffff, v63  }
0x177: {  	[tilespmem:v60+s1+$0x0] =	vst.idx.msk $0xffff, v11  }
0x178: {  	v11 =	vld.idx.msk [tilespmem:v61+s29+$0x0], $0xffff  }
0x179: {  	v20 =	vld.idx.msk [tilespmem:v62+s29+$0x0], $0xffff;
	_ =	sdelay $0x1  }
0x17a: {  	v13 =	vld.idx.msk [tilespmem:v19+s29+$0x0], $0xffff;
	_ =	sdelay $0x2  }
0x17b: {  	v11 =	vmul.bf16 v11, v6;
	v12 =	vmul.bf16 v20, v7;
	_ =	sdelay $0x1  }
0x17c: {  	v22 =	vadd.s32 $0x32, v8;
	v21 =	vmul.bf16 v13, v9;
	v11 =	vadd.bf16 v12, v11  }
0x17d: {  	v23 =	vadd.s32 $0x33, v8  }
0x17e: {  	v24 =	vadd.s32 $0x1A, v4;
	v11 =	vadd.bf16 v21, v11  }
0x17f: {  	v25 =	vadd.s32 $0x83B7, v5  }
0x180: {  	v26 =	vunpack.i.l.bf16.f32 v11  }
0x181: {  	v27 =	vadd.s32 $0x10754, v3;
	v11 =	vunpack.i.u.bf16.f32 v11;
	[tilespmem:v22+s1+$0x0] =	vst.idx.msk $0xffff, v26  }
0x182: {  	[tilespmem:v23+s1+$0x0] =	vst.idx.msk $0xffff, v11  }
0x183: {  	v11 =	vld.idx.msk [tilespmem:v24+s29+$0x0], $0xffff  }
0x184: {  	v28 =	vld.idx.msk [tilespmem:v25+s29+$0x0], $0xffff;
	_ =	sdelay $0x1  }
0x185: {  	v13 =	vld.idx.msk [tilespmem:v27+s29+$0x0], $0xffff;
	_ =	sdelay $0x2  }
0x186: {  	v11 =	vmul.bf16 v11, v6;
	v12 =	vmul.bf16 v28, v7;
	_ =	sdelay $0x1  }
0x187: {  	v30 =	vadd.s32 $0x34, v8;
	v29 =	vmul.bf16 v13, v9;
	v11 =	vadd.bf16 v12, v11  }
0x188: {  	v31 =	vadd.s32 $0x35, v8  }
0x189: {  	v32 =	vadd.s32 $0x1B, v4;
	v11 =	vadd.bf16 v29, v11  }
0x18a: {  	v33 =	vadd.s32 $0x83B8, v5  }
0x18b: {  	v34 =	vunpack.i.l.bf16.f32 v11  }
0x18c: {  	v35 =	vadd.s32 $0x10755, v3;
	v11 =	vunpack.i.u.bf16.f32 v11;
	[tilespmem:v30+s1+$0x0] =	vst.idx.msk $0xffff, v34  }
0x18d: {  	[tilespmem:v31+s1+$0x0] =	vst.idx.msk $0xffff, v11  }
0x18e: {  	v11 =	vld.idx.msk [tilespmem:v32+s29+$0x0], $0xffff  }
0x18f: {  	v36 =	vld.idx.msk [tilespmem:v33+s29+$0x0], $0xffff;
	_ =	sdelay $0x1  }
0x190: {  	v13 =	vld.idx.msk [tilespmem:v35+s29+$0x0], $0xffff;
	_ =	sdelay $0x2  }
0x191: {  	v11 =	vmul.bf16 v11, v6;
	v12 =	vmul.bf16 v36, v7;
	_ =	sdelay $0x1  }
0x192: {  	v38 =	vadd.s32 $0x36, v8;
	v37 =	vmul.bf16 v13, v9;
	v11 =	vadd.bf16 v12, v11  }
0x193: {  	v39 =	vadd.s32 $0x37, v8  }
0x194: {  	v40 =	vadd.s32 $0x1C, v4;
	v11 =	vadd.bf16 v37, v11  }
0x195: {  	v41 =	vadd.s32 $0x83B9, v5  }
0x196: {  	v42 =	vunpack.i.l.bf16.f32 v11  }
0x197: {  	v43 =	vadd.s32 $0x10756, v3;
	v11 =	vunpack.i.u.bf16.f32 v11;
	[tilespmem:v38+s1+$0x0] =	vst.idx.msk $0xffff, v42  }
0x198: {  	[tilespmem:v39+s1+$0x0] =	vst.idx.msk $0xffff, v11  }
0x199: {  	v11 =	vld.idx.msk [tilespmem:v40+s29+$0x0], $0xffff  }
0x19a: {  	v44 =	vld.idx.msk [tilespmem:v41+s29+$0x0], $0xffff;
	_ =	sdelay $0x1  }
0x19b: {  	v13 =	vld.idx.msk [tilespmem:v43+s29+$0x0], $0xffff;
	_ =	sdelay $0x2  }
0x19c: {  	v11 =	vmul.bf16 v11, v6;
	v12 =	vmul.bf16 v44, v7;
	_ =	sdelay $0x1  }
0x19d: {  	v10 =	vadd.s32 $0x38, v10;
	v45 =	vmul.bf16 v13, v9;
	v11 =	vadd.bf16 v12, v11  }
0x19e: {  	v46 =	vadd.s32 $0x39, v8  }
0x19f: {  	v47 =	vadd.s32 $0x1D, v4;
	v11 =	vadd.bf16 v45, v11  }
0x1a0: {  	v48 =	vadd.s32 $0x83BA, v5  }
0x1a1: {  	v49 =	vunpack.i.l.bf16.f32 v11  }
0x1a2: {  	v50 =	vadd.s32 $0x10757, v3;
	v11 =	vunpack.i.u.bf16.f32 v11;
	[tilespmem:v10+s1+$0x0] =	vst.idx.msk $0xffff, v49  }
0x1a3: {  	[tilespmem:v46+s1+$0x0] =	vst.idx.msk $0xffff, v11  }
0x1a4: {  	v11 =	vld.idx.msk [tilespmem:v47+s29+$0x0], $0xffff  }
0x1a5: {  	v51 =	vld.idx.msk [tilespmem:v48+s29+$0x0], $0xffff;
	_ =	sdelay $0x1  }
0x1a6: {  	v10 =	vld.idx.msk [tilespmem:v50+s29+$0x0], $0xffff;
	_ =	sdelay $0x2  }
0x1a7: {  	v11 =	vmul.bf16 v11, v6;
	v12 =	vmul.bf16 v51, v7;
	_ =	sdelay $0x1  }
0x1a8: {  	v52 =	vadd.s32 $0x3A, v8;
	v10 =	vmul.bf16 v10, v9;
	v11 =	vadd.bf16 v12, v11  }
0x1a9: {  	v53 =	vadd.s32 $0x3B, v8  }
0x1aa: {  	v54 =	vadd.s32 $0x1E, v4;
	v10 =	vadd.bf16 v10, v11  }
0x1ab: {  	v55 =	vadd.s32 $0x83BB, v5  }
0x1ac: {  	v56 =	vunpack.i.l.bf16.f32 v10  }
0x1ad: {  	v57 =	vadd.s32 $0x10758, v3;
	v10 =	vunpack.i.u.bf16.f32 v10;
	[tilespmem:v52+s1+$0x0] =	vst.idx.msk $0xffff, v56  }
0x1ae: {  	[tilespmem:v53+s1+$0x0] =	vst.idx.msk $0xffff, v10  }
0x1af: {  	v10 =	vld.idx.msk [tilespmem:v54+s29+$0x0], $0xffff  }
0x1b0: {  	v58 =	vld.idx.msk [tilespmem:v55+s29+$0x0], $0xffff;
	_ =	sdelay $0x1  }
0x1b1: {  	v12 =	vld.idx.msk [tilespmem:v57+s29+$0x0], $0xffff;
	_ =	sdelay $0x2  }
0x1b2: {  	v10 =	vmul.bf16 v10, v6;
	v11 =	vmul.bf16 v58, v7;
	_ =	sdelay $0x1  }
0x1b3: {  	v60 =	vadd.s32 $0x3C, v8;
	v59 =	vmul.bf16 v12, v9;
	v10 =	vadd.bf16 v11, v10  }
0x1b4: {  	v61 =	vadd.s32 $0x3D, v8  }
0x1b5: {  	v4 =	vadd.s32 $0x1F, v4;
	v10 =	vadd.bf16 v59, v10  }
0x1b6: {  	v5 =	vadd.s32 $0x83BC, v5  }
0x1b7: {  	v11 =	vunpack.i.l.bf16.f32 v10  }
0x1b8: {  	v3 =	vadd.s32 $0x10759, v3;
	v10 =	vunpack.i.u.bf16.f32 v10;
	[tilespmem:v60+s1+$0x0] =	vst.idx.msk $0xffff, v11  }
0x1b9: {  	[tilespmem:v61+s1+$0x0] =	vst.idx.msk $0xffff, v10  }
0x1ba: {  	v4 =	vld.idx.msk [tilespmem:v4+s29+$0x0], $0xffff  }
0x1bb: {  	v5 =	vld.idx.msk [tilespmem:v5+s29+$0x0], $0xffff;
	_ =	sdelay $0x1  }
0x1bc: {  	v3 =	vld.idx.msk [tilespmem:v3+s29+$0x0], $0xffff;
	_ =	sdelay $0x2  }
0x1bd: {  	v4 =	vmul.bf16 v4, v6;
	v5 =	vmul.bf16 v5, v7;
	_ =	sdelay $0x1  }
0x1be: {  	v62 =	vadd.s32 $0x3E, v8;
	v3 =	vmul.bf16 v3, v9;
	v4 =	vadd.bf16 v5, v4  }
0x1bf: {  	p0 =	sne.s32 s31, $0x40;
	v63 =	vadd.s32 $0x3F, v8  }
.Ltmp0:
0x1c0: {  	v3 =	vadd.bf16 v3, v4;
	(pc) =	sbr.rel @p0 .LBB2_3-.Ltmp0, $4  }
0x1c1: {  	_ = 	snop  }
0x1c2: {  	v4 =	vunpack.i.l.bf16.f32 v3  }
0x1c3: {  	v3 =	vunpack.i.u.bf16.f32 v3;
	[tilespmem:v62+s1+$0x0] =	vst.idx.msk $0xffff, v4  }
0x1c4: {  	s30 =	sadd.s32 $0x10, s30;
	s31 =	sadd.s32 $0x10, s31;
	[tilespmem:v63+s1+$0x0] =	vst.idx.msk $0xffff, v3  }
0x1c5: {  	v3 =	vld [tilespmem:s1+$0x0];
	_ =	sdelay $0x3  }
0x1c6: {  	s1 =	simm.s32 $0x1D828  }
0x1c7: {  	s29 =	sand.u32 $0x3FFF, s29;
	[tilespmem:s1+$0xFFFFFFE0] =	vst v3  }
0x1c8: {  	v3 =	vld [tilespmem:s29+$0x1C3C8];
	_ =	sdelay $0x4  }
0x1c9: {  	[tilespmem:s1+$0xFFFFFFF0] =	vst v3  }
0x1ca: {  	v3 =	vld [tilespmem:s29+$0x1C3D8];
	_ =	sdelay $0x4  }
0x1cb: {  	[tilespmem:s1+$0x0] =	vst v3  }
0x1cc: {  	v3 =	vld [tilespmem:s29+$0x1C3E8];
	_ =	sdelay $0x4  }
0x1cd: {  	s30 =	simm.s32 $0x1C3F9;
	[tilespmem:s1+$0x10] =	vst v3  }
0x1ce: {  	s31 =	simm.s32 $0x82;
	s29 =	simm.s32 $0x41;
	v3 =	vld [tilespmem:s30+$0x0]  }
.LBB2_5:
0x1cf: {  	p0 =	sne.s32 s31, $0x140F;
	_ =	sdelay $0x2  }
0x1d0: {  	s1 =	sadd.s32 $0x40, s1  }
0x1d1: {  	s0 =	sand.u32 $0x3FFF, s29;
	s29 =	smov.u32 s31;
	[tilespmem:s1+$0xFFFFFFE0] =	vst v3  }
0x1d2: {  	v3 =	vld [tilespmem:s0+$0x1C3C8];
	_ =	sdelay $0x4  }
0x1d3: {  	[tilespmem:s1+$0xFFFFFFF0] =	vst v3  }
0x1d4: {  	v3 =	vld [tilespmem:s0+$0x1C3D8];
	_ =	sdelay $0x4  }
0x1d5: {  	[tilespmem:s1+$0x0] =	vst v3  }
0x1d6: {  	v3 =	vld [tilespmem:s0+$0x1C3E8];
	_ =	sdelay $0x1  }
.Ltmp1:
0x1d7: {  	(pc) =	sbr.rel @p0 .LBB2_5-.Ltmp1, $3  }
0x1d8: {  	_ =	sdelay $0x1  }
0x1d9: {  	s30 =	sadd.s32 $0x41, s30;
	[tilespmem:s1+$0x10] =	vst v3  }
0x1da: {  	s31 =	sadd.s32 $0x41, s31;
	v3 =	vld [tilespmem:s30+$0x0]  }
0x1db: {  	_ =	sdelay $0x2  }
0x1dc: {  	s0 =	sadd.s32 $0x40, s1  }
0x1dd: {  	s31 =	sand.u32 $0x3FFF, s29;
	[tilespmem:s0+$0xFFFFFFE0] =	vst v3  }
0x1de: {  	v3 =	vld [tilespmem:s31+$0x1C3C8];
	_ =	sdelay $0x4  }
0x1df: {  	[tilespmem:s0+$0xFFFFFFF0] =	vst v3  }
0x1e0: {  	v3 =	vld [tilespmem:s31+$0x1C3D8];
	_ =	sdelay $0x4  }
0x1e1: {  	[tilespmem:s0+$0x0] =	vst v3  }
0x1e2: {  	v3 =	vld [tilespmem:s31+$0x1C3E8]  }
0x1e3: {  	s31 =	smul.u32 $0xA0, s25;
	_ =	sdelay $0x1  }
0x1e4: {  	s1 =	sadd.s32 s4, s31  }
0x1e5: {  	s1 =	sshll.u32 s1, $0x3  }
0x1e6: {  	p0 =	seq.s32 s25, $0x27;
	s31 =	sadd.s32 s2, s1;
	[tilespmem:s0+$0x10] =	vst v3  }
0x1e7: {  	[hbm4b:s31+s3] =	stream.linear.scatter [tilespmem:s19], [sflag:$0x3], $0x1400, $0x38;
	[tilespmem:$0x1EC08] =	vst v63  }
0x1e8: {  	v3 =	vld @!p0 [tilespmem:s28+$0x18B78];
	_ =	sdelay $0x4  }
0x1e9: {  	v3 =	vshra.s32 @!p0 v3, $0x3  }
0x1ea: {  	[tilespmem:$0x1A3D8] =	vst @!p0 v3;
	v4 =	vadd.s32 @!p0 $0x1E848, v3  }
0x1eb: {  	v3 =	vadd.s32 @!p0 $0x3D090, v3;
	[tilespmem:$0x1A428] =	vst @!p0 v4  }
0x1ec: {  	[tilespmem:$0x1A478] =	vst @!p0 v3  }
0x1ed: {  	v3 =	vld @!p0 [tilespmem:s28+$0x18B88];
	_ =	sdelay $0x4  }
0x1ee: {  	v3 =	vshra.s32 @!p0 v3, $0x3  }
0x1ef: {  	[tilespmem:$0x1A3E8] =	vst @!p0 v3;
	v4 =	vadd.s32 @!p0 $0x1E848, v3  }
0x1f0: {  	v3 =	vadd.s32 @!p0 $0x3D090, v3;
	[tilespmem:$0x1A438] =	vst @!p0 v4  }
0x1f1: {  	[tilespmem:$0x1A488] =	vst @!p0 v3  }
0x1f2: {  	v3 =	vld @!p0 [tilespmem:s28+$0x18B98];
	_ =	sdelay $0x4  }
0x1f3: {  	v3 =	vshra.s32 @!p0 v3, $0x3  }
0x1f4: {  	[tilespmem:$0x1A3F8] =	vst @!p0 v3;
	v4 =	vadd.s32 @!p0 $0x1E848, v3  }
0x1f5: {  	v3 =	vadd.s32 @!p0 $0x3D090, v3;
	[tilespmem:$0x1A448] =	vst @!p0 v4  }
0x1f6: {  	[tilespmem:$0x1A498] =	vst @!p0 v3  }
0x1f7: {  	v3 =	vld @!p0 [tilespmem:s28+$0x18BA8];
	_ =	sdelay $0x4  }
0x1f8: {  	v3 =	vshra.s32 @!p0 v3, $0x3  }
0x1f9: {  	[tilespmem:$0x1A408] =	vst @!p0 v3;
	v4 =	vadd.s32 @!p0 $0x1E848, v3  }
0x1fa: {  	v3 =	vadd.s32 @!p0 $0x3D090, v3;
	[tilespmem:$0x1A458] =	vst @!p0 v4  }
0x1fb: {  	[tilespmem:$0x1A4A8] =	vst @!p0 v3  }
0x1fc: {  	v3 =	vld @!p0 [tilespmem:s28+$0x18BB8];
	_ =	sdelay $0x4  }
0x1fd: {  	v3 =	vshra.s32 @!p0 v3, $0x3  }
0x1fe: {  	[tilespmem:$0x1A418] =	vst @!p0 v3;
	v4 =	vadd.s32 @!p0 $0x1E848, v3  }
0x1ff: {  	v3 =	vadd.s32 @!p0 $0x3D090, v3;
	[tilespmem:$0x1A468] =	vst @!p0 v4  }
0x200: {  	s1 =	simm.s32 @!p0 $0x1A3D8;
	s0 =	simm.s32 @!p0 $0xF0;
	s28 =	simm.s32 @!p0 $0x1A5B8;
	[tilespmem:$0x1A4B8] =	vst @!p0 v3  }
0x201: {  	[tilespmem:s28], [sflag:$0x1] =	stream.indirect.gather @!p0 [hbm4b:s6+s0], $0x8, s1, s0, $0xb8;
	[tilespmem:$0x1EC08] =	vst v63  }
0x202: {  	s28 =	simm.s32 @!p0 $0x1B4B8  }
0x203: {  	[tilespmem:s28], [sflag:$0x1] =	stream.indirect.gather @!p0 [hbm4b:s7+s0], $0x8, s1, s0, $0xb8;
	[tilespmem:$0x1EC08] =	vst v63  }
0x204: {  	_ =	swait.ge [sflag:s20], $0x780  }
0x205: {  	[sflag:s20] =	ssyncset.done $0x0  }
0x206: {  	[sflag:s20] =	ssyncadd.s32 $0xFFFFF880  }
0x207: {  	_ =	swait.ge [sflag:s20], $0x780  }
0x208: {  	[sflag:s20] =	ssyncset.done $0x0  }
0x209: {  	[sflag:s20] =	ssyncadd.s32 $0xFFFFF880  }
0x20a: {  	_ =	swait.ge [sflag:s21], $0x1400  }
0x20b: {  	s29 =	smov.u32 s24;
	[sflag:s21] =	ssyncset.done $0x0  }
0x20c: {  	s30 =	simm.s32 $0x0;
	s28 =	simm.s32 $0x0;
	[sflag:s21] =	ssyncadd.s32 $0xFFFFEC00  }
.LBB2_7:
0x20d: {  	v3 =	vld [tilespmem:s29+$0x0];
	_ =	sdelay $0x3  }
0x20e: {  	v4 =	vmov s30;
	v8 =	vor.u32 s30, v0  }
0x20f: {  	v5 =	vshll.u32 v8, $0x3;
	v4 =	vshll.u32 v4, $0x3;
	v3 =	vand.u32 $0x7, v3  }
0x210: {  	v49 =	vadd.s32 v2, v4;
	v6 =	vor.u32 v5, v3  }
0x211: {  	v7 =	vor.u32 v49, v3  }
0x212: {  	v4 =	vadd.s32 v1, v4  }
0x213: {  	v9 =	vor.u32 v4, v3;
	_ =	sdelay $0x1  }
0x214: {  	v3 =	vld.idx.msk [tilespmem:v6+s16+$0x0], $0xffff  }
0x215: {  	v5 =	vld.idx.msk [tilespmem:v7+s16+$0x0], $0xffff;
	_ =	sdelay $0x1  }
0x216: {  	v10 =	vld.idx.msk [tilespmem:v9+s16+$0x0], $0xffff;
	_ =	sdelay $0x2  }
0x217: {  	v4 =	vmul.u32 $0x21, v3;
	v5 =	vmul.u32 $0x21, v5;
	_ =	sdelay $0x1  }
0x218: {  	v3 =	vmul.u32 $0x21, v10;
	v11 =	vadd.s32 $0x839D, v5;
	_ =	sdelay $0x1  }
0x219: {  	v6 =	vld.idx.msk [tilespmem:v6+s17+$0x0], $0xffff;
	v10 =	vadd.s32 $0x1073A, v3  }
0x21a: {  	v7 =	vld.idx.msk [tilespmem:v7+s17+$0x0], $0xffff  }
0x21b: {  	v12 =	vld.idx.msk [tilespmem:v4+s28+$0x0], $0xffff  }
0x21c: {  	v11 =	vld.idx.msk [tilespmem:v11+s28+$0x0], $0xffff  }
0x21d: {  	v9 =	vld.idx.msk [tilespmem:v9+s17+$0x0], $0xffff  }
0x21e: {  	v10 =	vld.idx.msk [tilespmem:v10+s28+$0x0], $0xffff;
	_ =	sdelay $0x1  }
0x21f: {  	v6 =	vpack.i.f32.bf16 v6, v6;
	v7 =	vpack.i.f32.bf16 v7, v7  }
0x220: {  	v12 =	vmul.bf16 v12, v6;
	v11 =	vmul.bf16 v11, v7  }
0x221: {  	v8 =	vmul.u32 $0x41, v8;
	v9 =	vpack.i.f32.bf16 v9, v9  }
0x222: {  	v10 =	vmul.bf16 v10, v9;
	v11 =	vadd.bf16 v11, v12  }
0x223: {  	v50 =	vadd.s32 $0x1, v8  }
0x224: {  	v51 =	vadd.s32 $0x1, v4;
	v10 =	vadd.bf16 v10, v11  }
0x225: {  	v13 =	vadd.s32 $0x839E, v5  }
0x226: {  	s1 =	simm.s32 $0x1C3B8;
	v14 =	vunpack.i.l.bf16.f32 v10  }
0x227: {  	v52 =	vadd.s32 $0x1073B, v3;
	v10 =	vunpack.i.u.bf16.f32 v10;
	[tilespmem:v8+s1+$0x0] =	vst.idx.msk $0xffff, v14  }
0x228: {  	[tilespmem:v50+s1+$0x0] =	vst.idx.msk $0xffff, v10  }
0x229: {  	v10 =	vld.idx.msk [tilespmem:v51+s28+$0x0], $0xffff  }
0x22a: {  	v53 =	vld.idx.msk [tilespmem:v13+s28+$0x0], $0xffff;
	_ =	sdelay $0x1  }
0x22b: {  	v12 =	vld.idx.msk [tilespmem:v52+s28+$0x0], $0xffff;
	_ =	sdelay $0x2  }
0x22c: {  	v10 =	vmul.bf16 v10, v6;
	v11 =	vmul.bf16 v53, v7;
	_ =	sdelay $0x1  }
0x22d: {  	v55 =	vadd.s32 $0x2, v8;
	v54 =	vmul.bf16 v12, v9;
	v10 =	vadd.bf16 v11, v10  }
0x22e: {  	v56 =	vadd.s32 $0x3, v8  }
0x22f: {  	v57 =	vadd.s32 $0x2, v4;
	v10 =	vadd.bf16 v54, v10  }
0x230: {  	v58 =	vadd.s32 $0x839F, v5  }
0x231: {  	v15 =	vunpack.i.l.bf16.f32 v10  }
0x232: {  	v59 =	vadd.s32 $0x1073C, v3;
	v10 =	vunpack.i.u.bf16.f32 v10;
	[tilespmem:v55+s1+$0x0] =	vst.idx.msk $0xffff, v15  }
0x233: {  	[tilespmem:v56+s1+$0x0] =	vst.idx.msk $0xffff, v10  }
0x234: {  	v10 =	vld.idx.msk [tilespmem:v57+s28+$0x0], $0xffff  }
0x235: {  	v60 =	vld.idx.msk [tilespmem:v58+s28+$0x0], $0xffff;
	_ =	sdelay $0x1  }
0x236: {  	v12 =	vld.idx.msk [tilespmem:v59+s28+$0x0], $0xffff;
	_ =	sdelay $0x2  }
0x237: {  	v10 =	vmul.bf16 v10, v6;
	v11 =	vmul.bf16 v60, v7;
	_ =	sdelay $0x1  }
0x238: {  	v62 =	vadd.s32 $0x4, v8;
	v61 =	vmul.bf16 v12, v9;
	v10 =	vadd.bf16 v11, v10  }
0x239: {  	v63 =	vadd.s32 $0x5, v8  }
0x23a: {  	v18 =	vadd.s32 $0x3, v4;
	v10 =	vadd.bf16 v61, v10  }
0x23b: {  	v19 =	vadd.s32 $0x83A0, v5  }
0x23c: {  	v20 =	vunpack.i.l.bf16.f32 v10  }
0x23d: {  	v21 =	vadd.s32 $0x1073D, v3;
	v10 =	vunpack.i.u.bf16.f32 v10;
	[tilespmem:v62+s1+$0x0] =	vst.idx.msk $0xffff, v20  }
0x23e: {  	[tilespmem:v63+s1+$0x0] =	vst.idx.msk $0xffff, v10  }
0x23f: {  	v10 =	vld.idx.msk [tilespmem:v18+s28+$0x0], $0xffff  }
0x240: {  	v22 =	vld.idx.msk [tilespmem:v19+s28+$0x0], $0xffff;
	_ =	sdelay $0x1  }
0x241: {  	v12 =	vld.idx.msk [tilespmem:v21+s28+$0x0], $0xffff;
	_ =	sdelay $0x2  }
0x242: {  	v10 =	vmul.bf16 v10, v6;
	v11 =	vmul.bf16 v22, v7;
	_ =	sdelay $0x1  }
0x243: {  	v24 =	vadd.s32 $0x6, v8;
	v23 =	vmul.bf16 v12, v9;
	v10 =	vadd.bf16 v11, v10  }
0x244: {  	v25 =	vadd.s32 $0x7, v8  }
0x245: {  	v26 =	vadd.s32 $0x4, v4;
	v10 =	vadd.bf16 v23, v10  }
0x246: {  	v27 =	vadd.s32 $0x83A1, v5  }
0x247: {  	v28 =	vunpack.i.l.bf16.f32 v10  }
0x248: {  	v29 =	vadd.s32 $0x1073E, v3;
	v10 =	vunpack.i.u.bf16.f32 v10;
	[tilespmem:v24+s1+$0x0] =	vst.idx.msk $0xffff, v28  }
0x249: {  	[tilespmem:v25+s1+$0x0] =	vst.idx.msk $0xffff, v10  }
0x24a: {  	v10 =	vld.idx.msk [tilespmem:v26+s28+$0x0], $0xffff  }
0x24b: {  	v30 =	vld.idx.msk [tilespmem:v27+s28+$0x0], $0xffff;
	_ =	sdelay $0x1  }
0x24c: {  	v12 =	vld.idx.msk [tilespmem:v29+s28+$0x0], $0xffff;
	_ =	sdelay $0x2  }
0x24d: {  	v31 =	vmul.bf16 v10, v6;
	v11 =	vmul.bf16 v30, v7  }
0x24e: {  	v10 =	vand.u32 $0x3FFF, v8  }
0x24f: {  	v12 =	vmul.bf16 v12, v9;
	v32 =	vadd.s32 $0x8, v10;
	v11 =	vadd.bf16 v11, v31  }
0x250: {  	v33 =	vadd.s32 $0x9, v8  }
0x251: {  	v34 =	vadd.s32 $0x5, v4;
	v11 =	vadd.bf16 v12, v11  }
0x252: {  	v35 =	vadd.s32 $0x83A2, v5  }
0x253: {  	v16 =	vunpack.i.l.bf16.f32 v11  }
0x254: {  	v36 =	vadd.s32 $0x1073F, v3;
	v11 =	vunpack.i.u.bf16.f32 v11;
	[tilespmem:v32+s1+$0x0] =	vst.idx.msk $0xffff, v16  }
0x255: {  	[tilespmem:v33+s1+$0x0] =	vst.idx.msk $0xffff, v11  }
0x256: {  	v11 =	vld.idx.msk [tilespmem:v34+s28+$0x0], $0xffff  }
0x257: {  	v37 =	vld.idx.msk [tilespmem:v35+s28+$0x0], $0xffff;
	_ =	sdelay $0x1  }
0x258: {  	v13 =	vld.idx.msk [tilespmem:v36+s28+$0x0], $0xffff;
	_ =	sdelay $0x2  }
0x259: {  	v11 =	vmul.bf16 v11, v6;
	v12 =	vmul.bf16 v37, v7;
	_ =	sdelay $0x1  }
0x25a: {  	v39 =	vadd.s32 $0xA, v8;
	v38 =	vmul.bf16 v13, v9;
	v11 =	vadd.bf16 v12, v11  }
0x25b: {  	v40 =	vadd.s32 $0xB, v8  }
0x25c: {  	v41 =	vadd.s32 $0x6, v4;
	v11 =	vadd.bf16 v38, v11  }
0x25d: {  	v42 =	vadd.s32 $0x83A3, v5  }
0x25e: {  	v43 =	vunpack.i.l.bf16.f32 v11  }
0x25f: {  	v44 =	vadd.s32 $0x10740, v3;
	v11 =	vunpack.i.u.bf16.f32 v11;
	[tilespmem:v39+s1+$0x0] =	vst.idx.msk $0xffff, v43  }
0x260: {  	[tilespmem:v40+s1+$0x0] =	vst.idx.msk $0xffff, v11  }
0x261: {  	v11 =	vld.idx.msk [tilespmem:v41+s28+$0x0], $0xffff  }
0x262: {  	v45 =	vld.idx.msk [tilespmem:v42+s28+$0x0], $0xffff;
	_ =	sdelay $0x1  }
0x263: {  	v13 =	vld.idx.msk [tilespmem:v44+s28+$0x0], $0xffff;
	_ =	sdelay $0x2  }
0x264: {  	v11 =	vmul.bf16 v11, v6;
	v12 =	vmul.bf16 v45, v7;
	_ =	sdelay $0x1  }
0x265: {  	v47 =	vadd.s32 $0xC, v8;
	v46 =	vmul.bf16 v13, v9;
	v11 =	vadd.bf16 v12, v11  }
0x266: {  	v48 =	vadd.s32 $0xD, v8  }
0x267: {  	v49 =	vadd.s32 $0x7, v4;
	v11 =	vadd.bf16 v46, v11  }
0x268: {  	v50 =	vadd.s32 $0x83A4, v5  }
0x269: {  	v51 =	vunpack.i.l.bf16.f32 v11  }
0x26a: {  	v52 =	vadd.s32 $0x10741, v3;
	v11 =	vunpack.i.u.bf16.f32 v11;
	[tilespmem:v47+s1+$0x0] =	vst.idx.msk $0xffff, v51  }
0x26b: {  	[tilespmem:v48+s1+$0x0] =	vst.idx.msk $0xffff, v11  }
0x26c: {  	v11 =	vld.idx.msk [tilespmem:v49+s28+$0x0], $0xffff  }
0x26d: {  	v53 =	vld.idx.msk [tilespmem:v50+s28+$0x0], $0xffff;
	_ =	sdelay $0x1  }
0x26e: {  	v13 =	vld.idx.msk [tilespmem:v52+s28+$0x0], $0xffff;
	_ =	sdelay $0x2  }
0x26f: {  	v11 =	vmul.bf16 v11, v6;
	v12 =	vmul.bf16 v53, v7;
	_ =	sdelay $0x1  }
0x270: {  	v55 =	vadd.s32 $0xE, v8;
	v54 =	vmul.bf16 v13, v9;
	v11 =	vadd.bf16 v12, v11  }
0x271: {  	v56 =	vadd.s32 $0xF, v8  }
0x272: {  	v57 =	vadd.s32 $0x8, v4;
	v11 =	vadd.bf16 v54, v11  }
0x273: {  	v58 =	vadd.s32 $0x83A5, v5  }
0x274: {  	v59 =	vunpack.i.l.bf16.f32 v11  }
0x275: {  	v60 =	vadd.s32 $0x10742, v3;
	v11 =	vunpack.i.u.bf16.f32 v11;
	[tilespmem:v55+s1+$0x0] =	vst.idx.msk $0xffff, v59  }
0x276: {  	[tilespmem:v56+s1+$0x0] =	vst.idx.msk $0xffff, v11  }
0x277: {  	v11 =	vld.idx.msk [tilespmem:v57+s28+$0x0], $0xffff  }
0x278: {  	v61 =	vld.idx.msk [tilespmem:v58+s28+$0x0], $0xffff;
	_ =	sdelay $0x1  }
0x279: {  	v13 =	vld.idx.msk [tilespmem:v60+s28+$0x0], $0xffff;
	_ =	sdelay $0x2  }
0x27a: {  	v11 =	vmul.bf16 v11, v6;
	v12 =	vmul.bf16 v61, v7;
	_ =	sdelay $0x1  }
0x27b: {  	v63 =	vadd.s32 $0x10, v10;
	v62 =	vmul.bf16 v13, v9;
	v11 =	vadd.bf16 v12, v11  }
0x27c: {  	v20 =	vadd.s32 $0x11, v8  }
0x27d: {  	v21 =	vadd.s32 $0x9, v4;
	v11 =	vadd.bf16 v62, v11  }
0x27e: {  	v22 =	vadd.s32 $0x83A6, v5  }
0x27f: {  	v23 =	vunpack.i.l.bf16.f32 v11  }
0x280: {  	v24 =	vadd.s32 $0x10743, v3;
	v11 =	vunpack.i.u.bf16.f32 v11;
	[tilespmem:v63+s1+$0x0] =	vst.idx.msk $0xffff, v23  }
0x281: {  	[tilespmem:v20+s1+$0x0] =	vst.idx.msk $0xffff, v11  }
0x282: {  	v11 =	vld.idx.msk [tilespmem:v21+s28+$0x0], $0xffff  }
0x283: {  	v25 =	vld.idx.msk [tilespmem:v22+s28+$0x0], $0xffff;
	_ =	sdelay $0x1  }
0x284: {  	v13 =	vld.idx.msk [tilespmem:v24+s28+$0x0], $0xffff;
	_ =	sdelay $0x2  }
0x285: {  	v11 =	vmul.bf16 v11, v6;
	v12 =	vmul.bf16 v25, v7;
	_ =	sdelay $0x1  }
0x286: {  	v27 =	vadd.s32 $0x12, v8;
	v26 =	vmul.bf16 v13, v9;
	v11 =	vadd.bf16 v12, v11  }
0x287: {  	v28 =	vadd.s32 $0x13, v8  }
0x288: {  	v29 =	vadd.s32 $0xA, v4;
	v11 =	vadd.bf16 v26, v11  }
0x289: {  	v30 =	vadd.s32 $0x83A7, v5  }
0x28a: {  	v31 =	vunpack.i.l.bf16.f32 v11  }
0x28b: {  	v32 =	vadd.s32 $0x10744, v3;
	v11 =	vunpack.i.u.bf16.f32 v11;
	[tilespmem:v27+s1+$0x0] =	vst.idx.msk $0xffff, v31  }
0x28c: {  	[tilespmem:v28+s1+$0x0] =	vst.idx.msk $0xffff, v11  }
0x28d: {  	v11 =	vld.idx.msk [tilespmem:v29+s28+$0x0], $0xffff  }
0x28e: {  	v33 =	vld.idx.msk [tilespmem:v30+s28+$0x0], $0xffff;
	_ =	sdelay $0x1  }
0x28f: {  	v13 =	vld.idx.msk [tilespmem:v32+s28+$0x0], $0xffff;
	_ =	sdelay $0x2  }
0x290: {  	v11 =	vmul.bf16 v11, v6;
	v12 =	vmul.bf16 v33, v7;
	_ =	sdelay $0x1  }
0x291: {  	v35 =	vadd.s32 $0x14, v8;
	v34 =	vmul.bf16 v13, v9;
	v11 =	vadd.bf16 v12, v11  }
0x292: {  	v36 =	vadd.s32 $0x15, v8  }
0x293: {  	v37 =	vadd.s32 $0xB, v4;
	v11 =	vadd.bf16 v34, v11  }
0x294: {  	v38 =	vadd.s32 $0x83A8, v5  }
0x295: {  	v39 =	vunpack.i.l.bf16.f32 v11  }
0x296: {  	v40 =	vadd.s32 $0x10745, v3;
	v11 =	vunpack.i.u.bf16.f32 v11;
	[tilespmem:v35+s1+$0x0] =	vst.idx.msk $0xffff, v39  }
0x297: {  	[tilespmem:v36+s1+$0x0] =	vst.idx.msk $0xffff, v11  }
0x298: {  	v11 =	vld.idx.msk [tilespmem:v37+s28+$0x0], $0xffff  }
0x299: {  	v41 =	vld.idx.msk [tilespmem:v38+s28+$0x0], $0xffff;
	_ =	sdelay $0x1  }
0x29a: {  	v13 =	vld.idx.msk [tilespmem:v40+s28+$0x0], $0xffff;
	_ =	sdelay $0x2  }
0x29b: {  	v11 =	vmul.bf16 v11, v6;
	v12 =	vmul.bf16 v41, v7;
	_ =	sdelay $0x1  }
0x29c: {  	v43 =	vadd.s32 $0x16, v8;
	v42 =	vmul.bf16 v13, v9;
	v11 =	vadd.bf16 v12, v11  }
0x29d: {  	v44 =	vadd.s32 $0x17, v8  }
0x29e: {  	v45 =	vadd.s32 $0xC, v4;
	v11 =	vadd.bf16 v42, v11  }
0x29f: {  	v46 =	vadd.s32 $0x83A9, v5  }
0x2a0: {  	v47 =	vunpack.i.l.bf16.f32 v11  }
0x2a1: {  	v48 =	vadd.s32 $0x10746, v3;
	v11 =	vunpack.i.u.bf16.f32 v11;
	[tilespmem:v43+s1+$0x0] =	vst.idx.msk $0xffff, v47  }
0x2a2: {  	[tilespmem:v44+s1+$0x0] =	vst.idx.msk $0xffff, v11  }
0x2a3: {  	v11 =	vld.idx.msk [tilespmem:v45+s28+$0x0], $0xffff  }
0x2a4: {  	v49 =	vld.idx.msk [tilespmem:v46+s28+$0x0], $0xffff;
	_ =	sdelay $0x1  }
0x2a5: {  	v13 =	vld.idx.msk [tilespmem:v48+s28+$0x0], $0xffff;
	_ =	sdelay $0x2  }
0x2a6: {  	v11 =	vmul.bf16 v11, v6;
	v12 =	vmul.bf16 v49, v7;
	_ =	sdelay $0x1  }
0x2a7: {  	v51 =	vadd.s32 $0x18, v10;
	v50 =	vmul.bf16 v13, v9;
	v11 =	vadd.bf16 v12, v11  }
0x2a8: {  	v52 =	vadd.s32 $0x19, v8  }
0x2a9: {  	v53 =	vadd.s32 $0xD, v4;
	v11 =	vadd.bf16 v50, v11  }
0x2aa: {  	v54 =	vadd.s32 $0x83AA, v5  }
0x2ab: {  	v55 =	vunpack.i.l.bf16.f32 v11  }
0x2ac: {  	v56 =	vadd.s32 $0x10747, v3;
	v11 =	vunpack.i.u.bf16.f32 v11;
	[tilespmem:v51+s1+$0x0] =	vst.idx.msk $0xffff, v55  }
0x2ad: {  	[tilespmem:v52+s1+$0x0] =	vst.idx.msk $0xffff, v11  }
0x2ae: {  	v11 =	vld.idx.msk [tilespmem:v53+s28+$0x0], $0xffff  }
0x2af: {  	v57 =	vld.idx.msk [tilespmem:v54+s28+$0x0], $0xffff;
	_ =	sdelay $0x1  }
0x2b0: {  	v13 =	vld.idx.msk [tilespmem:v56+s28+$0x0], $0xffff;
	_ =	sdelay $0x2  }
0x2b1: {  	v11 =	vmul.bf16 v11, v6;
	v12 =	vmul.bf16 v57, v7;
	_ =	sdelay $0x1  }
0x2b2: {  	v59 =	vadd.s32 $0x1A, v8;
	v58 =	vmul.bf16 v13, v9;
	v11 =	vadd.bf16 v12, v11  }
0x2b3: {  	v60 =	vadd.s32 $0x1B, v8  }
0x2b4: {  	v61 =	vadd.s32 $0xE, v4;
	v11 =	vadd.bf16 v58, v11  }
0x2b5: {  	v62 =	vadd.s32 $0x83AB, v5  }
0x2b6: {  	v63 =	vunpack.i.l.bf16.f32 v11  }
0x2b7: {  	v20 =	vadd.s32 $0x10748, v3;
	v11 =	vunpack.i.u.bf16.f32 v11;
	[tilespmem:v59+s1+$0x0] =	vst.idx.msk $0xffff, v63  }
0x2b8: {  	[tilespmem:v60+s1+$0x0] =	vst.idx.msk $0xffff, v11  }
0x2b9: {  	v11 =	vld.idx.msk [tilespmem:v61+s28+$0x0], $0xffff  }
0x2ba: {  	v21 =	vld.idx.msk [tilespmem:v62+s28+$0x0], $0xffff;
	_ =	sdelay $0x1  }
0x2bb: {  	v13 =	vld.idx.msk [tilespmem:v20+s28+$0x0], $0xffff;
	_ =	sdelay $0x2  }
0x2bc: {  	v11 =	vmul.bf16 v11, v6;
	v12 =	vmul.bf16 v21, v7;
	_ =	sdelay $0x1  }
0x2bd: {  	v23 =	vadd.s32 $0x1C, v8;
	v22 =	vmul.bf16 v13, v9;
	v11 =	vadd.bf16 v12, v11  }
0x2be: {  	v24 =	vadd.s32 $0x1D, v8  }
0x2bf: {  	v25 =	vadd.s32 $0xF, v4;
	v11 =	vadd.bf16 v22, v11  }
0x2c0: {  	v26 =	vadd.s32 $0x83AC, v5  }
0x2c1: {  	v27 =	vunpack.i.l.bf16.f32 v11  }
0x2c2: {  	v28 =	vadd.s32 $0x10749, v3;
	v11 =	vunpack.i.u.bf16.f32 v11;
	[tilespmem:v23+s1+$0x0] =	vst.idx.msk $0xffff, v27  }
0x2c3: {  	[tilespmem:v24+s1+$0x0] =	vst.idx.msk $0xffff, v11  }
0x2c4: {  	v11 =	vld.idx.msk [tilespmem:v25+s28+$0x0], $0xffff  }
0x2c5: {  	v29 =	vld.idx.msk [tilespmem:v26+s28+$0x0], $0xffff;
	_ =	sdelay $0x1  }
0x2c6: {  	v13 =	vld.idx.msk [tilespmem:v28+s28+$0x0], $0xffff;
	_ =	sdelay $0x2  }
0x2c7: {  	v11 =	vmul.bf16 v11, v6;
	v12 =	vmul.bf16 v29, v7;
	_ =	sdelay $0x1  }
0x2c8: {  	v31 =	vadd.s32 $0x1E, v8;
	v30 =	vmul.bf16 v13, v9;
	v11 =	vadd.bf16 v12, v11  }
0x2c9: {  	v32 =	vadd.s32 $0x1F, v8  }
0x2ca: {  	v33 =	vadd.s32 $0x10, v4;
	v11 =	vadd.bf16 v30, v11  }
0x2cb: {  	v34 =	vadd.s32 $0x83AD, v5  }
0x2cc: {  	v35 =	vunpack.i.l.bf16.f32 v11  }
0x2cd: {  	v36 =	vadd.s32 $0x1074A, v3;
	v11 =	vunpack.i.u.bf16.f32 v11;
	[tilespmem:v31+s1+$0x0] =	vst.idx.msk $0xffff, v35  }
0x2ce: {  	[tilespmem:v32+s1+$0x0] =	vst.idx.msk $0xffff, v11  }
0x2cf: {  	v11 =	vld.idx.msk [tilespmem:v33+s28+$0x0], $0xffff  }
0x2d0: {  	v37 =	vld.idx.msk [tilespmem:v34+s28+$0x0], $0xffff;
	_ =	sdelay $0x1  }
0x2d1: {  	v13 =	vld.idx.msk [tilespmem:v36+s28+$0x0], $0xffff;
	_ =	sdelay $0x2  }
0x2d2: {  	v11 =	vmul.bf16 v11, v6;
	v12 =	vmul.bf16 v37, v7;
	_ =	sdelay $0x1  }
0x2d3: {  	v39 =	vadd.s32 $0x20, v10;
	v38 =	vmul.bf16 v13, v9;
	v11 =	vadd.bf16 v12, v11  }
0x2d4: {  	v40 =	vadd.s32 $0x21, v8  }
0x2d5: {  	v41 =	vadd.s32 $0x11, v4;
	v11 =	vadd.bf16 v38, v11  }
0x2d6: {  	v42 =	vadd.s32 $0x83AE, v5  }
0x2d7: {  	v43 =	vunpack.i.l.bf16.f32 v11  }
0x2d8: {  	v44 =	vadd.s32 $0x1074B, v3;
	v11 =	vunpack.i.u.bf16.f32 v11;
	[tilespmem:v39+s1+$0x0] =	vst.idx.msk $0xffff, v43  }
0x2d9: {  	[tilespmem:v40+s1+$0x0] =	vst.idx.msk $0xffff, v11  }
0x2da: {  	v11 =	vld.idx.msk [tilespmem:v41+s28+$0x0], $0xffff  }
0x2db: {  	v45 =	vld.idx.msk [tilespmem:v42+s28+$0x0], $0xffff;
	_ =	sdelay $0x1  }
0x2dc: {  	v13 =	vld.idx.msk [tilespmem:v44+s28+$0x0], $0xffff;
	_ =	sdelay $0x2  }
0x2dd: {  	v11 =	vmul.bf16 v11, v6;
	v12 =	vmul.bf16 v45, v7;
	_ =	sdelay $0x1  }
0x2de: {  	v47 =	vadd.s32 $0x22, v8;
	v46 =	vmul.bf16 v13, v9;
	v11 =	vadd.bf16 v12, v11  }
0x2df: {  	v48 =	vadd.s32 $0x23, v8  }
0x2e0: {  	v49 =	vadd.s32 $0x12, v4;
	v11 =	vadd.bf16 v46, v11  }
0x2e1: {  	v50 =	vadd.s32 $0x83AF, v5  }
0x2e2: {  	v51 =	vunpack.i.l.bf16.f32 v11  }
0x2e3: {  	v52 =	vadd.s32 $0x1074C, v3;
	v11 =	vunpack.i.u.bf16.f32 v11;
	[tilespmem:v47+s1+$0x0] =	vst.idx.msk $0xffff, v51  }
0x2e4: {  	[tilespmem:v48+s1+$0x0] =	vst.idx.msk $0xffff, v11  }
0x2e5: {  	v11 =	vld.idx.msk [tilespmem:v49+s28+$0x0], $0xffff  }
0x2e6: {  	v53 =	vld.idx.msk [tilespmem:v50+s28+$0x0], $0xffff;
	_ =	sdelay $0x1  }
0x2e7: {  	v13 =	vld.idx.msk [tilespmem:v52+s28+$0x0], $0xffff;
	_ =	sdelay $0x2  }
0x2e8: {  	v11 =	vmul.bf16 v11, v6;
	v12 =	vmul.bf16 v53, v7;
	_ =	sdelay $0x1  }
0x2e9: {  	v55 =	vadd.s32 $0x24, v8;
	v54 =	vmul.bf16 v13, v9;
	v11 =	vadd.bf16 v12, v11  }
0x2ea: {  	v56 =	vadd.s32 $0x25, v8  }
0x2eb: {  	v57 =	vadd.s32 $0x13, v4;
	v11 =	vadd.bf16 v54, v11  }
0x2ec: {  	v58 =	vadd.s32 $0x83B0, v5  }
0x2ed: {  	v59 =	vunpack.i.l.bf16.f32 v11  }
0x2ee: {  	v60 =	vadd.s32 $0x1074D, v3;
	v11 =	vunpack.i.u.bf16.f32 v11;
	[tilespmem:v55+s1+$0x0] =	vst.idx.msk $0xffff, v59  }
0x2ef: {  	[tilespmem:v56+s1+$0x0] =	vst.idx.msk $0xffff, v11  }
0x2f0: {  	v11 =	vld.idx.msk [tilespmem:v57+s28+$0x0], $0xffff  }
0x2f1: {  	v61 =	vld.idx.msk [tilespmem:v58+s28+$0x0], $0xffff;
	_ =	sdelay $0x1  }
0x2f2: {  	v13 =	vld.idx.msk [tilespmem:v60+s28+$0x0], $0xffff;
	_ =	sdelay $0x2  }
0x2f3: {  	v11 =	vmul.bf16 v11, v6;
	v12 =	vmul.bf16 v61, v7;
	_ =	sdelay $0x1  }
0x2f4: {  	v63 =	vadd.s32 $0x26, v8;
	v62 =	vmul.bf16 v13, v9;
	v11 =	vadd.bf16 v12, v11  }
0x2f5: {  	v20 =	vadd.s32 $0x27, v8  }
0x2f6: {  	v21 =	vadd.s32 $0x14, v4;
	v11 =	vadd.bf16 v62, v11  }
0x2f7: {  	v22 =	vadd.s32 $0x83B1, v5  }
0x2f8: {  	v23 =	vunpack.i.l.bf16.f32 v11  }
0x2f9: {  	v24 =	vadd.s32 $0x1074E, v3;
	v11 =	vunpack.i.u.bf16.f32 v11;
	[tilespmem:v63+s1+$0x0] =	vst.idx.msk $0xffff, v23  }
0x2fa: {  	[tilespmem:v20+s1+$0x0] =	vst.idx.msk $0xffff, v11  }
0x2fb: {  	v11 =	vld.idx.msk [tilespmem:v21+s28+$0x0], $0xffff  }
0x2fc: {  	v25 =	vld.idx.msk [tilespmem:v22+s28+$0x0], $0xffff;
	_ =	sdelay $0x1  }
0x2fd: {  	v13 =	vld.idx.msk [tilespmem:v24+s28+$0x0], $0xffff;
	_ =	sdelay $0x2  }
0x2fe: {  	v11 =	vmul.bf16 v11, v6;
	v12 =	vmul.bf16 v25, v7;
	_ =	sdelay $0x1  }
0x2ff: {  	v27 =	vadd.s32 $0x28, v10;
	v26 =	vmul.bf16 v13, v9;
	v11 =	vadd.bf16 v12, v11  }
0x300: {  	v28 =	vadd.s32 $0x29, v8  }
0x301: {  	v29 =	vadd.s32 $0x15, v4;
	v11 =	vadd.bf16 v26, v11  }
0x302: {  	v30 =	vadd.s32 $0x83B2, v5  }
0x303: {  	v31 =	vunpack.i.l.bf16.f32 v11  }
0x304: {  	v32 =	vadd.s32 $0x1074F, v3;
	v11 =	vunpack.i.u.bf16.f32 v11;
	[tilespmem:v27+s1+$0x0] =	vst.idx.msk $0xffff, v31  }
0x305: {  	[tilespmem:v28+s1+$0x0] =	vst.idx.msk $0xffff, v11  }
0x306: {  	v11 =	vld.idx.msk [tilespmem:v29+s28+$0x0], $0xffff  }
0x307: {  	v33 =	vld.idx.msk [tilespmem:v30+s28+$0x0], $0xffff;
	_ =	sdelay $0x1  }
0x308: {  	v13 =	vld.idx.msk [tilespmem:v32+s28+$0x0], $0xffff;
	_ =	sdelay $0x2  }
0x309: {  	v11 =	vmul.bf16 v11, v6;
	v12 =	vmul.bf16 v33, v7;
	_ =	sdelay $0x1  }
0x30a: {  	v35 =	vadd.s32 $0x2A, v8;
	v34 =	vmul.bf16 v13, v9;
	v11 =	vadd.bf16 v12, v11  }
0x30b: {  	v36 =	vadd.s32 $0x2B, v8  }
0x30c: {  	v37 =	vadd.s32 $0x16, v4;
	v11 =	vadd.bf16 v34, v11  }
0x30d: {  	v38 =	vadd.s32 $0x83B3, v5  }
0x30e: {  	v39 =	vunpack.i.l.bf16.f32 v11  }
0x30f: {  	v40 =	vadd.s32 $0x10750, v3;
	v11 =	vunpack.i.u.bf16.f32 v11;
	[tilespmem:v35+s1+$0x0] =	vst.idx.msk $0xffff, v39  }
0x310: {  	[tilespmem:v36+s1+$0x0] =	vst.idx.msk $0xffff, v11  }
0x311: {  	v11 =	vld.idx.msk [tilespmem:v37+s28+$0x0], $0xffff  }
0x312: {  	v41 =	vld.idx.msk [tilespmem:v38+s28+$0x0], $0xffff;
	_ =	sdelay $0x1  }
0x313: {  	v13 =	vld.idx.msk [tilespmem:v40+s28+$0x0], $0xffff;
	_ =	sdelay $0x2  }
0x314: {  	v11 =	vmul.bf16 v11, v6;
	v12 =	vmul.bf16 v41, v7;
	_ =	sdelay $0x1  }
0x315: {  	v43 =	vadd.s32 $0x2C, v8;
	v42 =	vmul.bf16 v13, v9;
	v11 =	vadd.bf16 v12, v11  }
0x316: {  	v44 =	vadd.s32 $0x2D, v8  }
0x317: {  	v45 =	vadd.s32 $0x17, v4;
	v11 =	vadd.bf16 v42, v11  }
0x318: {  	v46 =	vadd.s32 $0x83B4, v5  }
0x319: {  	v47 =	vunpack.i.l.bf16.f32 v11  }
0x31a: {  	v48 =	vadd.s32 $0x10751, v3;
	v11 =	vunpack.i.u.bf16.f32 v11;
	[tilespmem:v43+s1+$0x0] =	vst.idx.msk $0xffff, v47  }
0x31b: {  	[tilespmem:v44+s1+$0x0] =	vst.idx.msk $0xffff, v11  }
0x31c: {  	v11 =	vld.idx.msk [tilespmem:v45+s28+$0x0], $0xffff  }
0x31d: {  	v49 =	vld.idx.msk [tilespmem:v46+s28+$0x0], $0xffff;
	_ =	sdelay $0x1  }
0x31e: {  	v13 =	vld.idx.msk [tilespmem:v48+s28+$0x0], $0xffff;
	_ =	sdelay $0x2  }
0x31f: {  	v11 =	vmul.bf16 v11, v6;
	v12 =	vmul.bf16 v49, v7;
	_ =	sdelay $0x1  }
0x320: {  	v51 =	vadd.s32 $0x2E, v8;
	v50 =	vmul.bf16 v13, v9;
	v11 =	vadd.bf16 v12, v11  }
0x321: {  	v52 =	vadd.s32 $0x2F, v8  }
0x322: {  	v53 =	vadd.s32 $0x18, v4;
	v11 =	vadd.bf16 v50, v11  }
0x323: {  	v54 =	vadd.s32 $0x83B5, v5  }
0x324: {  	v55 =	vunpack.i.l.bf16.f32 v11  }
0x325: {  	v56 =	vadd.s32 $0x10752, v3;
	v11 =	vunpack.i.u.bf16.f32 v11;
	[tilespmem:v51+s1+$0x0] =	vst.idx.msk $0xffff, v55  }
0x326: {  	[tilespmem:v52+s1+$0x0] =	vst.idx.msk $0xffff, v11  }
0x327: {  	v11 =	vld.idx.msk [tilespmem:v53+s28+$0x0], $0xffff  }
0x328: {  	v57 =	vld.idx.msk [tilespmem:v54+s28+$0x0], $0xffff;
	_ =	sdelay $0x1  }
0x329: {  	v13 =	vld.idx.msk [tilespmem:v56+s28+$0x0], $0xffff;
	_ =	sdelay $0x2  }
0x32a: {  	v11 =	vmul.bf16 v11, v6;
	v12 =	vmul.bf16 v57, v7;
	_ =	sdelay $0x1  }
0x32b: {  	v59 =	vadd.s32 $0x30, v10;
	v58 =	vmul.bf16 v13, v9;
	v11 =	vadd.bf16 v12, v11  }
0x32c: {  	v60 =	vadd.s32 $0x31, v8  }
0x32d: {  	v61 =	vadd.s32 $0x19, v4;
	v11 =	vadd.bf16 v58, v11  }
0x32e: {  	v62 =	vadd.s32 $0x83B6, v5  }
0x32f: {  	v63 =	vunpack.i.l.bf16.f32 v11  }
0x330: {  	v19 =	vadd.s32 $0x10753, v3;
	v11 =	vunpack.i.u.bf16.f32 v11;
	[tilespmem:v59+s1+$0x0] =	vst.idx.msk $0xffff, v63  }
0x331: {  	[tilespmem:v60+s1+$0x0] =	vst.idx.msk $0xffff, v11  }
0x332: {  	v11 =	vld.idx.msk [tilespmem:v61+s28+$0x0], $0xffff  }
0x333: {  	v20 =	vld.idx.msk [tilespmem:v62+s28+$0x0], $0xffff;
	_ =	sdelay $0x1  }
0x334: {  	v13 =	vld.idx.msk [tilespmem:v19+s28+$0x0], $0xffff;
	_ =	sdelay $0x2  }
0x335: {  	v11 =	vmul.bf16 v11, v6;
	v12 =	vmul.bf16 v20, v7;
	_ =	sdelay $0x1  }
0x336: {  	v22 =	vadd.s32 $0x32, v8;
	v21 =	vmul.bf16 v13, v9;
	v11 =	vadd.bf16 v12, v11  }
0x337: {  	v23 =	vadd.s32 $0x33, v8  }
0x338: {  	v24 =	vadd.s32 $0x1A, v4;
	v11 =	vadd.bf16 v21, v11  }
0x339: {  	v25 =	vadd.s32 $0x83B7, v5  }
0x33a: {  	v26 =	vunpack.i.l.bf16.f32 v11  }
0x33b: {  	v27 =	vadd.s32 $0x10754, v3;
	v11 =	vunpack.i.u.bf16.f32 v11;
	[tilespmem:v22+s1+$0x0] =	vst.idx.msk $0xffff, v26  }
0x33c: {  	[tilespmem:v23+s1+$0x0] =	vst.idx.msk $0xffff, v11  }
0x33d: {  	v11 =	vld.idx.msk [tilespmem:v24+s28+$0x0], $0xffff  }
0x33e: {  	v28 =	vld.idx.msk [tilespmem:v25+s28+$0x0], $0xffff;
	_ =	sdelay $0x1  }
0x33f: {  	v13 =	vld.idx.msk [tilespmem:v27+s28+$0x0], $0xffff;
	_ =	sdelay $0x2  }
0x340: {  	v11 =	vmul.bf16 v11, v6;
	v12 =	vmul.bf16 v28, v7;
	_ =	sdelay $0x1  }
0x341: {  	v30 =	vadd.s32 $0x34, v8;
	v29 =	vmul.bf16 v13, v9;
	v11 =	vadd.bf16 v12, v11  }
0x342: {  	v31 =	vadd.s32 $0x35, v8  }
0x343: {  	v32 =	vadd.s32 $0x1B, v4;
	v11 =	vadd.bf16 v29, v11  }
0x344: {  	v33 =	vadd.s32 $0x83B8, v5  }
0x345: {  	v34 =	vunpack.i.l.bf16.f32 v11  }
0x346: {  	v35 =	vadd.s32 $0x10755, v3;
	v11 =	vunpack.i.u.bf16.f32 v11;
	[tilespmem:v30+s1+$0x0] =	vst.idx.msk $0xffff, v34  }
0x347: {  	[tilespmem:v31+s1+$0x0] =	vst.idx.msk $0xffff, v11  }
0x348: {  	v11 =	vld.idx.msk [tilespmem:v32+s28+$0x0], $0xffff  }
0x349: {  	v36 =	vld.idx.msk [tilespmem:v33+s28+$0x0], $0xffff;
	_ =	sdelay $0x1  }
0x34a: {  	v13 =	vld.idx.msk [tilespmem:v35+s28+$0x0], $0xffff;
	_ =	sdelay $0x2  }
0x34b: {  	v11 =	vmul.bf16 v11, v6;
	v12 =	vmul.bf16 v36, v7;
	_ =	sdelay $0x1  }
0x34c: {  	v38 =	vadd.s32 $0x36, v8;
	v37 =	vmul.bf16 v13, v9;
	v11 =	vadd.bf16 v12, v11  }
0x34d: {  	v39 =	vadd.s32 $0x37, v8  }
0x34e: {  	v40 =	vadd.s32 $0x1C, v4;
	v11 =	vadd.bf16 v37, v11  }
0x34f: {  	v41 =	vadd.s32 $0x83B9, v5  }
0x350: {  	v42 =	vunpack.i.l.bf16.f32 v11  }
0x351: {  	v43 =	vadd.s32 $0x10756, v3;
	v11 =	vunpack.i.u.bf16.f32 v11;
	[tilespmem:v38+s1+$0x0] =	vst.idx.msk $0xffff, v42  }
0x352: {  	[tilespmem:v39+s1+$0x0] =	vst.idx.msk $0xffff, v11  }
0x353: {  	v11 =	vld.idx.msk [tilespmem:v40+s28+$0x0], $0xffff  }
0x354: {  	v44 =	vld.idx.msk [tilespmem:v41+s28+$0x0], $0xffff;
	_ =	sdelay $0x1  }
0x355: {  	v13 =	vld.idx.msk [tilespmem:v43+s28+$0x0], $0xffff;
	_ =	sdelay $0x2  }
0x356: {  	v11 =	vmul.bf16 v11, v6;
	v12 =	vmul.bf16 v44, v7;
	_ =	sdelay $0x1  }
0x357: {  	v10 =	vadd.s32 $0x38, v10;
	v45 =	vmul.bf16 v13, v9;
	v11 =	vadd.bf16 v12, v11  }
0x358: {  	v46 =	vadd.s32 $0x39, v8  }
0x359: {  	v47 =	vadd.s32 $0x1D, v4;
	v11 =	vadd.bf16 v45, v11  }
0x35a: {  	v48 =	vadd.s32 $0x83BA, v5  }
0x35b: {  	v49 =	vunpack.i.l.bf16.f32 v11  }
0x35c: {  	v50 =	vadd.s32 $0x10757, v3;
	v11 =	vunpack.i.u.bf16.f32 v11;
	[tilespmem:v10+s1+$0x0] =	vst.idx.msk $0xffff, v49  }
0x35d: {  	[tilespmem:v46+s1+$0x0] =	vst.idx.msk $0xffff, v11  }
0x35e: {  	v11 =	vld.idx.msk [tilespmem:v47+s28+$0x0], $0xffff  }
0x35f: {  	v51 =	vld.idx.msk [tilespmem:v48+s28+$0x0], $0xffff;
	_ =	sdelay $0x1  }
0x360: {  	v10 =	vld.idx.msk [tilespmem:v50+s28+$0x0], $0xffff;
	_ =	sdelay $0x2  }
0x361: {  	v11 =	vmul.bf16 v11, v6;
	v12 =	vmul.bf16 v51, v7;
	_ =	sdelay $0x1  }
0x362: {  	v52 =	vadd.s32 $0x3A, v8;
	v10 =	vmul.bf16 v10, v9;
	v11 =	vadd.bf16 v12, v11  }
0x363: {  	v53 =	vadd.s32 $0x3B, v8  }
0x364: {  	v54 =	vadd.s32 $0x1E, v4;
	v10 =	vadd.bf16 v10, v11  }
0x365: {  	v55 =	vadd.s32 $0x83BB, v5  }
0x366: {  	v56 =	vunpack.i.l.bf16.f32 v10  }
0x367: {  	v57 =	vadd.s32 $0x10758, v3;
	v10 =	vunpack.i.u.bf16.f32 v10;
	[tilespmem:v52+s1+$0x0] =	vst.idx.msk $0xffff, v56  }
0x368: {  	[tilespmem:v53+s1+$0x0] =	vst.idx.msk $0xffff, v10  }
0x369: {  	v10 =	vld.idx.msk [tilespmem:v54+s28+$0x0], $0xffff  }
0x36a: {  	v58 =	vld.idx.msk [tilespmem:v55+s28+$0x0], $0xffff;
	_ =	sdelay $0x1  }
0x36b: {  	v12 =	vld.idx.msk [tilespmem:v57+s28+$0x0], $0xffff;
	_ =	sdelay $0x2  }
0x36c: {  	v10 =	vmul.bf16 v10, v6;
	v11 =	vmul.bf16 v58, v7;
	_ =	sdelay $0x1  }
0x36d: {  	v60 =	vadd.s32 $0x3C, v8;
	v59 =	vmul.bf16 v12, v9;
	v10 =	vadd.bf16 v11, v10  }
0x36e: {  	v61 =	vadd.s32 $0x3D, v8  }
0x36f: {  	v4 =	vadd.s32 $0x1F, v4;
	v10 =	vadd.bf16 v59, v10  }
0x370: {  	v5 =	vadd.s32 $0x83BC, v5  }
0x371: {  	v11 =	vunpack.i.l.bf16.f32 v10  }
0x372: {  	v3 =	vadd.s32 $0x10759, v3;
	v10 =	vunpack.i.u.bf16.f32 v10;
	[tilespmem:v60+s1+$0x0] =	vst.idx.msk $0xffff, v11  }
0x373: {  	[tilespmem:v61+s1+$0x0] =	vst.idx.msk $0xffff, v10  }
0x374: {  	v4 =	vld.idx.msk [tilespmem:v4+s28+$0x0], $0xffff  }
0x375: {  	v5 =	vld.idx.msk [tilespmem:v5+s28+$0x0], $0xffff;
	_ =	sdelay $0x1  }
0x376: {  	v3 =	vld.idx.msk [tilespmem:v3+s28+$0x0], $0xffff;
	_ =	sdelay $0x2  }
0x377: {  	v4 =	vmul.bf16 v4, v6;
	v5 =	vmul.bf16 v5, v7;
	_ =	sdelay $0x1  }
0x378: {  	v62 =	vadd.s32 $0x3E, v8;
	v3 =	vmul.bf16 v3, v9;
	v4 =	vadd.bf16 v5, v4  }
0x379: {  	p0 =	sne.s32 s30, $0x40;
	v63 =	vadd.s32 $0x3F, v8  }
.Ltmp2:
0x37a: {  	v3 =	vadd.bf16 v3, v4;
	(pc) =	sbr.rel @p0 .LBB2_7-.Ltmp2, $4  }
0x37b: {  	_ = 	snop  }
0x37c: {  	v4 =	vunpack.i.l.bf16.f32 v3  }
0x37d: {  	v3 =	vunpack.i.u.bf16.f32 v3;
	[tilespmem:v62+s1+$0x0] =	vst.idx.msk $0xffff, v4  }
0x37e: {  	s29 =	sadd.s32 $0x10, s29;
	s30 =	sadd.s32 $0x10, s30;
	[tilespmem:v63+s1+$0x0] =	vst.idx.msk $0xffff, v3  }
0x37f: {  	v3 =	vld [tilespmem:s1+$0x0];
	_ =	sdelay $0x3  }
0x380: {  	s1 =	simm.s32 $0x1D828  }
0x381: {  	s0 =	sand.u32 $0x3FFF, s28;
	[tilespmem:s1+$0xFFFFFFE0] =	vst v3  }
0x382: {  	v3 =	vld [tilespmem:s0+$0x1C3C8];
	_ =	sdelay $0x4  }
0x383: {  	[tilespmem:s1+$0xFFFFFFF0] =	vst v3  }
0x384: {  	v3 =	vld [tilespmem:s0+$0x1C3D8];
	_ =	sdelay $0x4  }
0x385: {  	[tilespmem:s1+$0x0] =	vst v3  }
0x386: {  	v3 =	vld [tilespmem:s0+$0x1C3E8];
	_ =	sdelay $0x4  }
0x387: {  	s29 =	simm.s32 $0x1C3F9;
	[tilespmem:s1+$0x10] =	vst v3  }
0x388: {  	s28 =	simm.s32 $0x41;
	s30 =	simm.s32 $0x82;
	v3 =	vld [tilespmem:s29+$0x0]  }
.LBB2_9:
0x389: {  	p0 =	sne.s32 s30, $0x140F;
	_ =	sdelay $0x2  }
0x38a: {  	s1 =	sadd.s32 $0x40, s1  }
0x38b: {  	s0 =	sand.u32 $0x3FFF, s28;
	s28 =	smov.u32 s30;
	[tilespmem:s1+$0xFFFFFFE0] =	vst v3  }
0x38c: {  	v3 =	vld [tilespmem:s0+$0x1C3C8];
	_ =	sdelay $0x4  }
0x38d: {  	[tilespmem:s1+$0xFFFFFFF0] =	vst v3  }
0x38e: {  	v3 =	vld [tilespmem:s0+$0x1C3D8];
	_ =	sdelay $0x4  }
0x38f: {  	[tilespmem:s1+$0x0] =	vst v3  }
0x390: {  	v3 =	vld [tilespmem:s0+$0x1C3E8];
	_ =	sdelay $0x1  }
.Ltmp3:
0x391: {  	(pc) =	sbr.rel @p0 .LBB2_9-.Ltmp3, $3  }
0x392: {  	_ =	sdelay $0x1  }
0x393: {  	s29 =	sadd.s32 $0x41, s29;
	[tilespmem:s1+$0x10] =	vst v3  }
0x394: {  	s30 =	sadd.s32 $0x41, s30;
	v3 =	vld [tilespmem:s29+$0x0]  }
0x395: {  	_ =	sdelay $0x2  }
0x396: {  	s0 =	sadd.s32 $0x40, s1  }
0x397: {  	s29 =	sand.u32 $0x3FFF, s28;
	[tilespmem:s0+$0xFFFFFFE0] =	vst v3  }
0x398: {  	v3 =	vld [tilespmem:s29+$0x1C3C8];
	_ =	sdelay $0x4  }
0x399: {  	[tilespmem:s0+$0xFFFFFFF0] =	vst v3  }
0x39a: {  	v3 =	vld [tilespmem:s29+$0x1C3D8];
	_ =	sdelay $0x4  }
0x39b: {  	[tilespmem:s0+$0x0] =	vst v3  }
0x39c: {  	s30 =	smul.u32 $0x50, s26;
	s25 =	sadd.s32 $0x1, s25;
	v3 =	vld [tilespmem:s29+$0x1C3E8]  }
0x39d: {  	p0 =	sne.s32 s25, $0x28  }
.Ltmp4:
0x39e: {  	s1 =	sadd.s32 s4, s30;
	(pc) =	sbr.rel @p0 .LBB2_2-.Ltmp4, $4  }
0x39f: {  	s1 =	sshll.u32 s1, $0x3  }
0x3a0: {  	s1 =	sand.u32 $0x1FFFFF80, s1  }
0x3a1: {  	s23 =	sadd.s32 $0xA0, s23;
	s24 =	sadd.s32 $0xA0, s24;
	s31 =	sadd.s32 s2, s1;
	[tilespmem:s0+$0x10] =	vst v3  }
0x3a2: {  	[hbm4b:s31+s3] =	stream.linear.scatter [tilespmem:s19], [sflag:$0x3], $0x1400, $0x38;
	[tilespmem:$0x1EC08] =	vst v63  }
0x3a3: {  	s22 =	sadd.s32 $0x1, s22  }
0x3a4: {  	p0 =	sne.s32 s22, s9  }
.Ltmp5:
0x3a5: {  	_ = 	snop;
	(pc) =	sbr.rel @p0 .LBB2_1-.Ltmp5, $4  }
0x3a6: {  	_ = 	snop  }
0x3a7: {  	_ =	swait.ge [sflag:s21], $0x1400  }
0x3a8: {  	[sflag:s21] =	ssyncset.done $0x0  }
0x3a9: {  	[sflag:s21] =	ssyncadd.s32 $0xFFFFEC00  }
0x3aa: {  	_ =	sfence.sel $0x180000  }
0x3ab: {  	[bflag:$0x0] =	sbarrier.arrive $0xFFFF  }
0x3ac: {  	_ =	strace $0x90000047  }
0x3ad: {  	s0 =	stileid.u32;
	[bflag:$0x2] =	sbarrier.arrive $0xFFFF  }
0x3ae: {  	p0 =	sne.s32 s0, $0x0;
	s0 =	rddreg [dreg:$0x2]  }
0x3af: {  	s0 =	sadd.s32 @!p0 $0x100000, s0  }
0x3b0: {  	[sflag:s0] =	ssyncadd.tile.s32 @!p0 $0x1;
	_ =	shalt  }
.Lfunc_end2:
_tile_overlayer_lowered:
.L_overlay_start_2:
0x3b1: {  	(tag) =	ssettag $0x2  }
0x3b2: {  	s0 =	rddreg [dreg:$0x0];
	s2 =	stileid.u32  }
0x3b3: {  	s1 =	rddreg [dreg:$0x1];
	p0 =	sne.s32 s2, $0x0  }
0x3b4: {  	s3 =	rddreg [dreg:$0x2];
	[bflag:$0x3] =	sbarrier.arrive $0xFFFF;
	s2 =	simm.s32 @!p0 $0x1C04  }
0x3b5: {  	[timem:s3], [sflag:s2] =	dma.local @!p0 [hbm:s0], s1  }
0x3b6: {  	s0 =	simm.s32 @!p0 $0x4  }
0x3b7: {  	_ =	swait.ge @!p0 [sflag:s0], s1  }
0x3b8: {  	s1 =	ssub.s32 @!p0 $0x0, s1;
	[sflag:s0] =	ssyncset.done @!p0 $0x0  }
0x3b9: {  	[sflag:s0] =	ssyncadd.s32 @!p0 s1  }
0x3ba: {  	[bflag:$0x3] =	sbarrier.arrive $0xFFFF  }
0x3bb: {  	_ =	shalt  }

// kernel: sparse-core-data-format-call.cloned.1.call-start
scs
called_computation_lowered:
.L_overlay_start_0:
0x0: {  	s2 =	sld [smem:$0x3FD9]  }
0x1: {  	s3 =	sld [smem:$0x3FFE];
	_ =	sdelay $0x1  }
0x2: {  	s1 =	srdreg.scid  }
0x3: {  	s0 =	sand.u32 $0x1, s1  }
0x4: {  	s18 =	sshll.u32 s0, $0xA;
	s2 =	sadd.s32 s3, s2  }
0x5: {  	s2 =	sadd.s32 s2, s18  }
0x6: {  	[smem:$0x3FC4] =	sst s2  }
0x7: {  	_ = 	snop  }
0x8: {  	s2 =	sld [smem:$0x3FD0];
	(tm) =	ssettm $0x1  }
0x9: {  	s19 =	sld [smem:$0x3FFB];
	_ =	sdelay $0x3  }
0xa: {  	_ =	strace s19  }
0xb: {  	s3 =	sld [smem:$0x3FFC];
	_ =	sdelay $0x3  }
0xc: {  	_ =	strace s3  }
0xd: {  	s3 =	sld [smem:$0x3FFD];
	_ =	sdelay $0x3  }
0xe: {  	_ =	strace s3  }
0xf: {  	_ =	strace $0x8FFFFFFF  }
0x10: {  	s20 =	sld [smem:$0x3FDB];
	_ =	sdelay $0x1  }
0x11: {  	s4 =	simm.s32 $_scs_section_size  }
0x12: {  	s5 =	simm.s32 $_size__tile_overlayer_lowered;
	s6 =	simm.s32 $_tile_overlayer_lowered  }
0x13: {  	s23 =	simm.s32 $0x1BFF;
	s22 =	sshll.u32 s6, $0x1;
	s3 =	sadd.s32 s4, s20  }
0x14: {  	s7 =	simm.s32 $0x0;
	s21 =	sshll.u32 s5, $0x1;
	s5 =	sadd.s32 s22, s3  }
0x15: {  	[timem:s7], [sflag:s23] =	dma.local [hbm:s5], s21  }
0x16: {  	_ =	swait.ge [sflag:s23], s21  }
0x17: {  	s4 =	ssub.s32 $0x0, s21;
	[sflag:s23] =	ssyncset.done $0x0  }
0x18: {  	[sflag:s23] =	ssyncadd.s32 s4;
	_ =	sdelay $0x1  }
0x19: {  	s24 =	simm.s32 $0x1B8B  }
0x1a: {  	_ =	swait.ge [sflag:s24], $0x1  }
0x1b: {  	[sflag:s24] =	ssyncset.done $0x0  }
0x1c: {  	s26 =	simm.s32 $0x1B8E;
	s25 =	sld [smem:$0x3FFE];
	[sflag:s24] =	ssyncadd.s32 $0xFFFFFFFF  }
0x1d: {  	s27 =	simm.s32 $execute0_lowered;
	[smem:$0x3FD2] =	sst s26  }
0x1e: {  	s5 =	sshll.u32 s27, $0x1;
	_ =	strace $0x80000049;
	[dreg:$0x1] =	wrdreg $0xFFFFFFFF  }
0x1f: {  	s28 =	simm.s32 $_size_execute0_lowered;
	s3 =	sadd.s32 s3, s5;
	[dreg:$0x0] =	wrdreg $0x0  }
0x20: {  	s5 =	sshll.u32 s28, $0x1;
	[dreg:$0x2] =	wrdreg s3  }
0x21: {  	[dreg:$0x3] =	wrdreg s5  }
0x22: {  	[dreg:$0x4] =	wrdreg $0xC0  }
0x23: {  	_ =	task [dreg:s7], $0x5FFFF  }
0x24: {  	[dreg:$0x1] =	wrdreg $0xFFFFFFFF  }
0x25: {  	[dreg:$0x0] =	wrdreg $0x60  }
0x26: {  	[dreg:$0x2] =	wrdreg s25  }
0x27: {  	[dreg:$0x3] =	wrdreg s2  }
0x28: {  	[dreg:$0x4] =	wrdreg $0x9  }
0x29: {  	_ =	task.clear_ibuf [dreg:s7], $0x5FFFF;
	_ =	strace $0x90000049  }
0x2a: {  	s29 =	simm.s32 $0x9;
	_ =	strace $0x8000004B  }
0x2b: {  	_ =	swait.ge [sflag:s29], $0x1  }
0x2c: {  	[sflag:s29] =	ssyncadd.s32 $0xFFFFFFFF  }
0x2d: {  	_ =	strace $0x9000004B  }
0x2e: {  	_ =	sfence  }
0x2f: {  	s30 =	sld [smem:$0x0];
	_ =	sdelay $0x2  }
0x30: {  	s31 =	sshll.u32 s1, $0xD;
	s1 =	sshrl.u32 s1, $0x2  }
0x31: {  	s3 =	sand.u32 $0x4000, s31;
	s1 =	sadd.s32 s1, s30  }
0x32: {  	s0 =	sor.u32 s3, s0;
	s1 =	sshll.u32 s1, $0x11  }
0x33: {  	s0 =	sor.u32 s1, s0  }
0x34: {  	s0 =	sadd.s32 $0x8F2B, s0  }
0x35: {  	[sflag:s0] =	ssyncadd.remote.s32 $0x1  }
0x36: {  	_ =	sfence.sel $0xFFFF  }
0x37: {  	[dreg:$0x0] =	wrdreg $0xFFFFFFFF;
	(pc) =	sbr.abs _section_cstart, $3  }
0x38: {  	[dreg:$0x1] =	wrdreg $0xFFFFFFFF  }
0x39: {  	_ =	task.clear_ibuf [dreg:s7], $0x2FFFF;
	_ =	strace $0x9FFFFFFF  }
0x3a: {  	(tm) =	ssettm $0x7FFFFFFF  }
0x3b: {  	_ =	shalt  }
tec
execute0_lowered:
.L_overlay_start_1:
0x0: {  	(tag) =	ssettag $0x1  }
0x1: {  	s0 =	stileid.u32;
	s6 =	rddreg [dreg:$0x0]  }
0x2: {  	s2 =	rddreg [dreg:$0x1];
	s5 =	srdreg.scid  }
0x3: {  	s31 =	simm.s32 $0x2;
	s13 =	simm.s32 $0x0;
	s1 =	sshll.u32 s0, $0x7  }
0x4: {  	s14 =	simm.s32 $0x0;
	s12 =	simm.s32 $0x0;
	s3 =	sand.u32 $0x380, s1  }
0x5: {  	s5 =	sshll.u32 s5, $0x4;
	s6 =	sadd.s32 $0x1800, s6;
	s4 =	ssub.s32 $0x400, s3  }
0x6: {  	s1 =	rddreg [dreg:$0x2];
	_ =	strace $0x8000004A;
	s7 =	sand.u32 $0x380, s4  }
0x7: {  	s5 =	sand.u32 $0x10, s5;
	p0 =	sne.s32 s7, $0x0;
	s7 =	simm.s32 $0x1  }
.Ltmp0:
0x8: {  	s8 =	sshrl.u32 s4, $0xA;
	s7 =	simm.s32 @!p0 $0x0;
	(pc) =	sbr.rel .LBB1_1-.Ltmp0, $4  }
0x9: {  	s9 =	sor.u32 s0, s5;
	s4 =	simm.s32 $0x1;
	s30 =	sadd.s32 s7, s8  }
0xa: {  	s11 =	smov.u32 s3;
	[sflag:s4] =	ssyncpa.u1 $0x0;
	s5 =	smul.u32 $0x32, s30  }
0xb: {  	[sflag:s31] =	ssyncpa.u1 $0x0;
	p0 =	por $0x0, $0x0;
	s7 =	sshrl.u32 s9, $0x3  }
0xc: {  	s9 =	simm.s32 $0x2000;
	s10 =	smov.u32 s7;
	s8 =	sor.u32 $0x1, s5  }
.LBB1_4:
0xd: {  	s17 =	sand.u32 $0x1F80, s14;
	s13 =	sshll.u32 s13, $0xD  }
0xe: {  	[tilespmem:s16+$0x810 ss:$0x81] =	vst.msk $0xffff, v2;
	s18 =	sshrl.u32 s14, $0x3;
	s31 =	sand.u32 $0x7, s14;
	s17 =	sadd.s32 s2, s17  }
0xf: {  	[tilespmem:s16+$0x1020 ss:$0x81] =	vst.msk $0xffff, v0;
	s18 =	sand.u32 $0xF, s18;
	s14 =	sshll.u32 s31, $0x12;
	s13 =	sadd.s32 s13, s17  }
0x10: {  	[tilespmem:s16+$0x0 ss:$0x81] =	vst.msk $0xffff, v1;
	s14 =	sor.u32 $0x400, s14;
	s13 =	sadd.s32 s18, s13  }
0x11: {  	[hbm4b:s13+s14] =	stream.strided.scatter [tilespmem:s15], [sflag:$0x2], $0x2000, s9, s14, $0x20;
	[tilespmem:$0x8080] =	vst v63  }
.LBB1_5:
0x12: {  	s15 =	sadd.s32 $0x4, s10  }
0x13: {  	s13 =	sadd.s32 $0x400, s11;
	s17 =	smov.u32 s11;
	p2 =	sgt.s32 s15, $0xC7  }
0x14: {  	s17 =	smov.u32 @p2 s13  }
0x15: {  	s15 =	smov.u32 @p2 s7;
	p2 =	sgt.s32 s17, $0x3FF  }
0x16: {  	s17 =	smov.u32 @p2 s3;
	p2 =	sne.s32 s12, s8  }
.Ltmp1:
0x17: {  	p1 =	slt.u32 s12, $0x2;
	(pc) =	sbr.rel @!p2 .LBB1_6-.Ltmp1, $4  }
0x18: {  	s16 =	simm.s32 @!p1 $0x2  }
0x19: {  	s14 =	smov.u32 s11;
	p0 =	por !p0, !p0;
	_ =	swait.ge @!p1 [sflag:s16], $0x2000  }
0x1a: {  	s13 =	smov.u32 s10;
	[sflag:s16] =	ssyncset.done @!p1 $0x0;
	s10 =	smov.u32 s15  }
0x1b: {  	s12 =	sadd.s32 $0x1, s12;
	[sflag:s16] =	ssyncadd.s32 @!p1 $0xFFFFE000;
	s11 =	smov.u32 s17  }
.LBB1_1:
0x1c: {  	p1 =	sge.u32 s12, s5  }
0x1d: {  	s15 =	sand.u32 @!p1 $0x1FFFFFF, s10  }
0x1e: {  	s16 =	smulhi.u32 @!p1 $0x147AE15, s15;
	_ =	sdelay $0x1  }
0x1f: {  	s16 =	smul.u32 @!p1 $0xC8, s16  }
0x20: {  	s17 =	sxor.u32 @!p1 $0xFFFFFFFF, s12;
	s18 =	smul.u32 @!p1 $0xC80, s11  }
0x21: {  	s31 =	sadd.s32 $0xFFFFFFFF, s12;
	s17 =	sshll.u32 @!p1 s17, $0xD;
	s15 =	ssub.s32 @!p1 s15, s16  }
0x22: {  	s16 =	sand.u32 @!p1 $0x2000, s17;
	s17 =	sadd.s32 @!p1 s6, s18;
	s15 =	sshll.u32 @!p1 s15, $0x4  }
0x23: {  	s18 =	simm.s32 @!p1 $0x6400;
	s15 =	sadd.s32 @!p1 s15, s17;
	s17 =	simm.s32 @!p1 $0x40  }
0x24: {  	[tilespmem:s16], [sflag:$0x1] =	stream.strided.gather @!p1 [hbm4b:s15+s17], $0x2000, s18, s17, $0x38;
	[tilespmem:$0x8080] =	vst v63  }
0x25: {  	p1 =	sge.u32 s31, s5  }
.Ltmp2:
0x26: {  	_ = 	snop;
	(pc) =	sbr.rel @p1 .LBB1_5-.Ltmp2, $1  }
0x27: {  	_ =	sdelay $0x3  }
0x28: {  	s15 =	simm.s32 $0x1  }
0x29: {  	_ =	swait.ge [sflag:s4], $0x2000;
	s15 =	simm.s32 @!p0 $0x0  }
0x2a: {  	[sflag:s4] =	ssyncset.done $0x0;
	s16 =	sshll.u32 s15, $0xD  }
0x2b: {  	[sflag:s4] =	ssyncadd.s32 $0xFFFFE000;
	s19 =	sor.u32 $0x20, s16  }
0x2c: {  	s15 =	smul.u32 $0x8100, s15;
	v3 =	vld [tilespmem:s19+$0x10]  }
0x2d: {  	s30 =	sand.u32 $0x1, s12;
	v2 =	vld [tilespmem:s19+$0xFFFFFFF0]  }
0x2e: {  	s16 =	smul.u32 $0x8100, s30;
	s15 =	sshrl.u32 s15, $0x2;
	v0 =	vld [tilespmem:s19+$0x0]  }
0x2f: {  	v1 =	vld [tilespmem:s19+$0xFFFFFFE0];
	s17 =	sor.u32 $0x4000, s15  }
0x30: {  	s31 =	sshrl.u32 s16, $0x2;
	s16 =	sadd.s32 $0x0, s17  }
0x31: {  	s18 =	simm.s32 $0x4;
	s19 =	sadd.s32 $0x40, s19;
	s15 =	sor.u32 $0x4000, s31;
	[tilespmem:s16+$0x1830 ss:$0x81] =	vst.msk $0xffff, v3  }
.LBB1_3:
0x32: {  	v3 =	vld [tilespmem:s19+$0x10];
	p1 =	sne.s32 s18, $0x1FC;
	[tilespmem:s16+$0x810 ss:$0x81] =	vst.msk $0xffff, v2;
	s20 =	smov.u32 s18;
	s18 =	sadd.s32 $0x4, s18  }
.Ltmp3:
0x33: {  	v2 =	vld [tilespmem:s19+$0xFFFFFFF0];
	[tilespmem:s16+$0x1020 ss:$0x81] =	vst.msk $0xffff, v0;
	(pc) =	sbr.rel @p1 .LBB1_3-.Ltmp3, $4  }
0x34: {  	v0 =	vld [tilespmem:s19+$0x0];
	[tilespmem:s16+$0x0 ss:$0x81] =	vst.msk $0xffff, v1  }
0x35: {  	s16 =	sshra.s32 s20, $0x2;
	v1 =	vld [tilespmem:s19+$0xFFFFFFE0]  }
0x36: {  	s16 =	sadd.s32 s16, s17  }
0x37: {  	s19 =	sadd.s32 $0x40, s19;
	[tilespmem:s16+$0x1830 ss:$0x81] =	vst.msk $0xffff, v3  }
.Ltmp4:
0x38: {  	_ = 	snop;
	(pc) =	sbr.rel .LBB1_4-.Ltmp4, $1  }
0x39: {  	_ =	sdelay $0x3  }
.LBB1_6:
0x3a: {  	_ =	sfence.sel $0x180000  }
0x3b: {  	s2 =	simm.s32 $0x1;
	[bflag:$0x0] =	sbarrier.arrive $0xFFFF  }
0x3c: {  	s31 =	simm.s32 $0x2;
	[sflag:s2] =	ssyncpa.u1 $0x1  }
0x3d: {  	[sflag:s31] =	ssyncpa.u1 $0x1  }
0x3e: {  	p0 =	sne.s32 s0, $0x0;
	_ =	strace $0x9000004A  }
0x3f: {  	s0 =	sadd.s32 @!p0 $0x100000, s1;
	[bflag:$0x2] =	sbarrier.arrive $0xFFFF  }
0x40: {  	[sflag:s0] =	ssyncadd.tile.s32 @!p0 $0x1;
	_ =	shalt  }
.Lfunc_end1:
_tile_overlayer_lowered:
.L_overlay_start_2:
0x41: {  	(tag) =	ssettag $0x2  }
0x42: {  	s0 =	rddreg [dreg:$0x0];
	s2 =	stileid.u32  }
0x43: {  	s1 =	rddreg [dreg:$0x1];
	p0 =	sne.s32 s2, $0x0  }
0x44: {  	s3 =	rddreg [dreg:$0x2];
	[bflag:$0x3] =	sbarrier.arrive $0xFFFF;
	s2 =	simm.s32 @!p0 $0x1C01  }
0x45: {  	[timem:s3], [sflag:s2] =	dma.local @!p0 [hbm:s0], s1  }
0x46: {  	s0 =	simm.s32 @!p0 $0x1  }
0x47: {  	_ =	swait.ge @!p0 [sflag:s0], s1  }
0x48: {  	s1 =	ssub.s32 @!p0 $0x0, s1;
	[sflag:s0] =	ssyncset.done @!p0 $0x0  }
0x49: {  	[sflag:s0] =	ssyncadd.s32 @!p0 s1  }
0x4a: {  	[bflag:$0x3] =	sbarrier.arrive $0xFFFF  }
0x4b: {  	_ =	shalt  }

</sc_bundles>
